<compile_context>
chip_gen: v7x
topology: tpu7x:2x2x1
jax: 0.10.2.dev20260603
libtpu: 0.0.44.dev20260713+nightly
codegen_flags: <defaults>
</compile_context>

<pallas_src>
import jax
import jax.numpy as jnp
from jax import lax
from jax.experimental import pallas as pl
from jax.experimental.pallas import tpu as pltpu
from jax.experimental.pallas import tpu_sc as plsc

_B, _C, _H, _W = 24, 112, 32, 88
_NPIX = _B * _H * _W
_NROW = _B * _H

_NC, _NS, _L = 2, 16, 16
_NW = _NC * _NS
_ROWS_W = 16
_PIX_W = _ROWS_W * _W
_SC_PIX = _PIX_W * _NW
_CHUNK_ROWS = 2
_CHUNK = _CHUNK_ROWS * _W
_NCHUNK = _PIX_W // _CHUNK
_RING = 4
_G0 = (0, 16, 32, 48, 64, 72)

_TC_PIX = _NPIX - _SC_PIX
_TC_GRID = 4
_TC_ROWS = (_NROW - _SC_PIX // _W) // _TC_GRID
_TC_BLK = _TC_ROWS * _W
_SC_ROWBLK = _SC_PIX // _W // _TC_ROWS

_LN2 = 0.6931471805599453
_SQRT2 = 1.4142135623730951


def _log_f32(x):
    bits = lax.bitcast_convert_type(x, jnp.int32)
    e = (bits >> 23) - 127
    m = lax.bitcast_convert_type(
        (bits & 0x007FFFFF) | 0x3F800000, jnp.float32)
    big = m > _SQRT2
    m = jnp.where(big, m * 0.5, m)
    e_f = e.astype(jnp.float32) + jnp.where(big, 1.0, 0.0)
    t = (m - 1.0) / (m + 1.0)
    t2 = t * t
    p = 2.0 + t2 * (2.0 / 3.0 + t2 * (0.4 + t2 * (2.0 / 7.0 + t2 * (2.0 / 9.0))))
    return e_f * _LN2 + t * p


def _sc_body(pred_hbm, gt_hbm, vm_hbm, out_hbm,
             gt_v, vm_v, blk_a, blk_b, blk_c, blk_d, stage_v,
             sem_a, sem_b, sem_c, sem_d):
    wid = lax.axis_index("s") * _NC + lax.axis_index("c")
    rowbase = wid * _ROWS_W
    pixbase = wid * _PIX_W

    pltpu.sync_copy(gt_hbm.at[pl.ds(rowbase, _ROWS_W)], gt_v)
    pltpu.sync_copy(vm_hbm.at[pl.ds(rowbase, _ROWS_W)], vm_v)

    lane = lax.iota(jnp.int32, _L)
    bufs = (blk_a, blk_b, blk_c, blk_d)
    sems = (sem_a, sem_b, sem_c, sem_d)

    def _copy(j, b):
        return pltpu.make_async_copy(
            pred_hbm.at[pl.ds(pixbase + j * _CHUNK, _CHUNK)],
            bufs[b], sems[b])

    for b in range(_RING):
        _copy(b, b).start()

    zero = jnp.zeros((_L,), jnp.float32)

    def _round(p, carry):
        ls, vs = carry
        for b in range(_RING):
            j = _RING * p + b
            _copy(j, b).wait()

            def _row(ri, carry):
                ls, vs = carry
                g_row = j * _CHUNK_ROWS + ri
                for gi, w0 in enumerate(_G0):
                    p_loc = ri * _W + w0 + lane
                    g = gt_v[g_row, pl.ds(w0, _L)]
                    bin_ = jnp.minimum(jnp.maximum(2 * g - 2, 0), _C - 1)
                    x = plsc.load_gather(bufs[b], [p_loc, bin_]) + 1e-8
                    vm = vm_v[g_row, pl.ds(w0, _L)]
                    if gi == len(_G0) - 1:
                        vm = jnp.where(lane >= 8, vm, 0.0)
                    ls = ls + vm * _log_f32(x)
                    vs = vs + vm
                return ls, vs

            ls, vs = lax.fori_loop(0, _CHUNK_ROWS, _row, (ls, vs))

            @pl.when(j + _RING < _NCHUNK)
            def _():
                _copy(j + _RING, b).start()
        return ls, vs

    ls, vs = lax.fori_loop(0, _NCHUNK // _RING, _round, (zero, zero))

    stage_v[pl.ds(0, _L)] = ls
    pltpu.sync_copy(stage_v, out_hbm.at[0, wid])
    stage_v[pl.ds(0, _L)] = vs
    pltpu.sync_copy(stage_v, out_hbm.at[1, wid])


_sc_call = pl.kernel(
    _sc_body,
    out_type=jax.ShapeDtypeStruct((2, _NW, _L), jnp.float32),
    mesh=plsc.VectorSubcoreMesh(
        core_axis_name="c", subcore_axis_name="s",
        num_cores=_NC, num_subcores=_NS),
    compiler_params=pltpu.CompilerParams(needs_layout_passes=False),
    scratch_types=[
        pltpu.VMEM((_ROWS_W, _W), jnp.int32),
        pltpu.VMEM((_ROWS_W, _W), jnp.float32),
        pltpu.VMEM((_CHUNK, _C), jnp.float32),
        pltpu.VMEM((_CHUNK, _C), jnp.float32),
        pltpu.VMEM((_CHUNK, _C), jnp.float32),
        pltpu.VMEM((_CHUNK, _C), jnp.float32),
        pltpu.VMEM((_L,), jnp.float32),
        pltpu.SemaphoreType.DMA,
        pltpu.SemaphoreType.DMA,
        pltpu.SemaphoreType.DMA,
        pltpu.SemaphoreType.DMA,
    ],
)


def _tc_body(pred_ref, gt_ref, vm_ref, out_ref):
    p3 = pred_ref[...].reshape(_TC_ROWS, _W, _C)
    g = gt_ref[...]
    vm = vm_ref[...]
    bins = jnp.minimum(jnp.maximum(2 * g - 2, 0), _C - 1)
    chan = lax.broadcasted_iota(jnp.int32, (_TC_ROWS, _W, _C), 2)
    v = jnp.sum(jnp.where(chan == bins[:, :, None], p3, 0.0), axis=2) + 1e-8
    ls = jnp.sum(vm * jnp.log(v))
    vs = jnp.sum(vm)
    lanes = lax.broadcasted_iota(jnp.int32, (1, 128), 1)
    row = jnp.where(lanes == 0, ls, jnp.where(lanes == 1, vs, 0.0))
    out_ref[pl.ds(pl.program_id(0), 1), :] = row


_tc_call = pl.pallas_call(
    _tc_body,
    grid=(_TC_GRID,),
    in_specs=[
        pl.BlockSpec((_TC_BLK, _C), lambda i: (_SC_PIX // _TC_BLK + i, 0)),
        pl.BlockSpec((_TC_ROWS, _W), lambda i: (_SC_ROWBLK + i, 0)),
        pl.BlockSpec((_TC_ROWS, _W), lambda i: (_SC_ROWBLK + i, 0)),
    ],
    out_specs=pl.BlockSpec((_TC_GRID, 128), lambda i: (0, 0)),
    out_shape=jax.ShapeDtypeStruct((_TC_GRID, 128), jnp.float32),
)


@jax.jit
def kernel(pred_depth, gt_depth_map, valid_mask):
    table = pred_depth.transpose(0, 2, 3, 1).reshape(_NPIX, _C)
    gt2 = gt_depth_map.reshape(_NROW, _W).astype(jnp.int32)
    vm2 = valid_mask.reshape(_NROW, _W)
    sc_parts = _sc_call(table, gt2, vm2)
    tc_parts = _tc_call(table, gt2, vm2)
    neg_wsum = jnp.sum(sc_parts[0]) + jnp.sum(tc_parts[:, 0])
    vm_sum = jnp.sum(sc_parts[1]) + jnp.sum(tc_parts[:, 1])
    weighted = -neg_wsum / jnp.maximum(vm_sum, 1e-12)
    return jnp.where(vm_sum > 0, weighted, jnp.float32(0.0))

# --- scband reference (transcript-rebuilt; emitter-appended) ---
"""Pipeline reference for scband-depth-supervision-loss-62869731279381 (READ-ONLY COPY).

The authoritative reference and input builder live on the scoring server;
editing this copy changes nothing except your own understanding.
"""

import jax, jax.numpy as jnp
import numpy as np

DEPTH_MIN = 1.0
DEPTH_MAX = 57.0
DEPTH_CHANNELS = 112


def setup_inputs(seed: int = 0) -> dict:
    key = jax.random.key(seed)
    k1, k2, k3 = jax.random.split(key, 3)
    pred_depth = jax.random.uniform(k1, (24, 112, 32, 88), dtype=jnp.float32)
    gt_depth_map = jax.random.randint(k2, (24, 32, 88), 0, 57).astype(jnp.int32)
    valid_mask = jax.random.uniform(k3, (24, 32, 88), dtype=jnp.float32)
    return {"pred_depth": pred_depth, "gt_depth_map": gt_depth_map, "valid_mask": valid_mask}


def reference(pred_depth, gt_depth_map, valid_mask):
    bin_size = (DEPTH_MAX - DEPTH_MIN) / DEPTH_CHANNELS
    gt_bins = ((gt_depth_map.astype(jnp.float32) - DEPTH_MIN) / bin_size).astype(jnp.int32)
    gt_bins = jnp.clip(gt_bins, 0, DEPTH_CHANNELS - 1)
    # scatter 1.0 into the depth-channel axis (one-hot along axis 1)
    gt_onehot = jax.nn.one_hot(gt_bins, DEPTH_CHANNELS, axis=1, dtype=pred_depth.dtype)
    log_pred = jnp.log(pred_depth + 1e-08)
    loss = -(gt_onehot * log_pred).sum(axis=1)
    vm_sum = valid_mask.sum()
    weighted = (loss * valid_mask).sum() / jnp.maximum(vm_sum, 1e-12)
    fallback = loss.mean() * 0.0
    return jnp.where(vm_sum > 0, weighted, fallback)

if __name__ == "__main__":
    import jax
    _d = setup_inputs()
    print(jax.jit(kernel)(*tuple(_d.values())))

</pallas_src>

<mosaic_0001>
#map = affine_map<(d0, d1) -> (0, 0)>
#map1 = affine_map<(d0, d1) -> (0, 0, 0)>
module attributes {stable_mosaic.version = 14 : i64} {
  func.func @_sc_body(%arg0: i32, %arg1: i32, %arg2: memref<67584x112xf32, #tpu.memory_space<hbm>>, %arg3: memref<768x88xi32, #tpu.memory_space<hbm>>, %arg4: memref<768x88xf32, #tpu.memory_space<hbm>>, %arg5: memref<2x32x16xf32, #tpu.memory_space<hbm>>, %arg6: memref<16x88xi32, #tpu.memory_space<vmem>>, %arg7: memref<16x88xf32, #tpu.memory_space<vmem>>, %arg8: memref<176x112xf32, #tpu.memory_space<vmem>>, %arg9: memref<176x112xf32, #tpu.memory_space<vmem>>, %arg10: memref<176x112xf32, #tpu.memory_space<vmem>>, %arg11: memref<176x112xf32, #tpu.memory_space<vmem>>, %arg12: memref<16xf32, #tpu.memory_space<vmem>>, %arg13: memref<!tpu.dma_semaphore, #tpu.memory_space<semaphore_mem>>, %arg14: memref<!tpu.dma_semaphore, #tpu.memory_space<semaphore_mem>>, %arg15: memref<!tpu.dma_semaphore, #tpu.memory_space<semaphore_mem>>, %arg16: memref<!tpu.dma_semaphore, #tpu.memory_space<semaphore_mem>>) attributes {dimension_semantics = [#tpu.dimension_semantics<core_parallel>, #tpu.dimension_semantics<subcore_parallel>], iteration_bounds = array<i64: 2, 16>, scalar_prefetch = 0 : i64, scratch_operands = 11 : i64, tpu.core_type = #tpu.core_type<sc_vector_subcore>, window_params = [{transform_indices = #map}, {transform_indices = #map}, {transform_indices = #map}, {transform_indices = #map1}]} {
    %mul3A = arith.constant 2 : i32
    %mul3A_0 = arith.muli %arg1, %mul3A : i32
    %add3A = arith.addi %mul3A_0, %arg0 : i32
    %mul3A_1 = arith.constant 16 : i32
    %mul3A_2 = arith.muli %add3A, %mul3A_1 : i32
    %mul3A_3 = arith.constant 1408 : i32
    %mul3A_4 = arith.muli %add3A, %mul3A_3 : i32
    "tpu.region"() ({
      %run_scoped3A_38 = tpu.sem_alloc : memref<!tpu.dma_semaphore, #tpu.memory_space<semaphore_mem>>
      %dma_start3A_39 = arith.constant 0 : i32
      %dma_start3A_40 = tpu.memref_slice %arg3[%mul3A_2, %dma_start3A_39] : memref<768x88xi32, #tpu.memory_space<hbm>> -> memref<16x88xi32, #tpu.memory_space<hbm>>
      %dma_start3A_41 = arith.constant 0 : i32
      %dma_start3A_42 = tpu.memref_slice %arg3[%mul3A_2, %dma_start3A_41] : memref<768x88xi32, #tpu.memory_space<hbm>> -> memref<16x88xi32, #tpu.memory_space<hbm>>
      tpu.enqueue_dma source(%dma_start3A_42 : memref<16x88xi32, #tpu.memory_space<hbm>>) target(%arg6 : memref<16x88xi32, #tpu.memory_space<vmem>>) target_semaphore(%run_scoped3A_38 : memref<!tpu.dma_semaphore, #tpu.memory_space<semaphore_mem>>)
      %dma_wait3A = arith.constant 0 : i32
      %dma_wait3A_43 = tpu.memref_slice %arg3[%mul3A_2, %dma_wait3A] : memref<768x88xi32, #tpu.memory_space<hbm>> -> memref<16x88xi32, #tpu.memory_space<hbm>>
      %dma_wait3A_44 = arith.constant 0 : i32
      %dma_wait3A_45 = tpu.memref_slice %arg3[%mul3A_2, %dma_wait3A_44] : memref<768x88xi32, #tpu.memory_space<hbm>> -> memref<16x88xi32, #tpu.memory_space<hbm>>
      tpu.wait_dma2 semaphore(%run_scoped3A_38 : memref<!tpu.dma_semaphore, #tpu.memory_space<semaphore_mem>>) src(%dma_wait3A_45 : memref<16x88xi32, #tpu.memory_space<hbm>>) dst(%arg6 : memref<16x88xi32, #tpu.memory_space<vmem>>)
      tpu.yield
    }) : () -> ()
    "tpu.region"() ({
      %run_scoped3A_38 = tpu.sem_alloc : memref<!tpu.dma_semaphore, #tpu.memory_space<semaphore_mem>>
      %dma_start3A_39 = arith.constant 0 : i32
      %dma_start3A_40 = tpu.memref_slice %arg4[%mul3A_2, %dma_start3A_39] : memref<768x88xf32, #tpu.memory_space<hbm>> -> memref<16x88xf32, #tpu.memory_space<hbm>>
      %dma_start3A_41 = arith.constant 0 : i32
      %dma_start3A_42 = tpu.memref_slice %arg4[%mul3A_2, %dma_start3A_41] : memref<768x88xf32, #tpu.memory_space<hbm>> -> memref<16x88xf32, #tpu.memory_space<hbm>>
      tpu.enqueue_dma source(%dma_start3A_42 : memref<16x88xf32, #tpu.memory_space<hbm>>) target(%arg7 : memref<16x88xf32, #tpu.memory_space<vmem>>) target_semaphore(%run_scoped3A_38 : memref<!tpu.dma_semaphore, #tpu.memory_space<semaphore_mem>>)
      %dma_wait3A = arith.constant 0 : i32
      %dma_wait3A_43 = tpu.memref_slice %arg4[%mul3A_2, %dma_wait3A] : memref<768x88xf32, #tpu.memory_space<hbm>> -> memref<16x88xf32, #tpu.memory_space<hbm>>
      %dma_wait3A_44 = arith.constant 0 : i32
      %dma_wait3A_45 = tpu.memref_slice %arg4[%mul3A_2, %dma_wait3A_44] : memref<768x88xf32, #tpu.memory_space<hbm>> -> memref<16x88xf32, #tpu.memory_space<hbm>>
      tpu.wait_dma2 semaphore(%run_scoped3A_38 : memref<!tpu.dma_semaphore, #tpu.memory_space<semaphore_mem>>) src(%dma_wait3A_45 : memref<16x88xf32, #tpu.memory_space<hbm>>) dst(%arg7 : memref<16x88xf32, #tpu.memory_space<vmem>>)
      tpu.yield
    }) : () -> ()
    %iota3A = tpu.iota {dimensions = array<i32: 0>} : vector<16xi32>
    %add3A_5 = arith.constant 0 : i32
    %add3A_6 = arith.addi %mul3A_4, %add3A_5 : i32
    %dma_start3A = arith.constant 0 : i32
    %dma_start3A_7 = tpu.memref_slice %arg2[%add3A_6, %dma_start3A] : memref<67584x112xf32, #tpu.memory_space<hbm>> -> memref<176x112xf32, #tpu.memory_space<hbm>>
    %dma_start3A_8 = arith.constant 0 : i32
    %dma_start3A_9 = tpu.memref_slice %arg2[%add3A_6, %dma_start3A_8] : memref<67584x112xf32, #tpu.memory_space<hbm>> -> memref<176x112xf32, #tpu.memory_space<hbm>>
    tpu.enqueue_dma source(%dma_start3A_9 : memref<176x112xf32, #tpu.memory_space<hbm>>) target(%arg8 : memref<176x112xf32, #tpu.memory_space<vmem>>) target_semaphore(%arg13 : memref<!tpu.dma_semaphore, #tpu.memory_space<semaphore_mem>>)
    %add3A_10 = arith.constant 176 : i32
    %add3A_11 = arith.addi %mul3A_4, %add3A_10 : i32
    %dma_start3A_12 = arith.constant 0 : i32
    %dma_start3A_13 = tpu.memref_slice %arg2[%add3A_11, %dma_start3A_12] : memref<67584x112xf32, #tpu.memory_space<hbm>> -> memref<176x112xf32, #tpu.memory_space<hbm>>
    %dma_start3A_14 = arith.constant 0 : i32
    %dma_start3A_15 = tpu.memref_slice %arg2[%add3A_11, %dma_start3A_14] : memref<67584x112xf32, #tpu.memory_space<hbm>> -> memref<176x112xf32, #tpu.memory_space<hbm>>
    tpu.enqueue_dma source(%dma_start3A_15 : memref<176x112xf32, #tpu.memory_space<hbm>>) target(%arg9 : memref<176x112xf32, #tpu.memory_space<vmem>>) target_semaphore(%arg14 : memref<!tpu.dma_semaphore, #tpu.memory_space<semaphore_mem>>)
    %add3A_16 = arith.constant 352 : i32
    %add3A_17 = arith.addi %mul3A_4, %add3A_16 : i32
    %dma_start3A_18 = arith.constant 0 : i32
    %dma_start3A_19 = tpu.memref_slice %arg2[%add3A_17, %dma_start3A_18] : memref<67584x112xf32, #tpu.memory_space<hbm>> -> memref<176x112xf32, #tpu.memory_space<hbm>>
    %dma_start3A_20 = arith.constant 0 : i32
    %dma_start3A_21 = tpu.memref_slice %arg2[%add3A_17, %dma_start3A_20] : memref<67584x112xf32, #tpu.memory_space<hbm>> -> memref<176x112xf32, #tpu.memory_space<hbm>>
    tpu.enqueue_dma source(%dma_start3A_21 : memref<176x112xf32, #tpu.memory_space<hbm>>) target(%arg10 : memref<176x112xf32, #tpu.memory_space<vmem>>) target_semaphore(%arg15 : memref<!tpu.dma_semaphore, #tpu.memory_space<semaphore_mem>>)
    %add3A_22 = arith.constant 528 : i32
    %add3A_23 = arith.addi %mul3A_4, %add3A_22 : i32
    %dma_start3A_24 = arith.constant 0 : i32
    %dma_start3A_25 = tpu.memref_slice %arg2[%add3A_23, %dma_start3A_24] : memref<67584x112xf32, #tpu.memory_space<hbm>> -> memref<176x112xf32, #tpu.memory_space<hbm>>
    %dma_start3A_26 = arith.constant 0 : i32
    %dma_start3A_27 = tpu.memref_slice %arg2[%add3A_23, %dma_start3A_26] : memref<67584x112xf32, #tpu.memory_space<hbm>> -> memref<176x112xf32, #tpu.memory_space<hbm>>
    tpu.enqueue_dma source(%dma_start3A_27 : memref<176x112xf32, #tpu.memory_space<hbm>>) target(%arg11 : memref<176x112xf32, #tpu.memory_space<vmem>>) target_semaphore(%arg16 : memref<!tpu.dma_semaphore, #tpu.memory_space<semaphore_mem>>)
    %broadcast_in_dim3A = arith.constant 0.000000e+00 : f32
    %broadcast_in_dim3A_28 = vector.broadcast %broadcast_in_dim3A : f32 to vector<16xf32>
    %scan3A = arith.constant 0 : i32
    %scan3A_29 = arith.constant 2 : i32
    %scan3A_30 = arith.addi %scan3A, %scan3A_29 : i32
    %scan3A_31 = arith.constant 1 : i32
    %scan3A_32:2 = scf.for %scan3A_38 = %scan3A to %scan3A_30 step %scan3A_31 iter_args(%scan3A_39 = %broadcast_in_dim3A_28, %scan3A_40 = %broadcast_in_dim3A_28) -> (vector<16xf32>, vector<16xf32>)  : i32 {
      %mul3A_41 = arith.constant 4 : i32
      %mul3A_42 = arith.muli %mul3A_41, %scan3A_38 : i32
      %add3A_43 = arith.constant 0 : i32
      %add3A_44 = arith.addi %mul3A_42, %add3A_43 : i32
      %mul3A_45 = arith.constant 176 : i32
      %mul3A_46 = arith.muli %add3A_44, %mul3A_45 : i32
      %add3A_47 = arith.addi %mul3A_4, %mul3A_46 : i32
      %dma_wait3A = arith.constant 0 : i32
      %dma_wait3A_48 = tpu.memref_slice %arg2[%add3A_47, %dma_wait3A] : memref<67584x112xf32, #tpu.memory_space<hbm>> -> memref<176x112xf32, #tpu.memory_space<hbm>>
      %dma_wait3A_49 = arith.constant 0 : i32
      %dma_wait3A_50 = tpu.memref_slice %arg2[%add3A_47, %dma_wait3A_49] : memref<67584x112xf32, #tpu.memory_space<hbm>> -> memref<176x112xf32, #tpu.memory_space<hbm>>
      tpu.wait_dma2 semaphore(%arg13 : memref<!tpu.dma_semaphore, #tpu.memory_space<semaphore_mem>>) src(%dma_wait3A_50 : memref<176x112xf32, #tpu.memory_space<hbm>>) dst(%arg8 : memref<176x112xf32, #tpu.memory_space<vmem>>)
      %scan3A_51 = arith.constant 0 : i32
      %scan3A_52 = arith.constant 2 : i32
      %scan3A_53 = arith.addi %scan3A_51, %scan3A_52 : i32
      %scan3A_54 = arith.constant 1 : i32
      %scan3A_55:2 = scf.for %scan3A_133 = %scan3A_51 to %scan3A_53 step %scan3A_54 iter_args(%scan3A_134 = %scan3A_39, %scan3A_135 = %scan3A_40) -> (vector<16xf32>, vector<16xf32>)  : i32 {
        %mul3A_136 = arith.constant 2 : i32
        %mul3A_137 = arith.muli %add3A_44, %mul3A_136 : i32
        %add3A_138 = arith.addi %mul3A_137, %scan3A_133 : i32
        %mul3A_139 = arith.constant 88 : i32
        %mul3A_140 = arith.muli %scan3A_133, %mul3A_139 : i32
        %add3A_141 = arith.constant 0 : i32
        %add3A_142 = arith.addi %mul3A_140, %add3A_141 : i32
        %add3A_143 = vector.broadcast %add3A_142 : i32 to vector<16xi32>
        %add3A_144 = arith.addi %add3A_143, %iota3A : vector<16xi32>
        %get3A = arith.index_cast %add3A_138 : i32 to index
        %get3A_145 = arith.constant 0 : index
        %get3A_146 = tpu.vector_load %arg6[%get3A, %get3A_145] {strides = array<i32>} : memref<16x88xi32, #tpu.memory_space<vmem>>, vector<16xi32>,
        %mul3A_147 = arith.constant 2 : i32
        %mul3A_148 = vector.broadcast %mul3A_147 : i32 to vector<16xi32>
        %mul3A_149 = arith.muli %mul3A_148, %get3A_146 : vector<16xi32>
        %sub3A = arith.constant 2 : i32
        %sub3A_150 = vector.broadcast %sub3A : i32 to vector<16xi32>
        %sub3A_151 = arith.subi %mul3A_149, %sub3A_150 : vector<16xi32>
        %max3A = arith.constant 0 : i32
        %max3A_152 = vector.broadcast %max3A : i32 to vector<16xi32>
        %max3A_153 = arith.maxsi %sub3A_151, %max3A_152 : vector<16xi32>
        %min3A = arith.constant 111 : i32
        %min3A_154 = vector.broadcast %min3A : i32 to vector<16xi32>
        %min3A_155 = arith.minsi %max3A_153, %min3A_154 : vector<16xi32>
        %gather3A = tpu.vector_load_idx %arg8[%add3A_144, %min3A_155] : memref<176x112xf32, #tpu.memory_space<vmem>>[vector<16xi32>, vector<16xi32>], vector<16xf32>,
        %add3A_156 = arith.constant 9.99999993E-9 : f32
        %add3A_157 = vector.broadcast %add3A_156 : f32 to vector<16xf32>
        %add3A_158 = arith.addf %gather3A, %add3A_157 : vector<16xf32>
        %get3A_159 = arith.index_cast %add3A_138 : i32 to index
        %get3A_160 = arith.constant 0 : index
        %get3A_161 = tpu.vector_load %arg7[%get3A_159, %get3A_160] {strides = array<i32>} : memref<16x88xf32, #tpu.memory_space<vmem>>, vector<16xf32>,
        %bitcast_convert_type3A = tpu.bitcast %add3A_158 : vector<16xf32> -> vector<16xi32>
        %shift_right_arithmetic3A = arith.constant 23 : i32
        %shift_right_arithmetic3A_162 = vector.broadcast %shift_right_arithmetic3A : i32 to vector<16xi32>
        %shift_right_arithmetic3A_163 = arith.shrsi %bitcast_convert_type3A, %shift_right_arithmetic3A_162 : vector<16xi32>
        %sub3A_164 = arith.constant 127 : i32
        %sub3A_165 = vector.broadcast %sub3A_164 : i32 to vector<16xi32>
        %sub3A_166 = arith.subi %shift_right_arithmetic3A_163, %sub3A_165 : vector<16xi32>
        %and3A = arith.constant 8388607 : i32
        %and3A_167 = vector.broadcast %and3A : i32 to vector<16xi32>
        %and3A_168 = arith.andi %bitcast_convert_type3A, %and3A_167 : vector<16xi32>
        %or3A = arith.constant 1065353216 : i32
        %or3A_169 = vector.broadcast %or3A : i32 to vector<16xi32>
        %or3A_170 = arith.ori %and3A_168, %or3A_169 : vector<16xi32>
        %bitcast_convert_type3A_171 = tpu.bitcast %or3A_170 : vector<16xi32> -> vector<16xf32>
        %gt3A = arith.constant 1.41421354 : f32
        %gt3A_172 = vector.broadcast %gt3A : f32 to vector<16xf32>
        %gt3A_173 = arith.cmpf ogt, %bitcast_convert_type3A_171, %gt3A_172 : vector<16xf32>
        %mul3A_174 = arith.constant 5.000000e-01 : f32
        %mul3A_175 = vector.broadcast %mul3A_174 : f32 to vector<16xf32>
        %mul3A_176 = arith.mulf %bitcast_convert_type3A_171, %mul3A_175 : vector<16xf32>
        %select_n3A = arith.select %gt3A_173, %mul3A_176, %bitcast_convert_type3A_171 : vector<16xi1>, vector<16xf32>
        %convert_element_type3A_177 = arith.sitofp %sub3A_166 : vector<16xi32> to vector<16xf32>
        %jit3A = arith.constant 1.000000e+00 : f32
        %jit3A_178 = arith.constant 0.000000e+00 : f32
        %broadcast_in_dim3A_179 = vector.broadcast %jit3A : f32 to vector<16xf32>
        %broadcast_in_dim3A_180 = vector.broadcast %jit3A_178 : f32 to vector<16xf32>
        %select_n3A_181 = arith.select %gt3A_173, %broadcast_in_dim3A_179, %broadcast_in_dim3A_180 : vector<16xi1>, vector<16xf32>
        %add3A_182 = arith.addf %convert_element_type3A_177, %select_n3A_181 : vector<16xf32>
        %sub3A_183 = arith.constant 1.000000e+00 : f32
        %sub3A_184 = vector.broadcast %sub3A_183 : f32 to vector<16xf32>
        %sub3A_185 = arith.subf %select_n3A, %sub3A_184 : vector<16xf32>
        %add3A_186 = arith.constant 1.000000e+00 : f32
        %add3A_187 = vector.broadcast %add3A_186 : f32 to vector<16xf32>
        %add3A_188 = arith.addf %select_n3A, %add3A_187 : vector<16xf32>
        %div3A = arith.divf %sub3A_185, %add3A_188 : vector<16xf32>
        %mul3A_189 = arith.mulf %div3A, %div3A : vector<16xf32>
        %mul3A_190 = arith.constant 0.222222224 : f32
        %mul3A_191 = vector.broadcast %mul3A_190 : f32 to vector<16xf32>
        %mul3A_192 = arith.mulf %mul3A_189, %mul3A_191 : vector<16xf32>
        %add3A_193 = arith.constant 0.285714298 : f32
        %add3A_194 = vector.broadcast %add3A_193 : f32 to vector<16xf32>
        %add3A_195 = arith.addf %add3A_194, %mul3A_192 : vector<16xf32>
        %mul3A_196 = arith.mulf %mul3A_189, %add3A_195 : vector<16xf32>
        %add3A_197 = arith.constant 4.000000e-01 : f32
        %add3A_198 = vector.broadcast %add3A_197 : f32 to vector<16xf32>
        %add3A_199 = arith.addf %add3A_198, %mul3A_196 : vector<16xf32>
        %mul3A_200 = arith.mulf %mul3A_189, %add3A_199 : vector<16xf32>
        %add3A_201 = arith.constant 0.666666686 : f32
        %add3A_202 = vector.broadcast %add3A_201 : f32 to vector<16xf32>
        %add3A_203 = arith.addf %add3A_202, %mul3A_200 : vector<16xf32>
        %mul3A_204 = arith.mulf %mul3A_189, %add3A_203 : vector<16xf32>
        %add3A_205 = arith.constant 2.000000e+00 : f32
        %add3A_206 = vector.broadcast %add3A_205 : f32 to vector<16xf32>
        %add3A_207 = arith.addf %add3A_206, %mul3A_204 : vector<16xf32>
        %mul3A_208 = arith.constant 0.693147182 : f32
        %mul3A_209 = vector.broadcast %mul3A_208 : f32 to vector<16xf32>
        %mul3A_210 = arith.mulf %add3A_182, %mul3A_209 : vector<16xf32>
        %mul3A_211 = arith.mulf %div3A, %add3A_207 : vector<16xf32>
        %add3A_212 = arith.addf %mul3A_210, %mul3A_211 : vector<16xf32>
        %mul3A_213 = arith.mulf %get3A_161, %add3A_212 : vector<16xf32>
        %add3A_214 = arith.addf %scan3A_134, %mul3A_213 : vector<16xf32>
        %add3A_215 = arith.addf %scan3A_135, %get3A_161 : vector<16xf32>
        %mul3A_216 = arith.constant 88 : i32
        %mul3A_217 = arith.muli %scan3A_133, %mul3A_216 : i32
        %add3A_218 = arith.constant 16 : i32
        %add3A_219 = arith.addi %mul3A_217, %add3A_218 : i32
        %add3A_220 = vector.broadcast %add3A_219 : i32 to vector<16xi32>
        %add3A_221 = arith.addi %add3A_220, %iota3A : vector<16xi32>
        %get3A_222 = arith.index_cast %add3A_138 : i32 to index
        %get3A_223 = arith.constant 16 : index
        %get3A_224 = tpu.vector_load %arg6[%get3A_222, %get3A_223] {strides = array<i32>} : memref<16x88xi32, #tpu.memory_space<vmem>>, vector<16xi32>,
        %mul3A_225 = arith.constant 2 : i32
        %mul3A_226 = vector.broadcast %mul3A_225 : i32 to vector<16xi32>
        %mul3A_227 = arith.muli %mul3A_226, %get3A_224 : vector<16xi32>
        %sub3A_228 = arith.constant 2 : i32
        %sub3A_229 = vector.broadcast %sub3A_228 : i32 to vector<16xi32>
        %sub3A_230 = arith.subi %mul3A_227, %sub3A_229 : vector<16xi32>
        %max3A_231 = arith.constant 0 : i32
        %max3A_232 = vector.broadcast %max3A_231 : i32 to vector<16xi32>
        %max3A_233 = arith.maxsi %sub3A_230, %max3A_232 : vector<16xi32>
        %min3A_234 = arith.constant 111 : i32
        %min3A_235 = vector.broadcast %min3A_234 : i32 to vector<16xi32>
        %min3A_236 = arith.minsi %max3A_233, %min3A_235 : vector<16xi32>
        %gather3A_237 = tpu.vector_load_idx %arg8[%add3A_221, %min3A_236] : memref<176x112xf32, #tpu.memory_space<vmem>>[vector<16xi32>, vector<16xi32>], vector<16xf32>,
        %add3A_238 = arith.constant 9.99999993E-9 : f32
        %add3A_239 = vector.broadcast %add3A_238 : f32 to vector<16xf32>
        %add3A_240 = arith.addf %gather3A_237, %add3A_239 : vector<16xf32>
        %get3A_241 = arith.index_cast %add3A_138 : i32 to index
        %get3A_242 = arith.constant 16 : index
        %get3A_243 = tpu.vector_load %arg7[%get3A_241, %get3A_242] {strides = array<i32>} : memref<16x88xf32, #tpu.memory_space<vmem>>, vector<16xf32>,
        %bitcast_convert_type3A_244 = tpu.bitcast %add3A_240 : vector<16xf32> -> vector<16xi32>
        %shift_right_arithmetic3A_245 = arith.constant 23 : i32
        %shift_right_arithmetic3A_246 = vector.broadcast %shift_right_arithmetic3A_245 : i32 to vector<16xi32>
        %shift_right_arithmetic3A_247 = arith.shrsi %bitcast_convert_type3A_244, %shift_right_arithmetic3A_246 : vector<16xi32>
        %sub3A_248 = arith.constant 127 : i32
        %sub3A_249 = vector.broadcast %sub3A_248 : i32 to vector<16xi32>
        %sub3A_250 = arith.subi %shift_right_arithmetic3A_247, %sub3A_249 : vector<16xi32>
        %and3A_251 = arith.constant 8388607 : i32
        %and3A_252 = vector.broadcast %and3A_251 : i32 to vector<16xi32>
        %and3A_253 = arith.andi %bitcast_convert_type3A_244, %and3A_252 : vector<16xi32>
        %or3A_254 = arith.constant 1065353216 : i32
        %or3A_255 = vector.broadcast %or3A_254 : i32 to vector<16xi32>
        %or3A_256 = arith.ori %and3A_253, %or3A_255 : vector<16xi32>
        %bitcast_convert_type3A_257 = tpu.bitcast %or3A_256 : vector<16xi32> -> vector<16xf32>
        %gt3A_258 = arith.constant 1.41421354 : f32
        %gt3A_259 = vector.broadcast %gt3A_258 : f32 to vector<16xf32>
        %gt3A_260 = arith.cmpf ogt, %bitcast_convert_type3A_257, %gt3A_259 : vector<16xf32>
        %mul3A_261 = arith.constant 5.000000e-01 : f32
        %mul3A_262 = vector.broadcast %mul3A_261 : f32 to vector<16xf32>
        %mul3A_263 = arith.mulf %bitcast_convert_type3A_257, %mul3A_262 : vector<16xf32>
        %select_n3A_264 = arith.select %gt3A_260, %mul3A_263, %bitcast_convert_type3A_257 : vector<16xi1>, vector<16xf32>
        %convert_element_type3A_265 = arith.sitofp %sub3A_250 : vector<16xi32> to vector<16xf32>
        %jit3A_266 = arith.constant 1.000000e+00 : f32
        %jit3A_267 = arith.constant 0.000000e+00 : f32
        %broadcast_in_dim3A_268 = vector.broadcast %jit3A_266 : f32 to vector<16xf32>
        %broadcast_in_dim3A_269 = vector.broadcast %jit3A_267 : f32 to vector<16xf32>
        %select_n3A_270 = arith.select %gt3A_260, %broadcast_in_dim3A_268, %broadcast_in_dim3A_269 : vector<16xi1>, vector<16xf32>
        %add3A_271 = arith.addf %convert_element_type3A_265, %select_n3A_270 : vector<16xf32>
        %sub3A_272 = arith.constant 1.000000e+00 : f32
        %sub3A_273 = vector.broadcast %sub3A_272 : f32 to vector<16xf32>
        %sub3A_274 = arith.subf %select_n3A_264, %sub3A_273 : vector<16xf32>
        %add3A_275 = arith.constant 1.000000e+00 : f32
        %add3A_276 = vector.broadcast %add3A_275 : f32 to vector<16xf32>
        %add3A_277 = arith.addf %select_n3A_264, %add3A_276 : vector<16xf32>
        %div3A_278 = arith.divf %sub3A_274, %add3A_277 : vector<16xf32>
        %mul3A_279 = arith.mulf %div3A_278, %div3A_278 : vector<16xf32>
        %mul3A_280 = arith.constant 0.222222224 : f32
        %mul3A_281 = vector.broadcast %mul3A_280 : f32 to vector<16xf32>
        %mul3A_282 = arith.mulf %mul3A_279, %mul3A_281 : vector<16xf32>
        %add3A_283 = arith.constant 0.285714298 : f32
        %add3A_284 = vector.broadcast %add3A_283 : f32 to vector<16xf32>
        %add3A_285 = arith.addf %add3A_284, %mul3A_282 : vector<16xf32>
        %mul3A_286 = arith.mulf %mul3A_279, %add3A_285 : vector<16xf32>
        %add3A_287 = arith.constant 4.000000e-01 : f32
        %add3A_288 = vector.broadcast %add3A_287 : f32 to vector<16xf32>
        %add3A_289 = arith.addf %add3A_288, %mul3A_286 : vector<16xf32>
        %mul3A_290 = arith.mulf %mul3A_279, %add3A_289 : vector<16xf32>
        %add3A_291 = arith.constant 0.666666686 : f32
        %add3A_292 = vector.broadcast %add3A_291 : f32 to vector<16xf32>
        %add3A_293 = arith.addf %add3A_292, %mul3A_290 : vector<16xf32>
        %mul3A_294 = arith.mulf %mul3A_279, %add3A_293 : vector<16xf32>
        %add3A_295 = arith.constant 2.000000e+00 : f32
        %add3A_296 = vector.broadcast %add3A_295 : f32 to vector<16xf32>
        %add3A_297 = arith.addf %add3A_296, %mul3A_294 : vector<16xf32>
        %mul3A_298 = arith.constant 0.693147182 : f32
        %mul3A_299 = vector.broadcast %mul3A_298 : f32 to vector<16xf32>
        %mul3A_300 = arith.mulf %add3A_271, %mul3A_299 : vector<16xf32>
        %mul3A_301 = arith.mulf %div3A_278, %add3A_297 : vector<16xf32>
        %add3A_302 = arith.addf %mul3A_300, %mul3A_301 : vector<16xf32>
        %mul3A_303 = arith.mulf %get3A_243, %add3A_302 : vector<16xf32>
        %add3A_304 = arith.addf %add3A_214, %mul3A_303 : vector<16xf32>
        %add3A_305 = arith.addf %add3A_215, %get3A_243 : vector<16xf32>
        %mul3A_306 = arith.constant 88 : i32
        %mul3A_307 = arith.muli %scan3A_133, %mul3A_306 : i32
        %add3A_308 = arith.constant 32 : i32
        %add3A_309 = arith.addi %mul3A_307, %add3A_308 : i32
        %add3A_310 = vector.broadcast %add3A_309 : i32 to vector<16xi32>
        %add3A_311 = arith.addi %add3A_310, %iota3A : vector<16xi32>
        %get3A_312 = arith.index_cast %add3A_138 : i32 to index
        %get3A_313 = arith.constant 32 : index
        %get3A_314 = tpu.vector_load %arg6[%get3A_312, %get3A_313] {strides = array<i32>} : memref<16x88xi32, #tpu.memory_space<vmem>>, vector<16xi32>,
        %mul3A_315 = arith.constant 2 : i32
        %mul3A_316 = vector.broadcast %mul3A_315 : i32 to vector<16xi32>
        %mul3A_317 = arith.muli %mul3A_316, %get3A_314 : vector<16xi32>
        %sub3A_318 = arith.constant 2 : i32
        %sub3A_319 = vector.broadcast %sub3A_318 : i32 to vector<16xi32>
        %sub3A_320 = arith.subi %mul3A_317, %sub3A_319 : vector<16xi32>
        %max3A_321 = arith.constant 0 : i32
        %max3A_322 = vector.broadcast %max3A_321 : i32 to vector<16xi32>
        %max3A_323 = arith.maxsi %sub3A_320, %max3A_322 : vector<16xi32>
        %min3A_324 = arith.constant 111 : i32
        %min3A_325 = vector.broadcast %min3A_324 : i32 to vector<16xi32>
        %min3A_326 = arith.minsi %max3A_323, %min3A_325 : vector<16xi32>
        %gather3A_327 = tpu.vector_load_idx %arg8[%add3A_311, %min3A_326] : memref<176x112xf32, #tpu.memory_space<vmem>>[vector<16xi32>, vector<16xi32>], vector<16xf32>,
        %add3A_328 = arith.constant 9.99999993E-9 : f32
        %add3A_329 = vector.broadcast %add3A_328 : f32 to vector<16xf32>
        %add3A_330 = arith.addf %gather3A_327, %add3A_329 : vector<16xf32>
        %get3A_331 = arith.index_cast %add3A_138 : i32 to index
        %get3A_332 = arith.constant 32 : index
        %get3A_333 = tpu.vector_load %arg7[%get3A_331, %get3A_332] {strides = array<i32>} : memref<16x88xf32, #tpu.memory_space<vmem>>, vector<16xf32>,
        %bitcast_convert_type3A_334 = tpu.bitcast %add3A_330 : vector<16xf32> -> vector<16xi32>
        %shift_right_arithmetic3A_335 = arith.constant 23 : i32
        %shift_right_arithmetic3A_336 = vector.broadcast %shift_right_arithmetic3A_335 : i32 to vector<16xi32>
        %shift_right_arithmetic3A_337 = arith.shrsi %bitcast_convert_type3A_334, %shift_right_arithmetic3A_336 : vector<16xi32>
        %sub3A_338 = arith.constant 127 : i32
        %sub3A_339 = vector.broadcast %sub3A_338 : i32 to vector<16xi32>
        %sub3A_340 = arith.subi %shift_right_arithmetic3A_337, %sub3A_339 : vector<16xi32>
        %and3A_341 = arith.constant 8388607 : i32
        %and3A_342 = vector.broadcast %and3A_341 : i32 to vector<16xi32>
        %and3A_343 = arith.andi %bitcast_convert_type3A_334, %and3A_342 : vector<16xi32>
        %or3A_344 = arith.constant 1065353216 : i32
        %or3A_345 = vector.broadcast %or3A_344 : i32 to vector<16xi32>
        %or3A_346 = arith.ori %and3A_343, %or3A_345 : vector<16xi32>
        %bitcast_convert_type3A_347 = tpu.bitcast %or3A_346 : vector<16xi32> -> vector<16xf32>
        %gt3A_348 = arith.constant 1.41421354 : f32
        %gt3A_349 = vector.broadcast %gt3A_348 : f32 to vector<16xf32>
        %gt3A_350 = arith.cmpf ogt, %bitcast_convert_type3A_347, %gt3A_349 : vector<16xf32>
        %mul3A_351 = arith.constant 5.000000e-01 : f32
        %mul3A_352 = vector.broadcast %mul3A_351 : f32 to vector<16xf32>
        %mul3A_353 = arith.mulf %bitcast_convert_type3A_347, %mul3A_352 : vector<16xf32>
        %select_n3A_354 = arith.select %gt3A_350, %mul3A_353, %bitcast_convert_type3A_347 : vector<16xi1>, vector<16xf32>
        %convert_element_type3A_355 = arith.sitofp %sub3A_340 : vector<16xi32> to vector<16xf32>
        %jit3A_356 = arith.constant 1.000000e+00 : f32
        %jit3A_357 = arith.constant 0.000000e+00 : f32
        %broadcast_in_dim3A_358 = vector.broadcast %jit3A_356 : f32 to vector<16xf32>
        %broadcast_in_dim3A_359 = vector.broadcast %jit3A_357 : f32 to vector<16xf32>
        %select_n3A_360 = arith.select %gt3A_350, %broadcast_in_dim3A_358, %broadcast_in_dim3A_359 : vector<16xi1>, vector<16xf32>
        %add3A_361 = arith.addf %convert_element_type3A_355, %select_n3A_360 : vector<16xf32>
        %sub3A_362 = arith.constant 1.000000e+00 : f32
        %sub3A_363 = vector.broadcast %sub3A_362 : f32 to vector<16xf32>
        %sub3A_364 = arith.subf %select_n3A_354, %sub3A_363 : vector<16xf32>
        %add3A_365 = arith.constant 1.000000e+00 : f32
        %add3A_366 = vector.broadcast %add3A_365 : f32 to vector<16xf32>
        %add3A_367 = arith.addf %select_n3A_354, %add3A_366 : vector<16xf32>
        %div3A_368 = arith.divf %sub3A_364, %add3A_367 : vector<16xf32>
        %mul3A_369 = arith.mulf %div3A_368, %div3A_368 : vector<16xf32>
        %mul3A_370 = arith.constant 0.222222224 : f32
        %mul3A_371 = vector.broadcast %mul3A_370 : f32 to vector<16xf32>
        %mul3A_372 = arith.mulf %mul3A_369, %mul3A_371 : vector<16xf32>
        %add3A_373 = arith.constant 0.285714298 : f32
        %add3A_374 = vector.broadcast %add3A_373 : f32 to vector<16xf32>
        %add3A_375 = arith.addf %add3A_374, %mul3A_372 : vector<16xf32>
        %mul3A_376 = arith.mulf %mul3A_369, %add3A_375 : vector<16xf32>
        %add3A_377 = arith.constant 4.000000e-01 : f32
        %add3A_378 = vector.broadcast %add3A_377 : f32 to vector<16xf32>
        %add3A_379 = arith.addf %add3A_378, %mul3A_376 : vector<16xf32>
        %mul3A_380 = arith.mulf %mul3A_369, %add3A_379 : vector<16xf32>
        %add3A_381 = arith.constant 0.666666686 : f32
        %add3A_382 = vector.broadcast %add3A_381 : f32 to vector<16xf32>
        %add3A_383 = arith.addf %add3A_382, %mul3A_380 : vector<16xf32>
        %mul3A_384 = arith.mulf %mul3A_369, %add3A_383 : vector<16xf32>
        %add3A_385 = arith.constant 2.000000e+00 : f32
        %add3A_386 = vector.broadcast %add3A_385 : f32 to vector<16xf32>
        %add3A_387 = arith.addf %add3A_386, %mul3A_384 : vector<16xf32>
        %mul3A_388 = arith.constant 0.693147182 : f32
        %mul3A_389 = vector.broadcast %mul3A_388 : f32 to vector<16xf32>
        %mul3A_390 = arith.mulf %add3A_361, %mul3A_389 : vector<16xf32>
        %mul3A_391 = arith.mulf %div3A_368, %add3A_387 : vector<16xf32>
        %add3A_392 = arith.addf %mul3A_390, %mul3A_391 : vector<16xf32>
        %mul3A_393 = arith.mulf %get3A_333, %add3A_392 : vector<16xf32>
        %add3A_394 = arith.addf %add3A_304, %mul3A_393 : vector<16xf32>
        %add3A_395 = arith.addf %add3A_305, %get3A_333 : vector<16xf32>
        %mul3A_396 = arith.constant 88 : i32
        %mul3A_397 = arith.muli %scan3A_133, %mul3A_396 : i32
        %add3A_398 = arith.constant 48 : i32
        %add3A_399 = arith.addi %mul3A_397, %add3A_398 : i32
        %add3A_400 = vector.broadcast %add3A_399 : i32 to vector<16xi32>
        %add3A_401 = arith.addi %add3A_400, %iota3A : vector<16xi32>
        %get3A_402 = arith.index_cast %add3A_138 : i32 to index
        %get3A_403 = arith.constant 48 : index
        %get3A_404 = tpu.vector_load %arg6[%get3A_402, %get3A_403] {strides = array<i32>} : memref<16x88xi32, #tpu.memory_space<vmem>>, vector<16xi32>,
        %mul3A_405 = arith.constant 2 : i32
        %mul3A_406 = vector.broadcast %mul3A_405 : i32 to vector<16xi32>
        %mul3A_407 = arith.muli %mul3A_406, %get3A_404 : vector<16xi32>
        %sub3A_408 = arith.constant 2 : i32
        %sub3A_409 = vector.broadcast %sub3A_408 : i32 to vector<16xi32>
        %sub3A_410 = arith.subi %mul3A_407, %sub3A_409 : vector<16xi32>
        %max3A_411 = arith.constant 0 : i32
        %max3A_412 = vector.broadcast %max3A_411 : i32 to vector<16xi32>
        %max3A_413 = arith.maxsi %sub3A_410, %max3A_412 : vector<16xi32>
        %min3A_414 = arith.constant 111 : i32
        %min3A_415 = vector.broadcast %min3A_414 : i32 to vector<16xi32>
        %min3A_416 = arith.minsi %max3A_413, %min3A_415 : vector<16xi32>
        %gather3A_417 = tpu.vector_load_idx %arg8[%add3A_401, %min3A_416] : memref<176x112xf32, #tpu.memory_space<vmem>>[vector<16xi32>, vector<16xi32>], vector<16xf32>,
        %add3A_418 = arith.constant 9.99999993E-9 : f32
        %add3A_419 = vector.broadcast %add3A_418 : f32 to vector<16xf32>
        %add3A_420 = arith.addf %gather3A_417, %add3A_419 : vector<16xf32>
        %get3A_421 = arith.index_cast %add3A_138 : i32 to index
        %get3A_422 = arith.constant 48 : index
        %get3A_423 = tpu.vector_load %arg7[%get3A_421, %get3A_422] {strides = array<i32>} : memref<16x88xf32, #tpu.memory_space<vmem>>, vector<16xf32>,
        %bitcast_convert_type3A_424 = tpu.bitcast %add3A_420 : vector<16xf32> -> vector<16xi32>
        %shift_right_arithmetic3A_425 = arith.constant 23 : i32
        %shift_right_arithmetic3A_426 = vector.broadcast %shift_right_arithmetic3A_425 : i32 to vector<16xi32>
        %shift_right_arithmetic3A_427 = arith.shrsi %bitcast_convert_type3A_424, %shift_right_arithmetic3A_426 : vector<16xi32>
        %sub3A_428 = arith.constant 127 : i32
        %sub3A_429 = vector.broadcast %sub3A_428 : i32 to vector<16xi32>
        %sub3A_430 = arith.subi %shift_right_arithmetic3A_427, %sub3A_429 : vector<16xi32>
        %and3A_431 = arith.constant 8388607 : i32
        %and3A_432 = vector.broadcast %and3A_431 : i32 to vector<16xi32>
        %and3A_433 = arith.andi %bitcast_convert_type3A_424, %and3A_432 : vector<16xi32>
        %or3A_434 = arith.constant 1065353216 : i32
        %or3A_435 = vector.broadcast %or3A_434 : i32 to vector<16xi32>
        %or3A_436 = arith.ori %and3A_433, %or3A_435 : vector<16xi32>
        %bitcast_convert_type3A_437 = tpu.bitcast %or3A_436 : vector<16xi32> -> vector<16xf32>
        %gt3A_438 = arith.constant 1.41421354 : f32
        %gt3A_439 = vector.broadcast %gt3A_438 : f32 to vector<16xf32>
        %gt3A_440 = arith.cmpf ogt, %bitcast_convert_type3A_437, %gt3A_439 : vector<16xf32>
        %mul3A_441 = arith.constant 5.000000e-01 : f32
        %mul3A_442 = vector.broadcast %mul3A_441 : f32 to vector<16xf32>
        %mul3A_443 = arith.mulf %bitcast_convert_type3A_437, %mul3A_442 : vector<16xf32>
        %select_n3A_444 = arith.select %gt3A_440, %mul3A_443, %bitcast_convert_type3A_437 : vector<16xi1>, vector<16xf32>
        %convert_element_type3A_445 = arith.sitofp %sub3A_430 : vector<16xi32> to vector<16xf32>
        %jit3A_446 = arith.constant 1.000000e+00 : f32
        %jit3A_447 = arith.constant 0.000000e+00 : f32
        %broadcast_in_dim3A_448 = vector.broadcast %jit3A_446 : f32 to vector<16xf32>
        %broadcast_in_dim3A_449 = vector.broadcast %jit3A_447 : f32 to vector<16xf32>
        %select_n3A_450 = arith.select %gt3A_440, %broadcast_in_dim3A_448, %broadcast_in_dim3A_449 : vector<16xi1>, vector<16xf32>
        %add3A_451 = arith.addf %convert_element_type3A_445, %select_n3A_450 : vector<16xf32>
        %sub3A_452 = arith.constant 1.000000e+00 : f32
        %sub3A_453 = vector.broadcast %sub3A_452 : f32 to vector<16xf32>
        %sub3A_454 = arith.subf %select_n3A_444, %sub3A_453 : vector<16xf32>
        %add3A_455 = arith.constant 1.000000e+00 : f32
        %add3A_456 = vector.broadcast %add3A_455 : f32 to vector<16xf32>
        %add3A_457 = arith.addf %select_n3A_444, %add3A_456 : vector<16xf32>
        %div3A_458 = arith.divf %sub3A_454, %add3A_457 : vector<16xf32>
        %mul3A_459 = arith.mulf %div3A_458, %div3A_458 : vector<16xf32>
        %mul3A_460 = arith.constant 0.222222224 : f32
        %mul3A_461 = vector.broadcast %mul3A_460 : f32 to vector<16xf32>
        %mul3A_462 = arith.mulf %mul3A_459, %mul3A_461 : vector<16xf32>
        %add3A_463 = arith.constant 0.285714298 : f32
        %add3A_464 = vector.broadcast %add3A_463 : f32 to vector<16xf32>
        %add3A_465 = arith.addf %add3A_464, %mul3A_462 : vector<16xf32>
        %mul3A_466 = arith.mulf %mul3A_459, %add3A_465 : vector<16xf32>
        %add3A_467 = arith.constant 4.000000e-01 : f32
        %add3A_468 = vector.broadcast %add3A_467 : f32 to vector<16xf32>
        %add3A_469 = arith.addf %add3A_468, %mul3A_466 : vector<16xf32>
        %mul3A_470 = arith.mulf %mul3A_459, %add3A_469 : vector<16xf32>
        %add3A_471 = arith.constant 0.666666686 : f32
        %add3A_472 = vector.broadcast %add3A_471 : f32 to vector<16xf32>
        %add3A_473 = arith.addf %add3A_472, %mul3A_470 : vector<16xf32>
        %mul3A_474 = arith.mulf %mul3A_459, %add3A_473 : vector<16xf32>
        %add3A_475 = arith.constant 2.000000e+00 : f32
        %add3A_476 = vector.broadcast %add3A_475 : f32 to vector<16xf32>
        %add3A_477 = arith.addf %add3A_476, %mul3A_474 : vector<16xf32>
        %mul3A_478 = arith.constant 0.693147182 : f32
        %mul3A_479 = vector.broadcast %mul3A_478 : f32 to vector<16xf32>
        %mul3A_480 = arith.mulf %add3A_451, %mul3A_479 : vector<16xf32>
        %mul3A_481 = arith.mulf %div3A_458, %add3A_477 : vector<16xf32>
        %add3A_482 = arith.addf %mul3A_480, %mul3A_481 : vector<16xf32>
        %mul3A_483 = arith.mulf %get3A_423, %add3A_482 : vector<16xf32>
        %add3A_484 = arith.addf %add3A_394, %mul3A_483 : vector<16xf32>
        %add3A_485 = arith.addf %add3A_395, %get3A_423 : vector<16xf32>
        %mul3A_486 = arith.constant 88 : i32
        %mul3A_487 = arith.muli %scan3A_133, %mul3A_486 : i32
        %add3A_488 = arith.constant 64 : i32
        %add3A_489 = arith.addi %mul3A_487, %add3A_488 : i32
        %add3A_490 = vector.broadcast %add3A_489 : i32 to vector<16xi32>
        %add3A_491 = arith.addi %add3A_490, %iota3A : vector<16xi32>
        %get3A_492 = arith.index_cast %add3A_138 : i32 to index
        %get3A_493 = arith.constant 64 : index
        %get3A_494 = tpu.vector_load %arg6[%get3A_492, %get3A_493] {strides = array<i32>} : memref<16x88xi32, #tpu.memory_space<vmem>>, vector<16xi32>,
        %mul3A_495 = arith.constant 2 : i32
        %mul3A_496 = vector.broadcast %mul3A_495 : i32 to vector<16xi32>
        %mul3A_497 = arith.muli %mul3A_496, %get3A_494 : vector<16xi32>
        %sub3A_498 = arith.constant 2 : i32
        %sub3A_499 = vector.broadcast %sub3A_498 : i32 to vector<16xi32>
        %sub3A_500 = arith.subi %mul3A_497, %sub3A_499 : vector<16xi32>
        %max3A_501 = arith.constant 0 : i32
        %max3A_502 = vector.broadcast %max3A_501 : i32 to vector<16xi32>
        %max3A_503 = arith.maxsi %sub3A_500, %max3A_502 : vector<16xi32>
        %min3A_504 = arith.constant 111 : i32
        %min3A_505 = vector.broadcast %min3A_504 : i32 to vector<16xi32>
        %min3A_506 = arith.minsi %max3A_503, %min3A_505 : vector<16xi32>
        %gather3A_507 = tpu.vector_load_idx %arg8[%add3A_491, %min3A_506] : memref<176x112xf32, #tpu.memory_space<vmem>>[vector<16xi32>, vector<16xi32>], vector<16xf32>,
        %add3A_508 = arith.constant 9.99999993E-9 : f32
        %add3A_509 = vector.broadcast %add3A_508 : f32 to vector<16xf32>
        %add3A_510 = arith.addf %gather3A_507, %add3A_509 : vector<16xf32>
        %get3A_511 = arith.index_cast %add3A_138 : i32 to index
        %get3A_512 = arith.constant 64 : index
        %get3A_513 = tpu.vector_load %arg7[%get3A_511, %get3A_512] {strides = array<i32>} : memref<16x88xf32, #tpu.memory_space<vmem>>, vector<16xf32>,
        %bitcast_convert_type3A_514 = tpu.bitcast %add3A_510 : vector<16xf32> -> vector<16xi32>
        %shift_right_arithmetic3A_515 = arith.constant 23 : i32
        %shift_right_arithmetic3A_516 = vector.broadcast %shift_right_arithmetic3A_515 : i32 to vector<16xi32>
        %shift_right_arithmetic3A_517 = arith.shrsi %bitcast_convert_type3A_514, %shift_right_arithmetic3A_516 : vector<16xi32>
        %sub3A_518 = arith.constant 127 : i32
        %sub3A_519 = vector.broadcast %sub3A_518 : i32 to vector<16xi32>
        %sub3A_520 = arith.subi %shift_right_arithmetic3A_517, %sub3A_519 : vector<16xi32>
        %and3A_521 = arith.constant 8388607 : i32
        %and3A_522 = vector.broadcast %and3A_521 : i32 to vector<16xi32>
        %and3A_523 = arith.andi %bitcast_convert_type3A_514, %and3A_522 : vector<16xi32>
        %or3A_524 = arith.constant 1065353216 : i32
        %or3A_525 = vector.broadcast %or3A_524 : i32 to vector<16xi32>
        %or3A_526 = arith.ori %and3A_523, %or3A_525 : vector<16xi32>
        %bitcast_convert_type3A_527 = tpu.bitcast %or3A_526 : vector<16xi32> -> vector<16xf32>
        %gt3A_528 = arith.constant 1.41421354 : f32
        %gt3A_529 = vector.broadcast %gt3A_528 : f32 to vector<16xf32>
        %gt3A_530 = arith.cmpf ogt, %bitcast_convert_type3A_527, %gt3A_529 : vector<16xf32>
        %mul3A_531 = arith.constant 5.000000e-01 : f32
        %mul3A_532 = vector.broadcast %mul3A_531 : f32 to vector<16xf32>
        %mul3A_533 = arith.mulf %bitcast_convert_type3A_527, %mul3A_532 : vector<16xf32>
        %select_n3A_534 = arith.select %gt3A_530, %mul3A_533, %bitcast_convert_type3A_527 : vector<16xi1>, vector<16xf32>
        %convert_element_type3A_535 = arith.sitofp %sub3A_520 : vector<16xi32> to vector<16xf32>
        %jit3A_536 = arith.constant 1.000000e+00 : f32
        %jit3A_537 = arith.constant 0.000000e+00 : f32
        %broadcast_in_dim3A_538 = vector.broadcast %jit3A_536 : f32 to vector<16xf32>
        %broadcast_in_dim3A_539 = vector.broadcast %jit3A_537 : f32 to vector<16xf32>
        %select_n3A_540 = arith.select %gt3A_530, %broadcast_in_dim3A_538, %broadcast_in_dim3A_539 : vector<16xi1>, vector<16xf32>
        %add3A_541 = arith.addf %convert_element_type3A_535, %select_n3A_540 : vector<16xf32>
        %sub3A_542 = arith.constant 1.000000e+00 : f32
        %sub3A_543 = vector.broadcast %sub3A_542 : f32 to vector<16xf32>
        %sub3A_544 = arith.subf %select_n3A_534, %sub3A_543 : vector<16xf32>
        %add3A_545 = arith.constant 1.000000e+00 : f32
        %add3A_546 = vector.broadcast %add3A_545 : f32 to vector<16xf32>
        %add3A_547 = arith.addf %select_n3A_534, %add3A_546 : vector<16xf32>
        %div3A_548 = arith.divf %sub3A_544, %add3A_547 : vector<16xf32>
        %mul3A_549 = arith.mulf %div3A_548, %div3A_548 : vector<16xf32>
        %mul3A_550 = arith.constant 0.222222224 : f32
        %mul3A_551 = vector.broadcast %mul3A_550 : f32 to vector<16xf32>
        %mul3A_552 = arith.mulf %mul3A_549, %mul3A_551 : vector<16xf32>
        %add3A_553 = arith.constant 0.285714298 : f32
        %add3A_554 = vector.broadcast %add3A_553 : f32 to vector<16xf32>
        %add3A_555 = arith.addf %add3A_554, %mul3A_552 : vector<16xf32>
        %mul3A_556 = arith.mulf %mul3A_549, %add3A_555 : vector<16xf32>
        %add3A_557 = arith.constant 4.000000e-01 : f32
        %add3A_558 = vector.broadcast %add3A_557 : f32 to vector<16xf32>
        %add3A_559 = arith.addf %add3A_558, %mul3A_556 : vector<16xf32>
        %mul3A_560 = arith.mulf %mul3A_549, %add3A_559 : vector<16xf32>
        %add3A_561 = arith.constant 0.666666686 : f32
        %add3A_562 = vector.broadcast %add3A_561 : f32 to vector<16xf32>
        %add3A_563 = arith.addf %add3A_562, %mul3A_560 : vector<16xf32>
        %mul3A_564 = arith.mulf %mul3A_549, %add3A_563 : vector<16xf32>
        %add3A_565 = arith.constant 2.000000e+00 : f32
        %add3A_566 = vector.broadcast %add3A_565 : f32 to vector<16xf32>
        %add3A_567 = arith.addf %add3A_566, %mul3A_564 : vector<16xf32>
        %mul3A_568 = arith.constant 0.693147182 : f32
        %mul3A_569 = vector.broadcast %mul3A_568 : f32 to vector<16xf32>
        %mul3A_570 = arith.mulf %add3A_541, %mul3A_569 : vector<16xf32>
        %mul3A_571 = arith.mulf %div3A_548, %add3A_567 : vector<16xf32>
        %add3A_572 = arith.addf %mul3A_570, %mul3A_571 : vector<16xf32>
        %mul3A_573 = arith.mulf %get3A_513, %add3A_572 : vector<16xf32>
        %add3A_574 = arith.addf %add3A_484, %mul3A_573 : vector<16xf32>
        %add3A_575 = arith.addf %add3A_485, %get3A_513 : vector<16xf32>
        %mul3A_576 = arith.constant 88 : i32
        %mul3A_577 = arith.muli %scan3A_133, %mul3A_576 : i32
        %add3A_578 = arith.constant 72 : i32
        %add3A_579 = arith.addi %mul3A_577, %add3A_578 : i32
        %add3A_580 = vector.broadcast %add3A_579 : i32 to vector<16xi32>
        %add3A_581 = arith.addi %add3A_580, %iota3A : vector<16xi32>
        %get3A_582 = arith.index_cast %add3A_138 : i32 to index
        %get3A_583 = arith.constant 72 : index
        %get3A_584 = tpu.vector_load %arg6[%get3A_582, %get3A_583] {strides = array<i32>} : memref<16x88xi32, #tpu.memory_space<vmem>>, vector<16xi32>,
        %mul3A_585 = arith.constant 2 : i32
        %mul3A_586 = vector.broadcast %mul3A_585 : i32 to vector<16xi32>
        %mul3A_587 = arith.muli %mul3A_586, %get3A_584 : vector<16xi32>
        %sub3A_588 = arith.constant 2 : i32
        %sub3A_589 = vector.broadcast %sub3A_588 : i32 to vector<16xi32>
        %sub3A_590 = arith.subi %mul3A_587, %sub3A_589 : vector<16xi32>
        %max3A_591 = arith.constant 0 : i32
        %max3A_592 = vector.broadcast %max3A_591 : i32 to vector<16xi32>
        %max3A_593 = arith.maxsi %sub3A_590, %max3A_592 : vector<16xi32>
        %min3A_594 = arith.constant 111 : i32
        %min3A_595 = vector.broadcast %min3A_594 : i32 to vector<16xi32>
        %min3A_596 = arith.minsi %max3A_593, %min3A_595 : vector<16xi32>
        %gather3A_597 = tpu.vector_load_idx %arg8[%add3A_581, %min3A_596] : memref<176x112xf32, #tpu.memory_space<vmem>>[vector<16xi32>, vector<16xi32>], vector<16xf32>,
        %add3A_598 = arith.constant 9.99999993E-9 : f32
        %add3A_599 = vector.broadcast %add3A_598 : f32 to vector<16xf32>
        %add3A_600 = arith.addf %gather3A_597, %add3A_599 : vector<16xf32>
        %get3A_601 = arith.index_cast %add3A_138 : i32 to index
        %get3A_602 = arith.constant 72 : index
        %get3A_603 = tpu.vector_load %arg7[%get3A_601, %get3A_602] {strides = array<i32>} : memref<16x88xf32, #tpu.memory_space<vmem>>, vector<16xf32>,
        %ge3A = arith.constant 8 : i32
        %ge3A_604 = vector.broadcast %ge3A : i32 to vector<16xi32>
        %ge3A_605 = arith.cmpi sge, %iota3A, %ge3A_604 : vector<16xi32>
        %jit3A_606 = arith.constant 0.000000e+00 : f32
        %broadcast_in_dim3A_607 = vector.broadcast %jit3A_606 : f32 to vector<16xf32>
        %select_n3A_608 = arith.select %ge3A_605, %get3A_603, %broadcast_in_dim3A_607 : vector<16xi1>, vector<16xf32>
        %bitcast_convert_type3A_609 = tpu.bitcast %add3A_600 : vector<16xf32> -> vector<16xi32>
        %shift_right_arithmetic3A_610 = arith.constant 23 : i32
        %shift_right_arithmetic3A_611 = vector.broadcast %shift_right_arithmetic3A_610 : i32 to vector<16xi32>
        %shift_right_arithmetic3A_612 = arith.shrsi %bitcast_convert_type3A_609, %shift_right_arithmetic3A_611 : vector<16xi32>
        %sub3A_613 = arith.constant 127 : i32
        %sub3A_614 = vector.broadcast %sub3A_613 : i32 to vector<16xi32>
        %sub3A_615 = arith.subi %shift_right_arithmetic3A_612, %sub3A_614 : vector<16xi32>
        %and3A_616 = arith.constant 8388607 : i32
        %and3A_617 = vector.broadcast %and3A_616 : i32 to vector<16xi32>
        %and3A_618 = arith.andi %bitcast_convert_type3A_609, %and3A_617 : vector<16xi32>
        %or3A_619 = arith.constant 1065353216 : i32
        %or3A_620 = vector.broadcast %or3A_619 : i32 to vector<16xi32>
        %or3A_621 = arith.ori %and3A_618, %or3A_620 : vector<16xi32>
        %bitcast_convert_type3A_622 = tpu.bitcast %or3A_621 : vector<16xi32> -> vector<16xf32>
        %gt3A_623 = arith.constant 1.41421354 : f32
        %gt3A_624 = vector.broadcast %gt3A_623 : f32 to vector<16xf32>
        %gt3A_625 = arith.cmpf ogt, %bitcast_convert_type3A_622, %gt3A_624 : vector<16xf32>
        %mul3A_626 = arith.constant 5.000000e-01 : f32
        %mul3A_627 = vector.broadcast %mul3A_626 : f32 to vector<16xf32>
        %mul3A_628 = arith.mulf %bitcast_convert_type3A_622, %mul3A_627 : vector<16xf32>
        %select_n3A_629 = arith.select %gt3A_625, %mul3A_628, %bitcast_convert_type3A_622 : vector<16xi1>, vector<16xf32>
        %convert_element_type3A_630 = arith.sitofp %sub3A_615 : vector<16xi32> to vector<16xf32>
        %jit3A_631 = arith.constant 1.000000e+00 : f32
        %jit3A_632 = arith.constant 0.000000e+00 : f32
        %broadcast_in_dim3A_633 = vector.broadcast %jit3A_631 : f32 to vector<16xf32>
        %broadcast_in_dim3A_634 = vector.broadcast %jit3A_632 : f32 to vector<16xf32>
        %select_n3A_635 = arith.select %gt3A_625, %broadcast_in_dim3A_633, %broadcast_in_dim3A_634 : vector<16xi1>, vector<16xf32>
        %add3A_636 = arith.addf %convert_element_type3A_630, %select_n3A_635 : vector<16xf32>
        %sub3A_637 = arith.constant 1.000000e+00 : f32
        %sub3A_638 = vector.broadcast %sub3A_637 : f32 to vector<16xf32>
        %sub3A_639 = arith.subf %select_n3A_629, %sub3A_638 : vector<16xf32>
        %add3A_640 = arith.constant 1.000000e+00 : f32
        %add3A_641 = vector.broadcast %add3A_640 : f32 to vector<16xf32>
        %add3A_642 = arith.addf %select_n3A_629, %add3A_641 : vector<16xf32>
        %div3A_643 = arith.divf %sub3A_639, %add3A_642 : vector<16xf32>
        %mul3A_644 = arith.mulf %div3A_643, %div3A_643 : vector<16xf32>
        %mul3A_645 = arith.constant 0.222222224 : f32
        %mul3A_646 = vector.broadcast %mul3A_645 : f32 to vector<16xf32>
        %mul3A_647 = arith.mulf %mul3A_644, %mul3A_646 : vector<16xf32>
        %add3A_648 = arith.constant 0.285714298 : f32
        %add3A_649 = vector.broadcast %add3A_648 : f32 to vector<16xf32>
        %add3A_650 = arith.addf %add3A_649, %mul3A_647 : vector<16xf32>
        %mul3A_651 = arith.mulf %mul3A_644, %add3A_650 : vector<16xf32>
        %add3A_652 = arith.constant 4.000000e-01 : f32
        %add3A_653 = vector.broadcast %add3A_652 : f32 to vector<16xf32>
        %add3A_654 = arith.addf %add3A_653, %mul3A_651 : vector<16xf32>
        %mul3A_655 = arith.mulf %mul3A_644, %add3A_654 : vector<16xf32>
        %add3A_656 = arith.constant 0.666666686 : f32
        %add3A_657 = vector.broadcast %add3A_656 : f32 to vector<16xf32>
        %add3A_658 = arith.addf %add3A_657, %mul3A_655 : vector<16xf32>
        %mul3A_659 = arith.mulf %mul3A_644, %add3A_658 : vector<16xf32>
        %add3A_660 = arith.constant 2.000000e+00 : f32
        %add3A_661 = vector.broadcast %add3A_660 : f32 to vector<16xf32>
        %add3A_662 = arith.addf %add3A_661, %mul3A_659 : vector<16xf32>
        %mul3A_663 = arith.constant 0.693147182 : f32
        %mul3A_664 = vector.broadcast %mul3A_663 : f32 to vector<16xf32>
        %mul3A_665 = arith.mulf %add3A_636, %mul3A_664 : vector<16xf32>
        %mul3A_666 = arith.mulf %div3A_643, %add3A_662 : vector<16xf32>
        %add3A_667 = arith.addf %mul3A_665, %mul3A_666 : vector<16xf32>
        %mul3A_668 = arith.mulf %select_n3A_608, %add3A_667 : vector<16xf32>
        %add3A_669 = arith.addf %add3A_574, %mul3A_668 : vector<16xf32>
        %add3A_670 = arith.addf %add3A_575, %select_n3A_608 : vector<16xf32>
        scf.yield %add3A_669, %add3A_670 : vector<16xf32>, vector<16xf32>
      }
      %scan3A_56 = arith.constant 2 : i32
      %add3A_57 = arith.constant 4 : i32
      %add3A_58 = arith.addi %add3A_44, %add3A_57 : i32
      %lt3A = arith.constant 8 : i32
      %lt3A_59 = arith.cmpi slt, %add3A_58, %lt3A : i32
      %convert_element_type3A = arith.extui %lt3A_59 : i1 to i32
      %cond3A = arith.constant 0 : i32
      %cond3A_60 = arith.cmpi ne, %convert_element_type3A, %cond3A : i32
      scf.if %cond3A_60 {
        %add3A_133 = arith.constant 4 : i32
        %add3A_134 = arith.addi %add3A_44, %add3A_133 : i32
        %mul3A_135 = arith.constant 176 : i32
        %mul3A_136 = arith.muli %add3A_134, %mul3A_135 : i32
        %add3A_137 = arith.addi %mul3A_4, %mul3A_136 : i32
        %dma_start3A_138 = arith.constant 0 : i32
        %dma_start3A_139 = tpu.memref_slice %arg2[%add3A_137, %dma_start3A_138] : memref<67584x112xf32, #tpu.memory_space<hbm>> -> memref<176x112xf32, #tpu.memory_space<hbm>>
        %dma_start3A_140 = arith.constant 0 : i32
        %dma_start3A_141 = tpu.memref_slice %arg2[%add3A_137, %dma_start3A_140] : memref<67584x112xf32, #tpu.memory_space<hbm>> -> memref<176x112xf32, #tpu.memory_space<hbm>>
        tpu.enqueue_dma source(%dma_start3A_141 : memref<176x112xf32, #tpu.memory_space<hbm>>) target(%arg8 : memref<176x112xf32, #tpu.memory_space<vmem>>) target_semaphore(%arg13 : memref<!tpu.dma_semaphore, #tpu.memory_space<semaphore_mem>>)
      } else {
      }
      %mul3A_61 = arith.constant 4 : i32
      %mul3A_62 = arith.muli %mul3A_61, %scan3A_38 : i32
      %add3A_63 = arith.constant 1 : i32
      %add3A_64 = arith.addi %mul3A_62, %add3A_63 : i32
      %mul3A_65 = arith.constant 176 : i32
      %mul3A_66 = arith.muli %add3A_64, %mul3A_65 : i32
      %add3A_67 = arith.addi %mul3A_4, %mul3A_66 : i32
      %dma_wait3A_68 = arith.constant 0 : i32
      %dma_wait3A_69 = tpu.memref_slice %arg2[%add3A_67, %dma_wait3A_68] : memref<67584x112xf32, #tpu.memory_space<hbm>> -> memref<176x112xf32, #tpu.memory_space<hbm>>
      %dma_wait3A_70 = arith.constant 0 : i32
      %dma_wait3A_71 = tpu.memref_slice %arg2[%add3A_67, %dma_wait3A_70] : memref<67584x112xf32, #tpu.memory_space<hbm>> -> memref<176x112xf32, #tpu.memory_space<hbm>>
      tpu.wait_dma2 semaphore(%arg14 : memref<!tpu.dma_semaphore, #tpu.memory_space<semaphore_mem>>) src(%dma_wait3A_71 : memref<176x112xf32, #tpu.memory_space<hbm>>) dst(%arg9 : memref<176x112xf32, #tpu.memory_space<vmem>>)
      %scan3A_72 = arith.constant 0 : i32
      %scan3A_73 = arith.constant 2 : i32
      %scan3A_74 = arith.addi %scan3A_72, %scan3A_73 : i32
      %scan3A_75 = arith.constant 1 : i32
      %scan3A_76:2 = scf.for %scan3A_133 = %scan3A_72 to %scan3A_74 step %scan3A_75 iter_args(%scan3A_134 = %scan3A_55#0, %scan3A_135 = %scan3A_55#1) -> (vector<16xf32>, vector<16xf32>)  : i32 {
        %mul3A_136 = arith.constant 2 : i32
        %mul3A_137 = arith.muli %add3A_64, %mul3A_136 : i32
        %add3A_138 = arith.addi %mul3A_137, %scan3A_133 : i32
        %mul3A_139 = arith.constant 88 : i32
        %mul3A_140 = arith.muli %scan3A_133, %mul3A_139 : i32
        %add3A_141 = arith.constant 0 : i32
        %add3A_142 = arith.addi %mul3A_140, %add3A_141 : i32
        %add3A_143 = vector.broadcast %add3A_142 : i32 to vector<16xi32>
        %add3A_144 = arith.addi %add3A_143, %iota3A : vector<16xi32>
        %get3A = arith.index_cast %add3A_138 : i32 to index
        %get3A_145 = arith.constant 0 : index
        %get3A_146 = tpu.vector_load %arg6[%get3A, %get3A_145] {strides = array<i32>} : memref<16x88xi32, #tpu.memory_space<vmem>>, vector<16xi32>,
        %mul3A_147 = arith.constant 2 : i32
        %mul3A_148 = vector.broadcast %mul3A_147 : i32 to vector<16xi32>
        %mul3A_149 = arith.muli %mul3A_148, %get3A_146 : vector<16xi32>
        %sub3A = arith.constant 2 : i32
        %sub3A_150 = vector.broadcast %sub3A : i32 to vector<16xi32>
        %sub3A_151 = arith.subi %mul3A_149, %sub3A_150 : vector<16xi32>
        %max3A = arith.constant 0 : i32
        %max3A_152 = vector.broadcast %max3A : i32 to vector<16xi32>
        %max3A_153 = arith.maxsi %sub3A_151, %max3A_152 : vector<16xi32>
        %min3A = arith.constant 111 : i32
        %min3A_154 = vector.broadcast %min3A : i32 to vector<16xi32>
        %min3A_155 = arith.minsi %max3A_153, %min3A_154 : vector<16xi32>
        %gather3A = tpu.vector_load_idx %arg9[%add3A_144, %min3A_155] : memref<176x112xf32, #tpu.memory_space<vmem>>[vector<16xi32>, vector<16xi32>], vector<16xf32>,
        %add3A_156 = arith.constant 9.99999993E-9 : f32
        %add3A_157 = vector.broadcast %add3A_156 : f32 to vector<16xf32>
        %add3A_158 = arith.addf %gather3A, %add3A_157 : vector<16xf32>
        %get3A_159 = arith.index_cast %add3A_138 : i32 to index
        %get3A_160 = arith.constant 0 : index
        %get3A_161 = tpu.vector_load %arg7[%get3A_159, %get3A_160] {strides = array<i32>} : memref<16x88xf32, #tpu.memory_space<vmem>>, vector<16xf32>,
        %bitcast_convert_type3A = tpu.bitcast %add3A_158 : vector<16xf32> -> vector<16xi32>
        %shift_right_arithmetic3A = arith.constant 23 : i32
        %shift_right_arithmetic3A_162 = vector.broadcast %shift_right_arithmetic3A : i32 to vector<16xi32>
        %shift_right_arithmetic3A_163 = arith.shrsi %bitcast_convert_type3A, %shift_right_arithmetic3A_162 : vector<16xi32>
        %sub3A_164 = arith.constant 127 : i32
        %sub3A_165 = vector.broadcast %sub3A_164 : i32 to vector<16xi32>
        %sub3A_166 = arith.subi %shift_right_arithmetic3A_163, %sub3A_165 : vector<16xi32>
        %and3A = arith.constant 8388607 : i32
        %and3A_167 = vector.broadcast %and3A : i32 to vector<16xi32>
        %and3A_168 = arith.andi %bitcast_convert_type3A, %and3A_167 : vector<16xi32>
        %or3A = arith.constant 1065353216 : i32
        %or3A_169 = vector.broadcast %or3A : i32 to vector<16xi32>
        %or3A_170 = arith.ori %and3A_168, %or3A_169 : vector<16xi32>
        %bitcast_convert_type3A_171 = tpu.bitcast %or3A_170 : vector<16xi32> -> vector<16xf32>
        %gt3A = arith.constant 1.41421354 : f32
        %gt3A_172 = vector.broadcast %gt3A : f32 to vector<16xf32>
        %gt3A_173 = arith.cmpf ogt, %bitcast_convert_type3A_171, %gt3A_172 : vector<16xf32>
        %mul3A_174 = arith.constant 5.000000e-01 : f32
        %mul3A_175 = vector.broadcast %mul3A_174 : f32 to vector<16xf32>
        %mul3A_176 = arith.mulf %bitcast_convert_type3A_171, %mul3A_175 : vector<16xf32>
        %select_n3A = arith.select %gt3A_173, %mul3A_176, %bitcast_convert_type3A_171 : vector<16xi1>, vector<16xf32>
        %convert_element_type3A_177 = arith.sitofp %sub3A_166 : vector<16xi32> to vector<16xf32>
        %jit3A = arith.constant 1.000000e+00 : f32
        %jit3A_178 = arith.constant 0.000000e+00 : f32
        %broadcast_in_dim3A_179 = vector.broadcast %jit3A : f32 to vector<16xf32>
        %broadcast_in_dim3A_180 = vector.broadcast %jit3A_178 : f32 to vector<16xf32>
        %select_n3A_181 = arith.select %gt3A_173, %broadcast_in_dim3A_179, %broadcast_in_dim3A_180 : vector<16xi1>, vector<16xf32>
        %add3A_182 = arith.addf %convert_element_type3A_177, %select_n3A_181 : vector<16xf32>
        %sub3A_183 = arith.constant 1.000000e+00 : f32
        %sub3A_184 = vector.broadcast %sub3A_183 : f32 to vector<16xf32>
        %sub3A_185 = arith.subf %select_n3A, %sub3A_184 : vector<16xf32>
        %add3A_186 = arith.constant 1.000000e+00 : f32
        %add3A_187 = vector.broadcast %add3A_186 : f32 to vector<16xf32>
        %add3A_188 = arith.addf %select_n3A, %add3A_187 : vector<16xf32>
        %div3A = arith.divf %sub3A_185, %add3A_188 : vector<16xf32>
        %mul3A_189 = arith.mulf %div3A, %div3A : vector<16xf32>
        %mul3A_190 = arith.constant 0.222222224 : f32
        %mul3A_191 = vector.broadcast %mul3A_190 : f32 to vector<16xf32>
        %mul3A_192 = arith.mulf %mul3A_189, %mul3A_191 : vector<16xf32>
        %add3A_193 = arith.constant 0.285714298 : f32
        %add3A_194 = vector.broadcast %add3A_193 : f32 to vector<16xf32>
        %add3A_195 = arith.addf %add3A_194, %mul3A_192 : vector<16xf32>
        %mul3A_196 = arith.mulf %mul3A_189, %add3A_195 : vector<16xf32>
        %add3A_197 = arith.constant 4.000000e-01 : f32
        %add3A_198 = vector.broadcast %add3A_197 : f32 to vector<16xf32>
        %add3A_199 = arith.addf %add3A_198, %mul3A_196 : vector<16xf32>
        %mul3A_200 = arith.mulf %mul3A_189, %add3A_199 : vector<16xf32>
        %add3A_201 = arith.constant 0.666666686 : f32
        %add3A_202 = vector.broadcast %add3A_201 : f32 to vector<16xf32>
        %add3A_203 = arith.addf %add3A_202, %mul3A_200 : vector<16xf32>
        %mul3A_204 = arith.mulf %mul3A_189, %add3A_203 : vector<16xf32>
        %add3A_205 = arith.constant 2.000000e+00 : f32
        %add3A_206 = vector.broadcast %add3A_205 : f32 to vector<16xf32>
        %add3A_207 = arith.addf %add3A_206, %mul3A_204 : vector<16xf32>
        %mul3A_208 = arith.constant 0.693147182 : f32
        %mul3A_209 = vector.broadcast %mul3A_208 : f32 to vector<16xf32>
        %mul3A_210 = arith.mulf %add3A_182, %mul3A_209 : vector<16xf32>
        %mul3A_211 = arith.mulf %div3A, %add3A_207 : vector<16xf32>
        %add3A_212 = arith.addf %mul3A_210, %mul3A_211 : vector<16xf32>
        %mul3A_213 = arith.mulf %get3A_161, %add3A_212 : vector<16xf32>
        %add3A_214 = arith.addf %scan3A_134, %mul3A_213 : vector<16xf32>
        %add3A_215 = arith.addf %scan3A_135, %get3A_161 : vector<16xf32>
        %mul3A_216 = arith.constant 88 : i32
        %mul3A_217 = arith.muli %scan3A_133, %mul3A_216 : i32
        %add3A_218 = arith.constant 16 : i32
        %add3A_219 = arith.addi %mul3A_217, %add3A_218 : i32
        %add3A_220 = vector.broadcast %add3A_219 : i32 to vector<16xi32>
        %add3A_221 = arith.addi %add3A_220, %iota3A : vector<16xi32>
        %get3A_222 = arith.index_cast %add3A_138 : i32 to index
        %get3A_223 = arith.constant 16 : index
        %get3A_224 = tpu.vector_load %arg6[%get3A_222, %get3A_223] {strides = array<i32>} : memref<16x88xi32, #tpu.memory_space<vmem>>, vector<16xi32>,
        %mul3A_225 = arith.constant 2 : i32
        %mul3A_226 = vector.broadcast %mul3A_225 : i32 to vector<16xi32>
        %mul3A_227 = arith.muli %mul3A_226, %get3A_224 : vector<16xi32>
        %sub3A_228 = arith.constant 2 : i32
        %sub3A_229 = vector.broadcast %sub3A_228 : i32 to vector<16xi32>
        %sub3A_230 = arith.subi %mul3A_227, %sub3A_229 : vector<16xi32>
        %max3A_231 = arith.constant 0 : i32
        %max3A_232 = vector.broadcast %max3A_231 : i32 to vector<16xi32>
        %max3A_233 = arith.maxsi %sub3A_230, %max3A_232 : vector<16xi32>
        %min3A_234 = arith.constant 111 : i32
        %min3A_235 = vector.broadcast %min3A_234 : i32 to vector<16xi32>
        %min3A_236 = arith.minsi %max3A_233, %min3A_235 : vector<16xi32>
        %gather3A_237 = tpu.vector_load_idx %arg9[%add3A_221, %min3A_236] : memref<176x112xf32, #tpu.memory_space<vmem>>[vector<16xi32>, vector<16xi32>], vector<16xf32>,
        %add3A_238 = arith.constant 9.99999993E-9 : f32
        %add3A_239 = vector.broadcast %add3A_238 : f32 to vector<16xf32>
        %add3A_240 = arith.addf %gather3A_237, %add3A_239 : vector<16xf32>
        %get3A_241 = arith.index_cast %add3A_138 : i32 to index
        %get3A_242 = arith.constant 16 : index
        %get3A_243 = tpu.vector_load %arg7[%get3A_241, %get3A_242] {strides = array<i32>} : memref<16x88xf32, #tpu.memory_space<vmem>>, vector<16xf32>,
        %bitcast_convert_type3A_244 = tpu.bitcast %add3A_240 : vector<16xf32> -> vector<16xi32>
        %shift_right_arithmetic3A_245 = arith.constant 23 : i32
        %shift_right_arithmetic3A_246 = vector.broadcast %shift_right_arithmetic3A_245 : i32 to vector<16xi32>
        %shift_right_arithmetic3A_247 = arith.shrsi %bitcast_convert_type3A_244, %shift_right_arithmetic3A_246 : vector<16xi32>
        %sub3A_248 = arith.constant 127 : i32
        %sub3A_249 = vector.broadcast %sub3A_248 : i32 to vector<16xi32>
        %sub3A_250 = arith.subi %shift_right_arithmetic3A_247, %sub3A_249 : vector<16xi32>
        %and3A_251 = arith.constant 8388607 : i32
        %and3A_252 = vector.broadcast %and3A_251 : i32 to vector<16xi32>
        %and3A_253 = arith.andi %bitcast_convert_type3A_244, %and3A_252 : vector<16xi32>
        %or3A_254 = arith.constant 1065353216 : i32
        %or3A_255 = vector.broadcast %or3A_254 : i32 to vector<16xi32>
        %or3A_256 = arith.ori %and3A_253, %or3A_255 : vector<16xi32>
        %bitcast_convert_type3A_257 = tpu.bitcast %or3A_256 : vector<16xi32> -> vector<16xf32>
        %gt3A_258 = arith.constant 1.41421354 : f32
        %gt3A_259 = vector.broadcast %gt3A_258 : f32 to vector<16xf32>
        %gt3A_260 = arith.cmpf ogt, %bitcast_convert_type3A_257, %gt3A_259 : vector<16xf32>
        %mul3A_261 = arith.constant 5.000000e-01 : f32
        %mul3A_262 = vector.broadcast %mul3A_261 : f32 to vector<16xf32>
        %mul3A_263 = arith.mulf %bitcast_convert_type3A_257, %mul3A_262 : vector<16xf32>
        %select_n3A_264 = arith.select %gt3A_260, %mul3A_263, %bitcast_convert_type3A_257 : vector<16xi1>, vector<16xf32>
        %convert_element_type3A_265 = arith.sitofp %sub3A_250 : vector<16xi32> to vector<16xf32>
        %jit3A_266 = arith.constant 1.000000e+00 : f32
        %jit3A_267 = arith.constant 0.000000e+00 : f32
        %broadcast_in_dim3A_268 = vector.broadcast %jit3A_266 : f32 to vector<16xf32>
        %broadcast_in_dim3A_269 = vector.broadcast %jit3A_267 : f32 to vector<16xf32>
        %select_n3A_270 = arith.select %gt3A_260, %broadcast_in_dim3A_268, %broadcast_in_dim3A_269 : vector<16xi1>, vector<16xf32>
        %add3A_271 = arith.addf %convert_element_type3A_265, %select_n3A_270 : vector<16xf32>
        %sub3A_272 = arith.constant 1.000000e+00 : f32
        %sub3A_273 = vector.broadcast %sub3A_272 : f32 to vector<16xf32>
        %sub3A_274 = arith.subf %select_n3A_264, %sub3A_273 : vector<16xf32>
        %add3A_275 = arith.constant 1.000000e+00 : f32
        %add3A_276 = vector.broadcast %add3A_275 : f32 to vector<16xf32>
        %add3A_277 = arith.addf %select_n3A_264, %add3A_276 : vector<16xf32>
        %div3A_278 = arith.divf %sub3A_274, %add3A_277 : vector<16xf32>
        %mul3A_279 = arith.mulf %div3A_278, %div3A_278 : vector<16xf32>
        %mul3A_280 = arith.constant 0.222222224 : f32
        %mul3A_281 = vector.broadcast %mul3A_280 : f32 to vector<16xf32>
        %mul3A_282 = arith.mulf %mul3A_279, %mul3A_281 : vector<16xf32>
        %add3A_283 = arith.constant 0.285714298 : f32
        %add3A_284 = vector.broadcast %add3A_283 : f32 to vector<16xf32>
        %add3A_285 = arith.addf %add3A_284, %mul3A_282 : vector<16xf32>
        %mul3A_286 = arith.mulf %mul3A_279, %add3A_285 : vector<16xf32>
        %add3A_287 = arith.constant 4.000000e-01 : f32
        %add3A_288 = vector.broadcast %add3A_287 : f32 to vector<16xf32>
        %add3A_289 = arith.addf %add3A_288, %mul3A_286 : vector<16xf32>
        %mul3A_290 = arith.mulf %mul3A_279, %add3A_289 : vector<16xf32>
        %add3A_291 = arith.constant 0.666666686 : f32
        %add3A_292 = vector.broadcast %add3A_291 : f32 to vector<16xf32>
        %add3A_293 = arith.addf %add3A_292, %mul3A_290 : vector<16xf32>
        %mul3A_294 = arith.mulf %mul3A_279, %add3A_293 : vector<16xf32>
        %add3A_295 = arith.constant 2.000000e+00 : f32
        %add3A_296 = vector.broadcast %add3A_295 : f32 to vector<16xf32>
        %add3A_297 = arith.addf %add3A_296, %mul3A_294 : vector<16xf32>
        %mul3A_298 = arith.constant 0.693147182 : f32
        %mul3A_299 = vector.broadcast %mul3A_298 : f32 to vector<16xf32>
        %mul3A_300 = arith.mulf %add3A_271, %mul3A_299 : vector<16xf32>
        %mul3A_301 = arith.mulf %div3A_278, %add3A_297 : vector<16xf32>
        %add3A_302 = arith.addf %mul3A_300, %mul3A_301 : vector<16xf32>
        %mul3A_303 = arith.mulf %get3A_243, %add3A_302 : vector<16xf32>
        %add3A_304 = arith.addf %add3A_214, %mul3A_303 : vector<16xf32>
        %add3A_305 = arith.addf %add3A_215, %get3A_243 : vector<16xf32>
        %mul3A_306 = arith.constant 88 : i32
        %mul3A_307 = arith.muli %scan3A_133, %mul3A_306 : i32
        %add3A_308 = arith.constant 32 : i32
        %add3A_309 = arith.addi %mul3A_307, %add3A_308 : i32
        %add3A_310 = vector.broadcast %add3A_309 : i32 to vector<16xi32>
        %add3A_311 = arith.addi %add3A_310, %iota3A : vector<16xi32>
        %get3A_312 = arith.index_cast %add3A_138 : i32 to index
        %get3A_313 = arith.constant 32 : index
        %get3A_314 = tpu.vector_load %arg6[%get3A_312, %get3A_313] {strides = array<i32>} : memref<16x88xi32, #tpu.memory_space<vmem>>, vector<16xi32>,
        %mul3A_315 = arith.constant 2 : i32
        %mul3A_316 = vector.broadcast %mul3A_315 : i32 to vector<16xi32>
        %mul3A_317 = arith.muli %mul3A_316, %get3A_314 : vector<16xi32>
        %sub3A_318 = arith.constant 2 : i32
        %sub3A_319 = vector.broadcast %sub3A_318 : i32 to vector<16xi32>
        %sub3A_320 = arith.subi %mul3A_317, %sub3A_319 : vector<16xi32>
        %max3A_321 = arith.constant 0 : i32
        %max3A_322 = vector.broadcast %max3A_321 : i32 to vector<16xi32>
        %max3A_323 = arith.maxsi %sub3A_320, %max3A_322 : vector<16xi32>
        %min3A_324 = arith.constant 111 : i32
        %min3A_325 = vector.broadcast %min3A_324 : i32 to vector<16xi32>
        %min3A_326 = arith.minsi %max3A_323, %min3A_325 : vector<16xi32>
        %gather3A_327 = tpu.vector_load_idx %arg9[%add3A_311, %min3A_326] : memref<176x112xf32, #tpu.memory_space<vmem>>[vector<16xi32>, vector<16xi32>], vector<16xf32>,
        %add3A_328 = arith.constant 9.99999993E-9 : f32
        %add3A_329 = vector.broadcast %add3A_328 : f32 to vector<16xf32>
        %add3A_330 = arith.addf %gather3A_327, %add3A_329 : vector<16xf32>
        %get3A_331 = arith.index_cast %add3A_138 : i32 to index
        %get3A_332 = arith.constant 32 : index
        %get3A_333 = tpu.vector_load %arg7[%get3A_331, %get3A_332] {strides = array<i32>} : memref<16x88xf32, #tpu.memory_space<vmem>>, vector<16xf32>,
        %bitcast_convert_type3A_334 = tpu.bitcast %add3A_330 : vector<16xf32> -> vector<16xi32>
        %shift_right_arithmetic3A_335 = arith.constant 23 : i32
        %shift_right_arithmetic3A_336 = vector.broadcast %shift_right_arithmetic3A_335 : i32 to vector<16xi32>
        %shift_right_arithmetic3A_337 = arith.shrsi %bitcast_convert_type3A_334, %shift_right_arithmetic3A_336 : vector<16xi32>
        %sub3A_338 = arith.constant 127 : i32
        %sub3A_339 = vector.broadcast %sub3A_338 : i32 to vector<16xi32>
        %sub3A_340 = arith.subi %shift_right_arithmetic3A_337, %sub3A_339 : vector<16xi32>
        %and3A_341 = arith.constant 8388607 : i32
        %and3A_342 = vector.broadcast %and3A_341 : i32 to vector<16xi32>
        %and3A_343 = arith.andi %bitcast_convert_type3A_334, %and3A_342 : vector<16xi32>
        %or3A_344 = arith.constant 1065353216 : i32
        %or3A_345 = vector.broadcast %or3A_344 : i32 to vector<16xi32>
        %or3A_346 = arith.ori %and3A_343, %or3A_345 : vector<16xi32>
        %bitcast_convert_type3A_347 = tpu.bitcast %or3A_346 : vector<16xi32> -> vector<16xf32>
        %gt3A_348 = arith.constant 1.41421354 : f32
        %gt3A_349 = vector.broadcast %gt3A_348 : f32 to vector<16xf32>
        %gt3A_350 = arith.cmpf ogt, %bitcast_convert_type3A_347, %gt3A_349 : vector<16xf32>
        %mul3A_351 = arith.constant 5.000000e-01 : f32
        %mul3A_352 = vector.broadcast %mul3A_351 : f32 to vector<16xf32>
        %mul3A_353 = arith.mulf %bitcast_convert_type3A_347, %mul3A_352 : vector<16xf32>
        %select_n3A_354 = arith.select %gt3A_350, %mul3A_353, %bitcast_convert_type3A_347 : vector<16xi1>, vector<16xf32>
        %convert_element_type3A_355 = arith.sitofp %sub3A_340 : vector<16xi32> to vector<16xf32>
        %jit3A_356 = arith.constant 1.000000e+00 : f32
        %jit3A_357 = arith.constant 0.000000e+00 : f32
        %broadcast_in_dim3A_358 = vector.broadcast %jit3A_356 : f32 to vector<16xf32>
        %broadcast_in_dim3A_359 = vector.broadcast %jit3A_357 : f32 to vector<16xf32>
        %select_n3A_360 = arith.select %gt3A_350, %broadcast_in_dim3A_358, %broadcast_in_dim3A_359 : vector<16xi1>, vector<16xf32>
        %add3A_361 = arith.addf %convert_element_type3A_355, %select_n3A_360 : vector<16xf32>
        %sub3A_362 = arith.constant 1.000000e+00 : f32
        %sub3A_363 = vector.broadcast %sub3A_362 : f32 to vector<16xf32>
        %sub3A_364 = arith.subf %select_n3A_354, %sub3A_363 : vector<16xf32>
        %add3A_365 = arith.constant 1.000000e+00 : f32
        %add3A_366 = vector.broadcast %add3A_365 : f32 to vector<16xf32>
        %add3A_367 = arith.addf %select_n3A_354, %add3A_366 : vector<16xf32>
        %div3A_368 = arith.divf %sub3A_364, %add3A_367 : vector<16xf32>
        %mul3A_369 = arith.mulf %div3A_368, %div3A_368 : vector<16xf32>
        %mul3A_370 = arith.constant 0.222222224 : f32
        %mul3A_371 = vector.broadcast %mul3A_370 : f32 to vector<16xf32>
        %mul3A_372 = arith.mulf %mul3A_369, %mul3A_371 : vector<16xf32>
        %add3A_373 = arith.constant 0.285714298 : f32
        %add3A_374 = vector.broadcast %add3A_373 : f32 to vector<16xf32>
        %add3A_375 = arith.addf %add3A_374, %mul3A_372 : vector<16xf32>
        %mul3A_376 = arith.mulf %mul3A_369, %add3A_375 : vector<16xf32>
        %add3A_377 = arith.constant 4.000000e-01 : f32
        %add3A_378 = vector.broadcast %add3A_377 : f32 to vector<16xf32>
        %add3A_379 = arith.addf %add3A_378, %mul3A_376 : vector<16xf32>
        %mul3A_380 = arith.mulf %mul3A_369, %add3A_379 : vector<16xf32>
        %add3A_381 = arith.constant 0.666666686 : f32
        %add3A_382 = vector.broadcast %add3A_381 : f32 to vector<16xf32>
        %add3A_383 = arith.addf %add3A_382, %mul3A_380 : vector<16xf32>
        %mul3A_384 = arith.mulf %mul3A_369, %add3A_383 : vector<16xf32>
        %add3A_385 = arith.constant 2.000000e+00 : f32
        %add3A_386 = vector.broadcast %add3A_385 : f32 to vector<16xf32>
        %add3A_387 = arith.addf %add3A_386, %mul3A_384 : vector<16xf32>
        %mul3A_388 = arith.constant 0.693147182 : f32
        %mul3A_389 = vector.broadcast %mul3A_388 : f32 to vector<16xf32>
        %mul3A_390 = arith.mulf %add3A_361, %mul3A_389 : vector<16xf32>
        %mul3A_391 = arith.mulf %div3A_368, %add3A_387 : vector<16xf32>
        %add3A_392 = arith.addf %mul3A_390, %mul3A_391 : vector<16xf32>
        %mul3A_393 = arith.mulf %get3A_333, %add3A_392 : vector<16xf32>
        %add3A_394 = arith.addf %add3A_304, %mul3A_393 : vector<16xf32>
        %add3A_395 = arith.addf %add3A_305, %get3A_333 : vector<16xf32>
        %mul3A_396 = arith.constant 88 : i32
        %mul3A_397 = arith.muli %scan3A_133, %mul3A_396 : i32
        %add3A_398 = arith.constant 48 : i32
        %add3A_399 = arith.addi %mul3A_397, %add3A_398 : i32
        %add3A_400 = vector.broadcast %add3A_399 : i32 to vector<16xi32>
        %add3A_401 = arith.addi %add3A_400, %iota3A : vector<16xi32>
        %get3A_402 = arith.index_cast %add3A_138 : i32 to index
        %get3A_403 = arith.constant 48 : index
        %get3A_404 = tpu.vector_load %arg6[%get3A_402, %get3A_403] {strides = array<i32>} : memref<16x88xi32, #tpu.memory_space<vmem>>, vector<16xi32>,
        %mul3A_405 = arith.constant 2 : i32
        %mul3A_406 = vector.broadcast %mul3A_405 : i32 to vector<16xi32>
        %mul3A_407 = arith.muli %mul3A_406, %get3A_404 : vector<16xi32>
        %sub3A_408 = arith.constant 2 : i32
        %sub3A_409 = vector.broadcast %sub3A_408 : i32 to vector<16xi32>
        %sub3A_410 = arith.subi %mul3A_407, %sub3A_409 : vector<16xi32>
        %max3A_411 = arith.constant 0 : i32
        %max3A_412 = vector.broadcast %max3A_411 : i32 to vector<16xi32>
        %max3A_413 = arith.maxsi %sub3A_410, %max3A_412 : vector<16xi32>
        %min3A_414 = arith.constant 111 : i32
        %min3A_415 = vector.broadcast %min3A_414 : i32 to vector<16xi32>
        %min3A_416 = arith.minsi %max3A_413, %min3A_415 : vector<16xi32>
        %gather3A_417 = tpu.vector_load_idx %arg9[%add3A_401, %min3A_416] : memref<176x112xf32, #tpu.memory_space<vmem>>[vector<16xi32>, vector<16xi32>], vector<16xf32>,
        %add3A_418 = arith.constant 9.99999993E-9 : f32
        %add3A_419 = vector.broadcast %add3A_418 : f32 to vector<16xf32>
        %add3A_420 = arith.addf %gather3A_417, %add3A_419 : vector<16xf32>
        %get3A_421 = arith.index_cast %add3A_138 : i32 to index
        %get3A_422 = arith.constant 48 : index
        %get3A_423 = tpu.vector_load %arg7[%get3A_421, %get3A_422] {strides = array<i32>} : memref<16x88xf32, #tpu.memory_space<vmem>>, vector<16xf32>,
        %bitcast_convert_type3A_424 = tpu.bitcast %add3A_420 : vector<16xf32> -> vector<16xi32>
        %shift_right_arithmetic3A_425 = arith.constant 23 : i32
        %shift_right_arithmetic3A_426 = vector.broadcast %shift_right_arithmetic3A_425 : i32 to vector<16xi32>
        %shift_right_arithmetic3A_427 = arith.shrsi %bitcast_convert_type3A_424, %shift_right_arithmetic3A_426 : vector<16xi32>
        %sub3A_428 = arith.constant 127 : i32
        %sub3A_429 = vector.broadcast %sub3A_428 : i32 to vector<16xi32>
        %sub3A_430 = arith.subi %shift_right_arithmetic3A_427, %sub3A_429 : vector<16xi32>
        %and3A_431 = arith.constant 8388607 : i32
        %and3A_432 = vector.broadcast %and3A_431 : i32 to vector<16xi32>
        %and3A_433 = arith.andi %bitcast_convert_type3A_424, %and3A_432 : vector<16xi32>
        %or3A_434 = arith.constant 1065353216 : i32
        %or3A_435 = vector.broadcast %or3A_434 : i32 to vector<16xi32>
        %or3A_436 = arith.ori %and3A_433, %or3A_435 : vector<16xi32>
        %bitcast_convert_type3A_437 = tpu.bitcast %or3A_436 : vector<16xi32> -> vector<16xf32>
        %gt3A_438 = arith.constant 1.41421354 : f32
        %gt3A_439 = vector.broadcast %gt3A_438 : f32 to vector<16xf32>
        %gt3A_440 = arith.cmpf ogt, %bitcast_convert_type3A_437, %gt3A_439 : vector<16xf32>
        %mul3A_441 = arith.constant 5.000000e-01 : f32
        %mul3A_442 = vector.broadcast %mul3A_441 : f32 to vector<16xf32>
        %mul3A_443 = arith.mulf %bitcast_convert_type3A_437, %mul3A_442 : vector<16xf32>
        %select_n3A_444 = arith.select %gt3A_440, %mul3A_443, %bitcast_convert_type3A_437 : vector<16xi1>, vector<16xf32>
        %convert_element_type3A_445 = arith.sitofp %sub3A_430 : vector<16xi32> to vector<16xf32>
        %jit3A_446 = arith.constant 1.000000e+00 : f32
        %jit3A_447 = arith.constant 0.000000e+00 : f32
        %broadcast_in_dim3A_448 = vector.broadcast %jit3A_446 : f32 to vector<16xf32>
        %broadcast_in_dim3A_449 = vector.broadcast %jit3A_447 : f32 to vector<16xf32>
        %select_n3A_450 = arith.select %gt3A_440, %broadcast_in_dim3A_448, %broadcast_in_dim3A_449 : vector<16xi1>, vector<16xf32>
        %add3A_451 = arith.addf %convert_element_type3A_445, %select_n3A_450 : vector<16xf32>
        %sub3A_452 = arith.constant 1.000000e+00 : f32
        %sub3A_453 = vector.broadcast %sub3A_452 : f32 to vector<16xf32>
        %sub3A_454 = arith.subf %select_n3A_444, %sub3A_453 : vector<16xf32>
        %add3A_455 = arith.constant 1.000000e+00 : f32
        %add3A_456 = vector.broadcast %add3A_455 : f32 to vector<16xf32>
        %add3A_457 = arith.addf %select_n3A_444, %add3A_456 : vector<16xf32>
        %div3A_458 = arith.divf %sub3A_454, %add3A_457 : vector<16xf32>
        %mul3A_459 = arith.mulf %div3A_458, %div3A_458 : vector<16xf32>
        %mul3A_460 = arith.constant 0.222222224 : f32
        %mul3A_461 = vector.broadcast %mul3A_460 : f32 to vector<16xf32>
        %mul3A_462 = arith.mulf %mul3A_459, %mul3A_461 : vector<16xf32>
        %add3A_463 = arith.constant 0.285714298 : f32
        %add3A_464 = vector.broadcast %add3A_463 : f32 to vector<16xf32>
        %add3A_465 = arith.addf %add3A_464, %mul3A_462 : vector<16xf32>
        %mul3A_466 = arith.mulf %mul3A_459, %add3A_465 : vector<16xf32>
        %add3A_467 = arith.constant 4.000000e-01 : f32
        %add3A_468 = vector.broadcast %add3A_467 : f32 to vector<16xf32>
        %add3A_469 = arith.addf %add3A_468, %mul3A_466 : vector<16xf32>
        %mul3A_470 = arith.mulf %mul3A_459, %add3A_469 : vector<16xf32>
        %add3A_471 = arith.constant 0.666666686 : f32
        %add3A_472 = vector.broadcast %add3A_471 : f32 to vector<16xf32>
        %add3A_473 = arith.addf %add3A_472, %mul3A_470 : vector<16xf32>
        %mul3A_474 = arith.mulf %mul3A_459, %add3A_473 : vector<16xf32>
        %add3A_475 = arith.constant 2.000000e+00 : f32
        %add3A_476 = vector.broadcast %add3A_475 : f32 to vector<16xf32>
        %add3A_477 = arith.addf %add3A_476, %mul3A_474 : vector<16xf32>
        %mul3A_478 = arith.constant 0.693147182 : f32
        %mul3A_479 = vector.broadcast %mul3A_478 : f32 to vector<16xf32>
        %mul3A_480 = arith.mulf %add3A_451, %mul3A_479 : vector<16xf32>
        %mul3A_481 = arith.mulf %div3A_458, %add3A_477 : vector<16xf32>
        %add3A_482 = arith.addf %mul3A_480, %mul3A_481 : vector<16xf32>
        %mul3A_483 = arith.mulf %get3A_423, %add3A_482 : vector<16xf32>
        %add3A_484 = arith.addf %add3A_394, %mul3A_483 : vector<16xf32>
        %add3A_485 = arith.addf %add3A_395, %get3A_423 : vector<16xf32>
        %mul3A_486 = arith.constant 88 : i32
        %mul3A_487 = arith.muli %scan3A_133, %mul3A_486 : i32
        %add3A_488 = arith.constant 64 : i32
        %add3A_489 = arith.addi %mul3A_487, %add3A_488 : i32
        %add3A_490 = vector.broadcast %add3A_489 : i32 to vector<16xi32>
        %add3A_491 = arith.addi %add3A_490, %iota3A : vector<16xi32>
        %get3A_492 = arith.index_cast %add3A_138 : i32 to index
        %get3A_493 = arith.constant 64 : index
        %get3A_494 = tpu.vector_load %arg6[%get3A_492, %get3A_493] {strides = array<i32>} : memref<16x88xi32, #tpu.memory_space<vmem>>, vector<16xi32>,
        %mul3A_495 = arith.constant 2 : i32
        %mul3A_496 = vector.broadcast %mul3A_495 : i32 to vector<16xi32>
        %mul3A_497 = arith.muli %mul3A_496, %get3A_494 : vector<16xi32>
        %sub3A_498 = arith.constant 2 : i32
        %sub3A_499 = vector.broadcast %sub3A_498 : i32 to vector<16xi32>
        %sub3A_500 = arith.subi %mul3A_497, %sub3A_499 : vector<16xi32>
        %max3A_501 = arith.constant 0 : i32
        %max3A_502 = vector.broadcast %max3A_501 : i32 to vector<16xi32>
        %max3A_503 = arith.maxsi %sub3A_500, %max3A_502 : vector<16xi32>
        %min3A_504 = arith.constant 111 : i32
        %min3A_505 = vector.broadcast %min3A_504 : i32 to vector<16xi32>
        %min3A_506 = arith.minsi %max3A_503, %min3A_505 : vector<16xi32>
        %gather3A_507 = tpu.vector_load_idx %arg9[%add3A_491, %min3A_506] : memref<176x112xf32, #tpu.memory_space<vmem>>[vector<16xi32>, vector<16xi32>], vector<16xf32>,
        %add3A_508 = arith.constant 9.99999993E-9 : f32
        %add3A_509 = vector.broadcast %add3A_508 : f32 to vector<16xf32>
        %add3A_510 = arith.addf %gather3A_507, %add3A_509 : vector<16xf32>
        %get3A_511 = arith.index_cast %add3A_138 : i32 to index
        %get3A_512 = arith.constant 64 : index
        %get3A_513 = tpu.vector_load %arg7[%get3A_511, %get3A_512] {strides = array<i32>} : memref<16x88xf32, #tpu.memory_space<vmem>>, vector<16xf32>,
        %bitcast_convert_type3A_514 = tpu.bitcast %add3A_510 : vector<16xf32> -> vector<16xi32>
        %shift_right_arithmetic3A_515 = arith.constant 23 : i32
        %shift_right_arithmetic3A_516 = vector.broadcast %shift_right_arithmetic3A_515 : i32 to vector<16xi32>
        %shift_right_arithmetic3A_517 = arith.shrsi %bitcast_convert_type3A_514, %shift_right_arithmetic3A_516 : vector<16xi32>
        %sub3A_518 = arith.constant 127 : i32
        %sub3A_519 = vector.broadcast %sub3A_518 : i32 to vector<16xi32>
        %sub3A_520 = arith.subi %shift_right_arithmetic3A_517, %sub3A_519 : vector<16xi32>
        %and3A_521 = arith.constant 8388607 : i32
        %and3A_522 = vector.broadcast %and3A_521 : i32 to vector<16xi32>
        %and3A_523 = arith.andi %bitcast_convert_type3A_514, %and3A_522 : vector<16xi32>
        %or3A_524 = arith.constant 1065353216 : i32
        %or3A_525 = vector.broadcast %or3A_524 : i32 to vector<16xi32>
        %or3A_526 = arith.ori %and3A_523, %or3A_525 : vector<16xi32>
        %bitcast_convert_type3A_527 = tpu.bitcast %or3A_526 : vector<16xi32> -> vector<16xf32>
        %gt3A_528 = arith.constant 1.41421354 : f32
        %gt3A_529 = vector.broadcast %gt3A_528 : f32 to vector<16xf32>
        %gt3A_530 = arith.cmpf ogt, %bitcast_convert_type3A_527, %gt3A_529 : vector<16xf32>
        %mul3A_531 = arith.constant 5.000000e-01 : f32
        %mul3A_532 = vector.broadcast %mul3A_531 : f32 to vector<16xf32>
        %mul3A_533 = arith.mulf %bitcast_convert_type3A_527, %mul3A_532 : vector<16xf32>
        %select_n3A_534 = arith.select %gt3A_530, %mul3A_533, %bitcast_convert_type3A_527 : vector<16xi1>, vector<16xf32>
        %convert_element_type3A_535 = arith.sitofp %sub3A_520 : vector<16xi32> to vector<16xf32>
        %jit3A_536 = arith.constant 1.000000e+00 : f32
        %jit3A_537 = arith.constant 0.000000e+00 : f32
        %broadcast_in_dim3A_538 = vector.broadcast %jit3A_536 : f32 to vector<16xf32>
        %broadcast_in_dim3A_539 = vector.broadcast %jit3A_537 : f32 to vector<16xf32>
        %select_n3A_540 = arith.select %gt3A_530, %broadcast_in_dim3A_538, %broadcast_in_dim3A_539 : vector<16xi1>, vector<16xf32>
        %add3A_541 = arith.addf %convert_element_type3A_535, %select_n3A_540 : vector<16xf32>
        %sub3A_542 = arith.constant 1.000000e+00 : f32
        %sub3A_543 = vector.broadcast %sub3A_542 : f32 to vector<16xf32>
        %sub3A_544 = arith.subf %select_n3A_534, %sub3A_543 : vector<16xf32>
        %add3A_545 = arith.constant 1.000000e+00 : f32
        %add3A_546 = vector.broadcast %add3A_545 : f32 to vector<16xf32>
        %add3A_547 = arith.addf %select_n3A_534, %add3A_546 : vector<16xf32>
        %div3A_548 = arith.divf %sub3A_544, %add3A_547 : vector<16xf32>
        %mul3A_549 = arith.mulf %div3A_548, %div3A_548 : vector<16xf32>
        %mul3A_550 = arith.constant 0.222222224 : f32
        %mul3A_551 = vector.broadcast %mul3A_550 : f32 to vector<16xf32>
        %mul3A_552 = arith.mulf %mul3A_549, %mul3A_551 : vector<16xf32>
        %add3A_553 = arith.constant 0.285714298 : f32
        %add3A_554 = vector.broadcast %add3A_553 : f32 to vector<16xf32>
        %add3A_555 = arith.addf %add3A_554, %mul3A_552 : vector<16xf32>
        %mul3A_556 = arith.mulf %mul3A_549, %add3A_555 : vector<16xf32>
        %add3A_557 = arith.constant 4.000000e-01 : f32
        %add3A_558 = vector.broadcast %add3A_557 : f32 to vector<16xf32>
        %add3A_559 = arith.addf %add3A_558, %mul3A_556 : vector<16xf32>
        %mul3A_560 = arith.mulf %mul3A_549, %add3A_559 : vector<16xf32>
        %add3A_561 = arith.constant 0.666666686 : f32
        %add3A_562 = vector.broadcast %add3A_561 : f32 to vector<16xf32>
        %add3A_563 = arith.addf %add3A_562, %mul3A_560 : vector<16xf32>
        %mul3A_564 = arith.mulf %mul3A_549, %add3A_563 : vector<16xf32>
        %add3A_565 = arith.constant 2.000000e+00 : f32
        %add3A_566 = vector.broadcast %add3A_565 : f32 to vector<16xf32>
        %add3A_567 = arith.addf %add3A_566, %mul3A_564 : vector<16xf32>
        %mul3A_568 = arith.constant 0.693147182 : f32
        %mul3A_569 = vector.broadcast %mul3A_568 : f32 to vector<16xf32>
        %mul3A_570 = arith.mulf %add3A_541, %mul3A_569 : vector<16xf32>
        %mul3A_571 = arith.mulf %div3A_548, %add3A_567 : vector<16xf32>
        %add3A_572 = arith.addf %mul3A_570, %mul3A_571 : vector<16xf32>
        %mul3A_573 = arith.mulf %get3A_513, %add3A_572 : vector<16xf32>
        %add3A_574 = arith.addf %add3A_484, %mul3A_573 : vector<16xf32>
        %add3A_575 = arith.addf %add3A_485, %get3A_513 : vector<16xf32>
        %mul3A_576 = arith.constant 88 : i32
        %mul3A_577 = arith.muli %scan3A_133, %mul3A_576 : i32
        %add3A_578 = arith.constant 72 : i32
        %add3A_579 = arith.addi %mul3A_577, %add3A_578 : i32
        %add3A_580 = vector.broadcast %add3A_579 : i32 to vector<16xi32>
        %add3A_581 = arith.addi %add3A_580, %iota3A : vector<16xi32>
        %get3A_582 = arith.index_cast %add3A_138 : i32 to index
        %get3A_583 = arith.constant 72 : index
        %get3A_584 = tpu.vector_load %arg6[%get3A_582, %get3A_583] {strides = array<i32>} : memref<16x88xi32, #tpu.memory_space<vmem>>, vector<16xi32>,
        %mul3A_585 = arith.constant 2 : i32
        %mul3A_586 = vector.broadcast %mul3A_585 : i32 to vector<16xi32>
        %mul3A_587 = arith.muli %mul3A_586, %get3A_584 : vector<16xi32>
        %sub3A_588 = arith.constant 2 : i32
        %sub3A_589 = vector.broadcast %sub3A_588 : i32 to vector<16xi32>
        %sub3A_590 = arith.subi %mul3A_587, %sub3A_589 : vector<16xi32>
        %max3A_591 = arith.constant 0 : i32
        %max3A_592 = vector.broadcast %max3A_591 : i32 to vector<16xi32>
        %max3A_593 = arith.maxsi %sub3A_590, %max3A_592 : vector<16xi32>
        %min3A_594 = arith.constant 111 : i32
        %min3A_595 = vector.broadcast %min3A_594 : i32 to vector<16xi32>
        %min3A_596 = arith.minsi %max3A_593, %min3A_595 : vector<16xi32>
        %gather3A_597 = tpu.vector_load_idx %arg9[%add3A_581, %min3A_596] : memref<176x112xf32, #tpu.memory_space<vmem>>[vector<16xi32>, vector<16xi32>], vector<16xf32>,
        %add3A_598 = arith.constant 9.99999993E-9 : f32
        %add3A_599 = vector.broadcast %add3A_598 : f32 to vector<16xf32>
        %add3A_600 = arith.addf %gather3A_597, %add3A_599 : vector<16xf32>
        %get3A_601 = arith.index_cast %add3A_138 : i32 to index
        %get3A_602 = arith.constant 72 : index
        %get3A_603 = tpu.vector_load %arg7[%get3A_601, %get3A_602] {strides = array<i32>} : memref<16x88xf32, #tpu.memory_space<vmem>>, vector<16xf32>,
        %ge3A = arith.constant 8 : i32
        %ge3A_604 = vector.broadcast %ge3A : i32 to vector<16xi32>
        %ge3A_605 = arith.cmpi sge, %iota3A, %ge3A_604 : vector<16xi32>
        %jit3A_606 = arith.constant 0.000000e+00 : f32
        %broadcast_in_dim3A_607 = vector.broadcast %jit3A_606 : f32 to vector<16xf32>
        %select_n3A_608 = arith.select %ge3A_605, %get3A_603, %broadcast_in_dim3A_607 : vector<16xi1>, vector<16xf32>
        %bitcast_convert_type3A_609 = tpu.bitcast %add3A_600 : vector<16xf32> -> vector<16xi32>
        %shift_right_arithmetic3A_610 = arith.constant 23 : i32
        %shift_right_arithmetic3A_611 = vector.broadcast %shift_right_arithmetic3A_610 : i32 to vector<16xi32>
        %shift_right_arithmetic3A_612 = arith.shrsi %bitcast_convert_type3A_609, %shift_right_arithmetic3A_611 : vector<16xi32>
        %sub3A_613 = arith.constant 127 : i32
        %sub3A_614 = vector.broadcast %sub3A_613 : i32 to vector<16xi32>
        %sub3A_615 = arith.subi %shift_right_arithmetic3A_612, %sub3A_614 : vector<16xi32>
        %and3A_616 = arith.constant 8388607 : i32
        %and3A_617 = vector.broadcast %and3A_616 : i32 to vector<16xi32>
        %and3A_618 = arith.andi %bitcast_convert_type3A_609, %and3A_617 : vector<16xi32>
        %or3A_619 = arith.constant 1065353216 : i32
        %or3A_620 = vector.broadcast %or3A_619 : i32 to vector<16xi32>
        %or3A_621 = arith.ori %and3A_618, %or3A_620 : vector<16xi32>
        %bitcast_convert_type3A_622 = tpu.bitcast %or3A_621 : vector<16xi32> -> vector<16xf32>
        %gt3A_623 = arith.constant 1.41421354 : f32
        %gt3A_624 = vector.broadcast %gt3A_623 : f32 to vector<16xf32>
        %gt3A_625 = arith.cmpf ogt, %bitcast_convert_type3A_622, %gt3A_624 : vector<16xf32>
        %mul3A_626 = arith.constant 5.000000e-01 : f32
        %mul3A_627 = vector.broadcast %mul3A_626 : f32 to vector<16xf32>
        %mul3A_628 = arith.mulf %bitcast_convert_type3A_622, %mul3A_627 : vector<16xf32>
        %select_n3A_629 = arith.select %gt3A_625, %mul3A_628, %bitcast_convert_type3A_622 : vector<16xi1>, vector<16xf32>
        %convert_element_type3A_630 = arith.sitofp %sub3A_615 : vector<16xi32> to vector<16xf32>
        %jit3A_631 = arith.constant 1.000000e+00 : f32
        %jit3A_632 = arith.constant 0.000000e+00 : f32
        %broadcast_in_dim3A_633 = vector.broadcast %jit3A_631 : f32 to vector<16xf32>
        %broadcast_in_dim3A_634 = vector.broadcast %jit3A_632 : f32 to vector<16xf32>
        %select_n3A_635 = arith.select %gt3A_625, %broadcast_in_dim3A_633, %broadcast_in_dim3A_634 : vector<16xi1>, vector<16xf32>
        %add3A_636 = arith.addf %convert_element_type3A_630, %select_n3A_635 : vector<16xf32>
        %sub3A_637 = arith.constant 1.000000e+00 : f32
        %sub3A_638 = vector.broadcast %sub3A_637 : f32 to vector<16xf32>
        %sub3A_639 = arith.subf %select_n3A_629, %sub3A_638 : vector<16xf32>
        %add3A_640 = arith.constant 1.000000e+00 : f32
        %add3A_641 = vector.broadcast %add3A_640 : f32 to vector<16xf32>
        %add3A_642 = arith.addf %select_n3A_629, %add3A_641 : vector<16xf32>
        %div3A_643 = arith.divf %sub3A_639, %add3A_642 : vector<16xf32>
        %mul3A_644 = arith.mulf %div3A_643, %div3A_643 : vector<16xf32>
        %mul3A_645 = arith.constant 0.222222224 : f32
        %mul3A_646 = vector.broadcast %mul3A_645 : f32 to vector<16xf32>
        %mul3A_647 = arith.mulf %mul3A_644, %mul3A_646 : vector<16xf32>
        %add3A_648 = arith.constant 0.285714298 : f32
        %add3A_649 = vector.broadcast %add3A_648 : f32 to vector<16xf32>
        %add3A_650 = arith.addf %add3A_649, %mul3A_647 : vector<16xf32>
        %mul3A_651 = arith.mulf %mul3A_644, %add3A_650 : vector<16xf32>
        %add3A_652 = arith.constant 4.000000e-01 : f32
        %add3A_653 = vector.broadcast %add3A_652 : f32 to vector<16xf32>
        %add3A_654 = arith.addf %add3A_653, %mul3A_651 : vector<16xf32>
        %mul3A_655 = arith.mulf %mul3A_644, %add3A_654 : vector<16xf32>
        %add3A_656 = arith.constant 0.666666686 : f32
        %add3A_657 = vector.broadcast %add3A_656 : f32 to vector<16xf32>
        %add3A_658 = arith.addf %add3A_657, %mul3A_655 : vector<16xf32>
        %mul3A_659 = arith.mulf %mul3A_644, %add3A_658 : vector<16xf32>
        %add3A_660 = arith.constant 2.000000e+00 : f32
        %add3A_661 = vector.broadcast %add3A_660 : f32 to vector<16xf32>
        %add3A_662 = arith.addf %add3A_661, %mul3A_659 : vector<16xf32>
        %mul3A_663 = arith.constant 0.693147182 : f32
        %mul3A_664 = vector.broadcast %mul3A_663 : f32 to vector<16xf32>
        %mul3A_665 = arith.mulf %add3A_636, %mul3A_664 : vector<16xf32>
        %mul3A_666 = arith.mulf %div3A_643, %add3A_662 : vector<16xf32>
        %add3A_667 = arith.addf %mul3A_665, %mul3A_666 : vector<16xf32>
        %mul3A_668 = arith.mulf %select_n3A_608, %add3A_667 : vector<16xf32>
        %add3A_669 = arith.addf %add3A_574, %mul3A_668 : vector<16xf32>
        %add3A_670 = arith.addf %add3A_575, %select_n3A_608 : vector<16xf32>
        scf.yield %add3A_669, %add3A_670 : vector<16xf32>, vector<16xf32>
      }
      %scan3A_77 = arith.constant 2 : i32
      %add3A_78 = arith.constant 4 : i32
      %add3A_79 = arith.addi %add3A_64, %add3A_78 : i32
      %lt3A_80 = arith.constant 8 : i32
      %lt3A_81 = arith.cmpi slt, %add3A_79, %lt3A_80 : i32
      %convert_element_type3A_82 = arith.extui %lt3A_81 : i1 to i32
      %cond3A_83 = arith.constant 0 : i32
      %cond3A_84 = arith.cmpi ne, %convert_element_type3A_82, %cond3A_83 : i32
      scf.if %cond3A_84 {
        %add3A_133 = arith.constant 4 : i32
        %add3A_134 = arith.addi %add3A_64, %add3A_133 : i32
        %mul3A_135 = arith.constant 176 : i32
        %mul3A_136 = arith.muli %add3A_134, %mul3A_135 : i32
        %add3A_137 = arith.addi %mul3A_4, %mul3A_136 : i32
        %dma_start3A_138 = arith.constant 0 : i32
        %dma_start3A_139 = tpu.memref_slice %arg2[%add3A_137, %dma_start3A_138] : memref<67584x112xf32, #tpu.memory_space<hbm>> -> memref<176x112xf32, #tpu.memory_space<hbm>>
        %dma_start3A_140 = arith.constant 0 : i32
        %dma_start3A_141 = tpu.memref_slice %arg2[%add3A_137, %dma_start3A_140] : memref<67584x112xf32, #tpu.memory_space<hbm>> -> memref<176x112xf32, #tpu.memory_space<hbm>>
        tpu.enqueue_dma source(%dma_start3A_141 : memref<176x112xf32, #tpu.memory_space<hbm>>) target(%arg9 : memref<176x112xf32, #tpu.memory_space<vmem>>) target_semaphore(%arg14 : memref<!tpu.dma_semaphore, #tpu.memory_space<semaphore_mem>>)
      } else {
      }
      %mul3A_85 = arith.constant 4 : i32
      %mul3A_86 = arith.muli %mul3A_85, %scan3A_38 : i32
      %add3A_87 = arith.constant 2 : i32
      %add3A_88 = arith.addi %mul3A_86, %add3A_87 : i32
      %mul3A_89 = arith.constant 176 : i32
      %mul3A_90 = arith.muli %add3A_88, %mul3A_89 : i32
      %add3A_91 = arith.addi %mul3A_4, %mul3A_90 : i32
      %dma_wait3A_92 = arith.constant 0 : i32
      %dma_wait3A_93 = tpu.memref_slice %arg2[%add3A_91, %dma_wait3A_92] : memref<67584x112xf32, #tpu.memory_space<hbm>> -> memref<176x112xf32, #tpu.memory_space<hbm>>
      %dma_wait3A_94 = arith.constant 0 : i32
      %dma_wait3A_95 = tpu.memref_slice %arg2[%add3A_91, %dma_wait3A_94] : memref<67584x112xf32, #tpu.memory_space<hbm>> -> memref<176x112xf32, #tpu.memory_space<hbm>>
      tpu.wait_dma2 semaphore(%arg15 : memref<!tpu.dma_semaphore, #tpu.memory_space<semaphore_mem>>) src(%dma_wait3A_95 : memref<176x112xf32, #tpu.memory_space<hbm>>) dst(%arg10 : memref<176x112xf32, #tpu.memory_space<vmem>>)
      %scan3A_96 = arith.constant 0 : i32
      %scan3A_97 = arith.constant 2 : i32
      %scan3A_98 = arith.addi %scan3A_96, %scan3A_97 : i32
      %scan3A_99 = arith.constant 1 : i32
      %scan3A_100:2 = scf.for %scan3A_133 = %scan3A_96 to %scan3A_98 step %scan3A_99 iter_args(%scan3A_134 = %scan3A_76#0, %scan3A_135 = %scan3A_76#1) -> (vector<16xf32>, vector<16xf32>)  : i32 {
        %mul3A_136 = arith.constant 2 : i32
        %mul3A_137 = arith.muli %add3A_88, %mul3A_136 : i32
        %add3A_138 = arith.addi %mul3A_137, %scan3A_133 : i32
        %mul3A_139 = arith.constant 88 : i32
        %mul3A_140 = arith.muli %scan3A_133, %mul3A_139 : i32
        %add3A_141 = arith.constant 0 : i32
        %add3A_142 = arith.addi %mul3A_140, %add3A_141 : i32
        %add3A_143 = vector.broadcast %add3A_142 : i32 to vector<16xi32>
        %add3A_144 = arith.addi %add3A_143, %iota3A : vector<16xi32>
        %get3A = arith.index_cast %add3A_138 : i32 to index
        %get3A_145 = arith.constant 0 : index
        %get3A_146 = tpu.vector_load %arg6[%get3A, %get3A_145] {strides = array<i32>} : memref<16x88xi32, #tpu.memory_space<vmem>>, vector<16xi32>,
        %mul3A_147 = arith.constant 2 : i32
        %mul3A_148 = vector.broadcast %mul3A_147 : i32 to vector<16xi32>
        %mul3A_149 = arith.muli %mul3A_148, %get3A_146 : vector<16xi32>
        %sub3A = arith.constant 2 : i32
        %sub3A_150 = vector.broadcast %sub3A : i32 to vector<16xi32>
        %sub3A_151 = arith.subi %mul3A_149, %sub3A_150 : vector<16xi32>
        %max3A = arith.constant 0 : i32
        %max3A_152 = vector.broadcast %max3A : i32 to vector<16xi32>
        %max3A_153 = arith.maxsi %sub3A_151, %max3A_152 : vector<16xi32>
        %min3A = arith.constant 111 : i32
        %min3A_154 = vector.broadcast %min3A : i32 to vector<16xi32>
        %min3A_155 = arith.minsi %max3A_153, %min3A_154 : vector<16xi32>
        %gather3A = tpu.vector_load_idx %arg10[%add3A_144, %min3A_155] : memref<176x112xf32, #tpu.memory_space<vmem>>[vector<16xi32>, vector<16xi32>], vector<16xf32>,
        %add3A_156 = arith.constant 9.99999993E-9 : f32
        %add3A_157 = vector.broadcast %add3A_156 : f32 to vector<16xf32>
        %add3A_158 = arith.addf %gather3A, %add3A_157 : vector<16xf32>
        %get3A_159 = arith.index_cast %add3A_138 : i32 to index
        %get3A_160 = arith.constant 0 : index
        %get3A_161 = tpu.vector_load %arg7[%get3A_159, %get3A_160] {strides = array<i32>} : memref<16x88xf32, #tpu.memory_space<vmem>>, vector<16xf32>,
        %bitcast_convert_type3A = tpu.bitcast %add3A_158 : vector<16xf32> -> vector<16xi32>
        %shift_right_arithmetic3A = arith.constant 23 : i32
        %shift_right_arithmetic3A_162 = vector.broadcast %shift_right_arithmetic3A : i32 to vector<16xi32>
        %shift_right_arithmetic3A_163 = arith.shrsi %bitcast_convert_type3A, %shift_right_arithmetic3A_162 : vector<16xi32>
        %sub3A_164 = arith.constant 127 : i32
        %sub3A_165 = vector.broadcast %sub3A_164 : i32 to vector<16xi32>
        %sub3A_166 = arith.subi %shift_right_arithmetic3A_163, %sub3A_165 : vector<16xi32>
        %and3A = arith.constant 8388607 : i32
        %and3A_167 = vector.broadcast %and3A : i32 to vector<16xi32>
        %and3A_168 = arith.andi %bitcast_convert_type3A, %and3A_167 : vector<16xi32>
        %or3A = arith.constant 1065353216 : i32
        %or3A_169 = vector.broadcast %or3A : i32 to vector<16xi32>
        %or3A_170 = arith.ori %and3A_168, %or3A_169 : vector<16xi32>
        %bitcast_convert_type3A_171 = tpu.bitcast %or3A_170 : vector<16xi32> -> vector<16xf32>
        %gt3A = arith.constant 1.41421354 : f32
        %gt3A_172 = vector.broadcast %gt3A : f32 to vector<16xf32>
        %gt3A_173 = arith.cmpf ogt, %bitcast_convert_type3A_171, %gt3A_172 : vector<16xf32>
        %mul3A_174 = arith.constant 5.000000e-01 : f32
        %mul3A_175 = vector.broadcast %mul3A_174 : f32 to vector<16xf32>
        %mul3A_176 = arith.mulf %bitcast_convert_type3A_171, %mul3A_175 : vector<16xf32>
        %select_n3A = arith.select %gt3A_173, %mul3A_176, %bitcast_convert_type3A_171 : vector<16xi1>, vector<16xf32>
        %convert_element_type3A_177 = arith.sitofp %sub3A_166 : vector<16xi32> to vector<16xf32>
        %jit3A = arith.constant 1.000000e+00 : f32
        %jit3A_178 = arith.constant 0.000000e+00 : f32
        %broadcast_in_dim3A_179 = vector.broadcast %jit3A : f32 to vector<16xf32>
        %broadcast_in_dim3A_180 = vector.broadcast %jit3A_178 : f32 to vector<16xf32>
        %select_n3A_181 = arith.select %gt3A_173, %broadcast_in_dim3A_179, %broadcast_in_dim3A_180 : vector<16xi1>, vector<16xf32>
        %add3A_182 = arith.addf %convert_element_type3A_177, %select_n3A_181 : vector<16xf32>
        %sub3A_183 = arith.constant 1.000000e+00 : f32
        %sub3A_184 = vector.broadcast %sub3A_183 : f32 to vector<16xf32>
        %sub3A_185 = arith.subf %select_n3A, %sub3A_184 : vector<16xf32>
        %add3A_186 = arith.constant 1.000000e+00 : f32
        %add3A_187 = vector.broadcast %add3A_186 : f32 to vector<16xf32>
        %add3A_188 = arith.addf %select_n3A, %add3A_187 : vector<16xf32>
        %div3A = arith.divf %sub3A_185, %add3A_188 : vector<16xf32>
        %mul3A_189 = arith.mulf %div3A, %div3A : vector<16xf32>
        %mul3A_190 = arith.constant 0.222222224 : f32
        %mul3A_191 = vector.broadcast %mul3A_190 : f32 to vector<16xf32>
        %mul3A_192 = arith.mulf %mul3A_189, %mul3A_191 : vector<16xf32>
        %add3A_193 = arith.constant 0.285714298 : f32
        %add3A_194 = vector.broadcast %add3A_193 : f32 to vector<16xf32>
        %add3A_195 = arith.addf %add3A_194, %mul3A_192 : vector<16xf32>
        %mul3A_196 = arith.mulf %mul3A_189, %add3A_195 : vector<16xf32>
        %add3A_197 = arith.constant 4.000000e-01 : f32
        %add3A_198 = vector.broadcast %add3A_197 : f32 to vector<16xf32>
        %add3A_199 = arith.addf %add3A_198, %mul3A_196 : vector<16xf32>
        %mul3A_200 = arith.mulf %mul3A_189, %add3A_199 : vector<16xf32>
        %add3A_201 = arith.constant 0.666666686 : f32
        %add3A_202 = vector.broadcast %add3A_201 : f32 to vector<16xf32>
        %add3A_203 = arith.addf %add3A_202, %mul3A_200 : vector<16xf32>
        %mul3A_204 = arith.mulf %mul3A_189, %add3A_203 : vector<16xf32>
        %add3A_205 = arith.constant 2.000000e+00 : f32
        %add3A_206 = vector.broadcast %add3A_205 : f32 to vector<16xf32>
        %add3A_207 = arith.addf %add3A_206, %mul3A_204 : vector<16xf32>
        %mul3A_208 = arith.constant 0.693147182 : f32
        %mul3A_209 = vector.broadcast %mul3A_208 : f32 to vector<16xf32>
        %mul3A_210 = arith.mulf %add3A_182, %mul3A_209 : vector<16xf32>
        %mul3A_211 = arith.mulf %div3A, %add3A_207 : vector<16xf32>
        %add3A_212 = arith.addf %mul3A_210, %mul3A_211 : vector<16xf32>
        %mul3A_213 = arith.mulf %get3A_161, %add3A_212 : vector<16xf32>
        %add3A_214 = arith.addf %scan3A_134, %mul3A_213 : vector<16xf32>
        %add3A_215 = arith.addf %scan3A_135, %get3A_161 : vector<16xf32>
        %mul3A_216 = arith.constant 88 : i32
        %mul3A_217 = arith.muli %scan3A_133, %mul3A_216 : i32
        %add3A_218 = arith.constant 16 : i32
        %add3A_219 = arith.addi %mul3A_217, %add3A_218 : i32
        %add3A_220 = vector.broadcast %add3A_219 : i32 to vector<16xi32>
        %add3A_221 = arith.addi %add3A_220, %iota3A : vector<16xi32>
        %get3A_222 = arith.index_cast %add3A_138 : i32 to index
        %get3A_223 = arith.constant 16 : index
        %get3A_224 = tpu.vector_load %arg6[%get3A_222, %get3A_223] {strides = array<i32>} : memref<16x88xi32, #tpu.memory_space<vmem>>, vector<16xi32>,
        %mul3A_225 = arith.constant 2 : i32
        %mul3A_226 = vector.broadcast %mul3A_225 : i32 to vector<16xi32>
        %mul3A_227 = arith.muli %mul3A_226, %get3A_224 : vector<16xi32>
        %sub3A_228 = arith.constant 2 : i32
        %sub3A_229 = vector.broadcast %sub3A_228 : i32 to vector<16xi32>
        %sub3A_230 = arith.subi %mul3A_227, %sub3A_229 : vector<16xi32>
        %max3A_231 = arith.constant 0 : i32
        %max3A_232 = vector.broadcast %max3A_231 : i32 to vector<16xi32>
        %max3A_233 = arith.maxsi %sub3A_230, %max3A_232 : vector<16xi32>
        %min3A_234 = arith.constant 111 : i32
        %min3A_235 = vector.broadcast %min3A_234 : i32 to vector<16xi32>
        %min3A_236 = arith.minsi %max3A_233, %min3A_235 : vector<16xi32>
        %gather3A_237 = tpu.vector_load_idx %arg10[%add3A_221, %min3A_236] : memref<176x112xf32, #tpu.memory_space<vmem>>[vector<16xi32>, vector<16xi32>], vector<16xf32>,
        %add3A_238 = arith.constant 9.99999993E-9 : f32
        %add3A_239 = vector.broadcast %add3A_238 : f32 to vector<16xf32>
        %add3A_240 = arith.addf %gather3A_237, %add3A_239 : vector<16xf32>
        %get3A_241 = arith.index_cast %add3A_138 : i32 to index
        %get3A_242 = arith.constant 16 : index
        %get3A_243 = tpu.vector_load %arg7[%get3A_241, %get3A_242] {strides = array<i32>} : memref<16x88xf32, #tpu.memory_space<vmem>>, vector<16xf32>,
        %bitcast_convert_type3A_244 = tpu.bitcast %add3A_240 : vector<16xf32> -> vector<16xi32>
        %shift_right_arithmetic3A_245 = arith.constant 23 : i32
        %shift_right_arithmetic3A_246 = vector.broadcast %shift_right_arithmetic3A_245 : i32 to vector<16xi32>
        %shift_right_arithmetic3A_247 = arith.shrsi %bitcast_convert_type3A_244, %shift_right_arithmetic3A_246 : vector<16xi32>
        %sub3A_248 = arith.constant 127 : i32
        %sub3A_249 = vector.broadcast %sub3A_248 : i32 to vector<16xi32>
        %sub3A_250 = arith.subi %shift_right_arithmetic3A_247, %sub3A_249 : vector<16xi32>
        %and3A_251 = arith.constant 8388607 : i32
        %and3A_252 = vector.broadcast %and3A_251 : i32 to vector<16xi32>
        %and3A_253 = arith.andi %bitcast_convert_type3A_244, %and3A_252 : vector<16xi32>
        %or3A_254 = arith.constant 1065353216 : i32
        %or3A_255 = vector.broadcast %or3A_254 : i32 to vector<16xi32>
        %or3A_256 = arith.ori %and3A_253, %or3A_255 : vector<16xi32>
        %bitcast_convert_type3A_257 = tpu.bitcast %or3A_256 : vector<16xi32> -> vector<16xf32>
        %gt3A_258 = arith.constant 1.41421354 : f32
        %gt3A_259 = vector.broadcast %gt3A_258 : f32 to vector<16xf32>
        %gt3A_260 = arith.cmpf ogt, %bitcast_convert_type3A_257, %gt3A_259 : vector<16xf32>
        %mul3A_261 = arith.constant 5.000000e-01 : f32
        %mul3A_262 = vector.broadcast %mul3A_261 : f32 to vector<16xf32>
        %mul3A_263 = arith.mulf %bitcast_convert_type3A_257, %mul3A_262 : vector<16xf32>
        %select_n3A_264 = arith.select %gt3A_260, %mul3A_263, %bitcast_convert_type3A_257 : vector<16xi1>, vector<16xf32>
        %convert_element_type3A_265 = arith.sitofp %sub3A_250 : vector<16xi32> to vector<16xf32>
        %jit3A_266 = arith.constant 1.000000e+00 : f32
        %jit3A_267 = arith.constant 0.000000e+00 : f32
        %broadcast_in_dim3A_268 = vector.broadcast %jit3A_266 : f32 to vector<16xf32>
        %broadcast_in_dim3A_269 = vector.broadcast %jit3A_267 : f32 to vector<16xf32>
        %select_n3A_270 = arith.select %gt3A_260, %broadcast_in_dim3A_268, %broadcast_in_dim3A_269 : vector<16xi1>, vector<16xf32>
        %add3A_271 = arith.addf %convert_element_type3A_265, %select_n3A_270 : vector<16xf32>
        %sub3A_272 = arith.constant 1.000000e+00 : f32
        %sub3A_273 = vector.broadcast %sub3A_272 : f32 to vector<16xf32>
        %sub3A_274 = arith.subf %select_n3A_264, %sub3A_273 : vector<16xf32>
        %add3A_275 = arith.constant 1.000000e+00 : f32
        %add3A_276 = vector.broadcast %add3A_275 : f32 to vector<16xf32>
        %add3A_277 = arith.addf %select_n3A_264, %add3A_276 : vector<16xf32>
        %div3A_278 = arith.divf %sub3A_274, %add3A_277 : vector<16xf32>
        %mul3A_279 = arith.mulf %div3A_278, %div3A_278 : vector<16xf32>
        %mul3A_280 = arith.constant 0.222222224 : f32
        %mul3A_281 = vector.broadcast %mul3A_280 : f32 to vector<16xf32>
        %mul3A_282 = arith.mulf %mul3A_279, %mul3A_281 : vector<16xf32>
        %add3A_283 = arith.constant 0.285714298 : f32
        %add3A_284 = vector.broadcast %add3A_283 : f32 to vector<16xf32>
        %add3A_285 = arith.addf %add3A_284, %mul3A_282 : vector<16xf32>
        %mul3A_286 = arith.mulf %mul3A_279, %add3A_285 : vector<16xf32>
        %add3A_287 = arith.constant 4.000000e-01 : f32
        %add3A_288 = vector.broadcast %add3A_287 : f32 to vector<16xf32>
        %add3A_289 = arith.addf %add3A_288, %mul3A_286 : vector<16xf32>
        %mul3A_290 = arith.mulf %mul3A_279, %add3A_289 : vector<16xf32>
        %add3A_291 = arith.constant 0.666666686 : f32
        %add3A_292 = vector.broadcast %add3A_291 : f32 to vector<16xf32>
        %add3A_293 = arith.addf %add3A_292, %mul3A_290 : vector<16xf32>
        %mul3A_294 = arith.mulf %mul3A_279, %add3A_293 : vector<16xf32>
        %add3A_295 = arith.constant 2.000000e+00 : f32
        %add3A_296 = vector.broadcast %add3A_295 : f32 to vector<16xf32>
        %add3A_297 = arith.addf %add3A_296, %mul3A_294 : vector<16xf32>
        %mul3A_298 = arith.constant 0.693147182 : f32
        %mul3A_299 = vector.broadcast %mul3A_298 : f32 to vector<16xf32>
        %mul3A_300 = arith.mulf %add3A_271, %mul3A_299 : vector<16xf32>
        %mul3A_301 = arith.mulf %div3A_278, %add3A_297 : vector<16xf32>
        %add3A_302 = arith.addf %mul3A_300, %mul3A_301 : vector<16xf32>
        %mul3A_303 = arith.mulf %get3A_243, %add3A_302 : vector<16xf32>
        %add3A_304 = arith.addf %add3A_214, %mul3A_303 : vector<16xf32>
        %add3A_305 = arith.addf %add3A_215, %get3A_243 : vector<16xf32>
        %mul3A_306 = arith.constant 88 : i32
        %mul3A_307 = arith.muli %scan3A_133, %mul3A_306 : i32
        %add3A_308 = arith.constant 32 : i32
        %add3A_309 = arith.addi %mul3A_307, %add3A_308 : i32
        %add3A_310 = vector.broadcast %add3A_309 : i32 to vector<16xi32>
        %add3A_311 = arith.addi %add3A_310, %iota3A : vector<16xi32>
        %get3A_312 = arith.index_cast %add3A_138 : i32 to index
        %get3A_313 = arith.constant 32 : index
        %get3A_314 = tpu.vector_load %arg6[%get3A_312, %get3A_313] {strides = array<i32>} : memref<16x88xi32, #tpu.memory_space<vmem>>, vector<16xi32>,
        %mul3A_315 = arith.constant 2 : i32
        %mul3A_316 = vector.broadcast %mul3A_315 : i32 to vector<16xi32>
        %mul3A_317 = arith.muli %mul3A_316, %get3A_314 : vector<16xi32>
        %sub3A_318 = arith.constant 2 : i32
        %sub3A_319 = vector.broadcast %sub3A_318 : i32 to vector<16xi32>
        %sub3A_320 = arith.subi %mul3A_317, %sub3A_319 : vector<16xi32>
        %max3A_321 = arith.constant 0 : i32
        %max3A_322 = vector.broadcast %max3A_321 : i32 to vector<16xi32>
        %max3A_323 = arith.maxsi %sub3A_320, %max3A_322 : vector<16xi32>
        %min3A_324 = arith.constant 111 : i32
        %min3A_325 = vector.broadcast %min3A_324 : i32 to vector<16xi32>
        %min3A_326 = arith.minsi %max3A_323, %min3A_325 : vector<16xi32>
        %gather3A_327 = tpu.vector_load_idx %arg10[%add3A_311, %min3A_326] : memref<176x112xf32, #tpu.memory_space<vmem>>[vector<16xi32>, vector<16xi32>], vector<16xf32>,
        %add3A_328 = arith.constant 9.99999993E-9 : f32
        %add3A_329 = vector.broadcast %add3A_328 : f32 to vector<16xf32>
        %add3A_330 = arith.addf %gather3A_327, %add3A_329 : vector<16xf32>
        %get3A_331 = arith.index_cast %add3A_138 : i32 to index
        %get3A_332 = arith.constant 32 : index
        %get3A_333 = tpu.vector_load %arg7[%get3A_331, %get3A_332] {strides = array<i32>} : memref<16x88xf32, #tpu.memory_space<vmem>>, vector<16xf32>,
        %bitcast_convert_type3A_334 = tpu.bitcast %add3A_330 : vector<16xf32> -> vector<16xi32>
        %shift_right_arithmetic3A_335 = arith.constant 23 : i32
        %shift_right_arithmetic3A_336 = vector.broadcast %shift_right_arithmetic3A_335 : i32 to vector<16xi32>
        %shift_right_arithmetic3A_337 = arith.shrsi %bitcast_convert_type3A_334, %shift_right_arithmetic3A_336 : vector<16xi32>
        %sub3A_338 = arith.constant 127 : i32
        %sub3A_339 = vector.broadcast %sub3A_338 : i32 to vector<16xi32>
        %sub3A_340 = arith.subi %shift_right_arithmetic3A_337, %sub3A_339 : vector<16xi32>
        %and3A_341 = arith.constant 8388607 : i32
        %and3A_342 = vector.broadcast %and3A_341 : i32 to vector<16xi32>
        %and3A_343 = arith.andi %bitcast_convert_type3A_334, %and3A_342 : vector<16xi32>
        %or3A_344 = arith.constant 1065353216 : i32
        %or3A_345 = vector.broadcast %or3A_344 : i32 to vector<16xi32>
        %or3A_346 = arith.ori %and3A_343, %or3A_345 : vector<16xi32>
        %bitcast_convert_type3A_347 = tpu.bitcast %or3A_346 : vector<16xi32> -> vector<16xf32>
        %gt3A_348 = arith.constant 1.41421354 : f32
        %gt3A_349 = vector.broadcast %gt3A_348 : f32 to vector<16xf32>
        %gt3A_350 = arith.cmpf ogt, %bitcast_convert_type3A_347, %gt3A_349 : vector<16xf32>
        %mul3A_351 = arith.constant 5.000000e-01 : f32
        %mul3A_352 = vector.broadcast %mul3A_351 : f32 to vector<16xf32>
        %mul3A_353 = arith.mulf %bitcast_convert_type3A_347, %mul3A_352 : vector<16xf32>
        %select_n3A_354 = arith.select %gt3A_350, %mul3A_353, %bitcast_convert_type3A_347 : vector<16xi1>, vector<16xf32>
        %convert_element_type3A_355 = arith.sitofp %sub3A_340 : vector<16xi32> to vector<16xf32>
        %jit3A_356 = arith.constant 1.000000e+00 : f32
        %jit3A_357 = arith.constant 0.000000e+00 : f32
        %broadcast_in_dim3A_358 = vector.broadcast %jit3A_356 : f32 to vector<16xf32>
        %broadcast_in_dim3A_359 = vector.broadcast %jit3A_357 : f32 to vector<16xf32>
        %select_n3A_360 = arith.select %gt3A_350, %broadcast_in_dim3A_358, %broadcast_in_dim3A_359 : vector<16xi1>, vector<16xf32>
        %add3A_361 = arith.addf %convert_element_type3A_355, %select_n3A_360 : vector<16xf32>
        %sub3A_362 = arith.constant 1.000000e+00 : f32
        %sub3A_363 = vector.broadcast %sub3A_362 : f32 to vector<16xf32>
        %sub3A_364 = arith.subf %select_n3A_354, %sub3A_363 : vector<16xf32>
        %add3A_365 = arith.constant 1.000000e+00 : f32
        %add3A_366 = vector.broadcast %add3A_365 : f32 to vector<16xf32>
        %add3A_367 = arith.addf %select_n3A_354, %add3A_366 : vector<16xf32>
        %div3A_368 = arith.divf %sub3A_364, %add3A_367 : vector<16xf32>
        %mul3A_369 = arith.mulf %div3A_368, %div3A_368 : vector<16xf32>
        %mul3A_370 = arith.constant 0.222222224 : f32
        %mul3A_371 = vector.broadcast %mul3A_370 : f32 to vector<16xf32>
        %mul3A_372 = arith.mulf %mul3A_369, %mul3A_371 : vector<16xf32>
        %add3A_373 = arith.constant 0.285714298 : f32
        %add3A_374 = vector.broadcast %add3A_373 : f32 to vector<16xf32>
        %add3A_375 = arith.addf %add3A_374, %mul3A_372 : vector<16xf32>
        %mul3A_376 = arith.mulf %mul3A_369, %add3A_375 : vector<16xf32>
        %add3A_377 = arith.constant 4.000000e-01 : f32
        %add3A_378 = vector.broadcast %add3A_377 : f32 to vector<16xf32>
        %add3A_379 = arith.addf %add3A_378, %mul3A_376 : vector<16xf32>
        %mul3A_380 = arith.mulf %mul3A_369, %add3A_379 : vector<16xf32>
        %add3A_381 = arith.constant 0.666666686 : f32
        %add3A_382 = vector.broadcast %add3A_381 : f32 to vector<16xf32>
        %add3A_383 = arith.addf %add3A_382, %mul3A_380 : vector<16xf32>
        %mul3A_384 = arith.mulf %mul3A_369, %add3A_383 : vector<16xf32>
        %add3A_385 = arith.constant 2.000000e+00 : f32
        %add3A_386 = vector.broadcast %add3A_385 : f32 to vector<16xf32>
        %add3A_387 = arith.addf %add3A_386, %mul3A_384 : vector<16xf32>
        %mul3A_388 = arith.constant 0.693147182 : f32
        %mul3A_389 = vector.broadcast %mul3A_388 : f32 to vector<16xf32>
        %mul3A_390 = arith.mulf %add3A_361, %mul3A_389 : vector<16xf32>
        %mul3A_391 = arith.mulf %div3A_368, %add3A_387 : vector<16xf32>
        %add3A_392 = arith.addf %mul3A_390, %mul3A_391 : vector<16xf32>
        %mul3A_393 = arith.mulf %get3A_333, %add3A_392 : vector<16xf32>
        %add3A_394 = arith.addf %add3A_304, %mul3A_393 : vector<16xf32>
        %add3A_395 = arith.addf %add3A_305, %get3A_333 : vector<16xf32>
        %mul3A_396 = arith.constant 88 : i32
        %mul3A_397 = arith.muli %scan3A_133, %mul3A_396 : i32
        %add3A_398 = arith.constant 48 : i32
        %add3A_399 = arith.addi %mul3A_397, %add3A_398 : i32
        %add3A_400 = vector.broadcast %add3A_399 : i32 to vector<16xi32>
        %add3A_401 = arith.addi %add3A_400, %iota3A : vector<16xi32>
        %get3A_402 = arith.index_cast %add3A_138 : i32 to index
        %get3A_403 = arith.constant 48 : index
        %get3A_404 = tpu.vector_load %arg6[%get3A_402, %get3A_403] {strides = array<i32>} : memref<16x88xi32, #tpu.memory_space<vmem>>, vector<16xi32>,
        %mul3A_405 = arith.constant 2 : i32
        %mul3A_406 = vector.broadcast %mul3A_405 : i32 to vector<16xi32>
        %mul3A_407 = arith.muli %mul3A_406, %get3A_404 : vector<16xi32>
        %sub3A_408 = arith.constant 2 : i32
        %sub3A_409 = vector.broadcast %sub3A_408 : i32 to vector<16xi32>
        %sub3A_410 = arith.subi %mul3A_407, %sub3A_409 : vector<16xi32>
        %max3A_411 = arith.constant 0 : i32
        %max3A_412 = vector.broadcast %max3A_411 : i32 to vector<16xi32>
        %max3A_413 = arith.maxsi %sub3A_410, %max3A_412 : vector<16xi32>
        %min3A_414 = arith.constant 111 : i32
        %min3A_415 = vector.broadcast %min3A_414 : i32 to vector<16xi32>
        %min3A_416 = arith.minsi %max3A_413, %min3A_415 : vector<16xi32>
        %gather3A_417 = tpu.vector_load_idx %arg10[%add3A_401, %min3A_416] : memref<176x112xf32, #tpu.memory_space<vmem>>[vector<16xi32>, vector<16xi32>], vector<16xf32>,
        %add3A_418 = arith.constant 9.99999993E-9 : f32
        %add3A_419 = vector.broadcast %add3A_418 : f32 to vector<16xf32>
        %add3A_420 = arith.addf %gather3A_417, %add3A_419 : vector<16xf32>
        %get3A_421 = arith.index_cast %add3A_138 : i32 to index
        %get3A_422 = arith.constant 48 : index
        %get3A_423 = tpu.vector_load %arg7[%get3A_421, %get3A_422] {strides = array<i32>} : memref<16x88xf32, #tpu.memory_space<vmem>>, vector<16xf32>,
        %bitcast_convert_type3A_424 = tpu.bitcast %add3A_420 : vector<16xf32> -> vector<16xi32>
        %shift_right_arithmetic3A_425 = arith.constant 23 : i32
        %shift_right_arithmetic3A_426 = vector.broadcast %shift_right_arithmetic3A_425 : i32 to vector<16xi32>
        %shift_right_arithmetic3A_427 = arith.shrsi %bitcast_convert_type3A_424, %shift_right_arithmetic3A_426 : vector<16xi32>
        %sub3A_428 = arith.constant 127 : i32
        %sub3A_429 = vector.broadcast %sub3A_428 : i32 to vector<16xi32>
        %sub3A_430 = arith.subi %shift_right_arithmetic3A_427, %sub3A_429 : vector<16xi32>
        %and3A_431 = arith.constant 8388607 : i32
        %and3A_432 = vector.broadcast %and3A_431 : i32 to vector<16xi32>
        %and3A_433 = arith.andi %bitcast_convert_type3A_424, %and3A_432 : vector<16xi32>
        %or3A_434 = arith.constant 1065353216 : i32
        %or3A_435 = vector.broadcast %or3A_434 : i32 to vector<16xi32>
        %or3A_436 = arith.ori %and3A_433, %or3A_435 : vector<16xi32>
        %bitcast_convert_type3A_437 = tpu.bitcast %or3A_436 : vector<16xi32> -> vector<16xf32>
        %gt3A_438 = arith.constant 1.41421354 : f32
        %gt3A_439 = vector.broadcast %gt3A_438 : f32 to vector<16xf32>
        %gt3A_440 = arith.cmpf ogt, %bitcast_convert_type3A_437, %gt3A_439 : vector<16xf32>
        %mul3A_441 = arith.constant 5.000000e-01 : f32
        %mul3A_442 = vector.broadcast %mul3A_441 : f32 to vector<16xf32>
        %mul3A_443 = arith.mulf %bitcast_convert_type3A_437, %mul3A_442 : vector<16xf32>
        %select_n3A_444 = arith.select %gt3A_440, %mul3A_443, %bitcast_convert_type3A_437 : vector<16xi1>, vector<16xf32>
        %convert_element_type3A_445 = arith.sitofp %sub3A_430 : vector<16xi32> to vector<16xf32>
        %jit3A_446 = arith.constant 1.000000e+00 : f32
        %jit3A_447 = arith.constant 0.000000e+00 : f32
        %broadcast_in_dim3A_448 = vector.broadcast %jit3A_446 : f32 to vector<16xf32>
        %broadcast_in_dim3A_449 = vector.broadcast %jit3A_447 : f32 to vector<16xf32>
        %select_n3A_450 = arith.select %gt3A_440, %broadcast_in_dim3A_448, %broadcast_in_dim3A_449 : vector<16xi1>, vector<16xf32>
        %add3A_451 = arith.addf %convert_element_type3A_445, %select_n3A_450 : vector<16xf32>
        %sub3A_452 = arith.constant 1.000000e+00 : f32
        %sub3A_453 = vector.broadcast %sub3A_452 : f32 to vector<16xf32>
        %sub3A_454 = arith.subf %select_n3A_444, %sub3A_453 : vector<16xf32>
        %add3A_455 = arith.constant 1.000000e+00 : f32
        %add3A_456 = vector.broadcast %add3A_455 : f32 to vector<16xf32>
        %add3A_457 = arith.addf %select_n3A_444, %add3A_456 : vector<16xf32>
        %div3A_458 = arith.divf %sub3A_454, %add3A_457 : vector<16xf32>
        %mul3A_459 = arith.mulf %div3A_458, %div3A_458 : vector<16xf32>
        %mul3A_460 = arith.constant 0.222222224 : f32
        %mul3A_461 = vector.broadcast %mul3A_460 : f32 to vector<16xf32>
        %mul3A_462 = arith.mulf %mul3A_459, %mul3A_461 : vector<16xf32>
        %add3A_463 = arith.constant 0.285714298 : f32
        %add3A_464 = vector.broadcast %add3A_463 : f32 to vector<16xf32>
        %add3A_465 = arith.addf %add3A_464, %mul3A_462 : vector<16xf32>
        %mul3A_466 = arith.mulf %mul3A_459, %add3A_465 : vector<16xf32>
        %add3A_467 = arith.constant 4.000000e-01 : f32
        %add3A_468 = vector.broadcast %add3A_467 : f32 to vector<16xf32>
        %add3A_469 = arith.addf %add3A_468, %mul3A_466 : vector<16xf32>
        %mul3A_470 = arith.mulf %mul3A_459, %add3A_469 : vector<16xf32>
        %add3A_471 = arith.constant 0.666666686 : f32
        %add3A_472 = vector.broadcast %add3A_471 : f32 to vector<16xf32>
        %add3A_473 = arith.addf %add3A_472, %mul3A_470 : vector<16xf32>
        %mul3A_474 = arith.mulf %mul3A_459, %add3A_473 : vector<16xf32>
        %add3A_475 = arith.constant 2.000000e+00 : f32
        %add3A_476 = vector.broadcast %add3A_475 : f32 to vector<16xf32>
        %add3A_477 = arith.addf %add3A_476, %mul3A_474 : vector<16xf32>
        %mul3A_478 = arith.constant 0.693147182 : f32
        %mul3A_479 = vector.broadcast %mul3A_478 : f32 to vector<16xf32>
        %mul3A_480 = arith.mulf %add3A_451, %mul3A_479 : vector<16xf32>
        %mul3A_481 = arith.mulf %div3A_458, %add3A_477 : vector<16xf32>
        %add3A_482 = arith.addf %mul3A_480, %mul3A_481 : vector<16xf32>
        %mul3A_483 = arith.mulf %get3A_423, %add3A_482 : vector<16xf32>
        %add3A_484 = arith.addf %add3A_394, %mul3A_483 : vector<16xf32>
        %add3A_485 = arith.addf %add3A_395, %get3A_423 : vector<16xf32>
        %mul3A_486 = arith.constant 88 : i32
        %mul3A_487 = arith.muli %scan3A_133, %mul3A_486 : i32
        %add3A_488 = arith.constant 64 : i32
        %add3A_489 = arith.addi %mul3A_487, %add3A_488 : i32
        %add3A_490 = vector.broadcast %add3A_489 : i32 to vector<16xi32>
        %add3A_491 = arith.addi %add3A_490, %iota3A : vector<16xi32>
        %get3A_492 = arith.index_cast %add3A_138 : i32 to index
        %get3A_493 = arith.constant 64 : index
        %get3A_494 = tpu.vector_load %arg6[%get3A_492, %get3A_493] {strides = array<i32>} : memref<16x88xi32, #tpu.memory_space<vmem>>, vector<16xi32>,
        %mul3A_495 = arith.constant 2 : i32
        %mul3A_496 = vector.broadcast %mul3A_495 : i32 to vector<16xi32>
        %mul3A_497 = arith.muli %mul3A_496, %get3A_494 : vector<16xi32>
        %sub3A_498 = arith.constant 2 : i32
        %sub3A_499 = vector.broadcast %sub3A_498 : i32 to vector<16xi32>
        %sub3A_500 = arith.subi %mul3A_497, %sub3A_499 : vector<16xi32>
        %max3A_501 = arith.constant 0 : i32
        %max3A_502 = vector.broadcast %max3A_501 : i32 to vector<16xi32>
        %max3A_503 = arith.maxsi %sub3A_500, %max3A_502 : vector<16xi32>
        %min3A_504 = arith.constant 111 : i32
        %min3A_505 = vector.broadcast %min3A_504 : i32 to vector<16xi32>
        %min3A_506 = arith.minsi %max3A_503, %min3A_505 : vector<16xi32>
        %gather3A_507 = tpu.vector_load_idx %arg10[%add3A_491, %min3A_506] : memref<176x112xf32, #tpu.memory_space<vmem>>[vector<16xi32>, vector<16xi32>], vector<16xf32>,
        %add3A_508 = arith.constant 9.99999993E-9 : f32
        %add3A_509 = vector.broadcast %add3A_508 : f32 to vector<16xf32>
        %add3A_510 = arith.addf %gather3A_507, %add3A_509 : vector<16xf32>
        %get3A_511 = arith.index_cast %add3A_138 : i32 to index
        %get3A_512 = arith.constant 64 : index
        %get3A_513 = tpu.vector_load %arg7[%get3A_511, %get3A_512] {strides = array<i32>} : memref<16x88xf32, #tpu.memory_space<vmem>>, vector<16xf32>,
        %bitcast_convert_type3A_514 = tpu.bitcast %add3A_510 : vector<16xf32> -> vector<16xi32>
        %shift_right_arithmetic3A_515 = arith.constant 23 : i32
        %shift_right_arithmetic3A_516 = vector.broadcast %shift_right_arithmetic3A_515 : i32 to vector<16xi32>
        %shift_right_arithmetic3A_517 = arith.shrsi %bitcast_convert_type3A_514, %shift_right_arithmetic3A_516 : vector<16xi32>
        %sub3A_518 = arith.constant 127 : i32
        %sub3A_519 = vector.broadcast %sub3A_518 : i32 to vector<16xi32>
        %sub3A_520 = arith.subi %shift_right_arithmetic3A_517, %sub3A_519 : vector<16xi32>
        %and3A_521 = arith.constant 8388607 : i32
        %and3A_522 = vector.broadcast %and3A_521 : i32 to vector<16xi32>
        %and3A_523 = arith.andi %bitcast_convert_type3A_514, %and3A_522 : vector<16xi32>
        %or3A_524 = arith.constant 1065353216 : i32
        %or3A_525 = vector.broadcast %or3A_524 : i32 to vector<16xi32>
        %or3A_526 = arith.ori %and3A_523, %or3A_525 : vector<16xi32>
        %bitcast_convert_type3A_527 = tpu.bitcast %or3A_526 : vector<16xi32> -> vector<16xf32>
        %gt3A_528 = arith.constant 1.41421354 : f32
        %gt3A_529 = vector.broadcast %gt3A_528 : f32 to vector<16xf32>
        %gt3A_530 = arith.cmpf ogt, %bitcast_convert_type3A_527, %gt3A_529 : vector<16xf32>
        %mul3A_531 = arith.constant 5.000000e-01 : f32
        %mul3A_532 = vector.broadcast %mul3A_531 : f32 to vector<16xf32>
        %mul3A_533 = arith.mulf %bitcast_convert_type3A_527, %mul3A_532 : vector<16xf32>
        %select_n3A_534 = arith.select %gt3A_530, %mul3A_533, %bitcast_convert_type3A_527 : vector<16xi1>, vector<16xf32>
        %convert_element_type3A_535 = arith.sitofp %sub3A_520 : vector<16xi32> to vector<16xf32>
        %jit3A_536 = arith.constant 1.000000e+00 : f32
        %jit3A_537 = arith.constant 0.000000e+00 : f32
        %broadcast_in_dim3A_538 = vector.broadcast %jit3A_536 : f32 to vector<16xf32>
        %broadcast_in_dim3A_539 = vector.broadcast %jit3A_537 : f32 to vector<16xf32>
        %select_n3A_540 = arith.select %gt3A_530, %broadcast_in_dim3A_538, %broadcast_in_dim3A_539 : vector<16xi1>, vector<16xf32>
        %add3A_541 = arith.addf %convert_element_type3A_535, %select_n3A_540 : vector<16xf32>
        %sub3A_542 = arith.constant 1.000000e+00 : f32
        %sub3A_543 = vector.broadcast %sub3A_542 : f32 to vector<16xf32>
        %sub3A_544 = arith.subf %select_n3A_534, %sub3A_543 : vector<16xf32>
        %add3A_545 = arith.constant 1.000000e+00 : f32
        %add3A_546 = vector.broadcast %add3A_545 : f32 to vector<16xf32>
        %add3A_547 = arith.addf %select_n3A_534, %add3A_546 : vector<16xf32>
        %div3A_548 = arith.divf %sub3A_544, %add3A_547 : vector<16xf32>
        %mul3A_549 = arith.mulf %div3A_548, %div3A_548 : vector<16xf32>
        %mul3A_550 = arith.constant 0.222222224 : f32
        %mul3A_551 = vector.broadcast %mul3A_550 : f32 to vector<16xf32>
        %mul3A_552 = arith.mulf %mul3A_549, %mul3A_551 : vector<16xf32>
        %add3A_553 = arith.constant 0.285714298 : f32
        %add3A_554 = vector.broadcast %add3A_553 : f32 to vector<16xf32>
        %add3A_555 = arith.addf %add3A_554, %mul3A_552 : vector<16xf32>
        %mul3A_556 = arith.mulf %mul3A_549, %add3A_555 : vector<16xf32>
        %add3A_557 = arith.constant 4.000000e-01 : f32
        %add3A_558 = vector.broadcast %add3A_557 : f32 to vector<16xf32>
        %add3A_559 = arith.addf %add3A_558, %mul3A_556 : vector<16xf32>
        %mul3A_560 = arith.mulf %mul3A_549, %add3A_559 : vector<16xf32>
        %add3A_561 = arith.constant 0.666666686 : f32
        %add3A_562 = vector.broadcast %add3A_561 : f32 to vector<16xf32>
        %add3A_563 = arith.addf %add3A_562, %mul3A_560 : vector<16xf32>
        %mul3A_564 = arith.mulf %mul3A_549, %add3A_563 : vector<16xf32>
        %add3A_565 = arith.constant 2.000000e+00 : f32
        %add3A_566 = vector.broadcast %add3A_565 : f32 to vector<16xf32>
        %add3A_567 = arith.addf %add3A_566, %mul3A_564 : vector<16xf32>
        %mul3A_568 = arith.constant 0.693147182 : f32
        %mul3A_569 = vector.broadcast %mul3A_568 : f32 to vector<16xf32>
        %mul3A_570 = arith.mulf %add3A_541, %mul3A_569 : vector<16xf32>
        %mul3A_571 = arith.mulf %div3A_548, %add3A_567 : vector<16xf32>
        %add3A_572 = arith.addf %mul3A_570, %mul3A_571 : vector<16xf32>
        %mul3A_573 = arith.mulf %get3A_513, %add3A_572 : vector<16xf32>
        %add3A_574 = arith.addf %add3A_484, %mul3A_573 : vector<16xf32>
        %add3A_575 = arith.addf %add3A_485, %get3A_513 : vector<16xf32>
        %mul3A_576 = arith.constant 88 : i32
        %mul3A_577 = arith.muli %scan3A_133, %mul3A_576 : i32
        %add3A_578 = arith.constant 72 : i32
        %add3A_579 = arith.addi %mul3A_577, %add3A_578 : i32
        %add3A_580 = vector.broadcast %add3A_579 : i32 to vector<16xi32>
        %add3A_581 = arith.addi %add3A_580, %iota3A : vector<16xi32>
        %get3A_582 = arith.index_cast %add3A_138 : i32 to index
        %get3A_583 = arith.constant 72 : index
        %get3A_584 = tpu.vector_load %arg6[%get3A_582, %get3A_583] {strides = array<i32>} : memref<16x88xi32, #tpu.memory_space<vmem>>, vector<16xi32>,
        %mul3A_585 = arith.constant 2 : i32
        %mul3A_586 = vector.broadcast %mul3A_585 : i32 to vector<16xi32>
        %mul3A_587 = arith.muli %mul3A_586, %get3A_584 : vector<16xi32>
        %sub3A_588 = arith.constant 2 : i32
        %sub3A_589 = vector.broadcast %sub3A_588 : i32 to vector<16xi32>
        %sub3A_590 = arith.subi %mul3A_587, %sub3A_589 : vector<16xi32>
        %max3A_591 = arith.constant 0 : i32
        %max3A_592 = vector.broadcast %max3A_591 : i32 to vector<16xi32>
        %max3A_593 = arith.maxsi %sub3A_590, %max3A_592 : vector<16xi32>
        %min3A_594 = arith.constant 111 : i32
        %min3A_595 = vector.broadcast %min3A_594 : i32 to vector<16xi32>
        %min3A_596 = arith.minsi %max3A_593, %min3A_595 : vector<16xi32>
        %gather3A_597 = tpu.vector_load_idx %arg10[%add3A_581, %min3A_596] : memref<176x112xf32, #tpu.memory_space<vmem>>[vector<16xi32>, vector<16xi32>], vector<16xf32>,
        %add3A_598 = arith.constant 9.99999993E-9 : f32
        %add3A_599 = vector.broadcast %add3A_598 : f32 to vector<16xf32>
        %add3A_600 = arith.addf %gather3A_597, %add3A_599 : vector<16xf32>
        %get3A_601 = arith.index_cast %add3A_138 : i32 to index
        %get3A_602 = arith.constant 72 : index
        %get3A_603 = tpu.vector_load %arg7[%get3A_601, %get3A_602] {strides = array<i32>} : memref<16x88xf32, #tpu.memory_space<vmem>>, vector<16xf32>,
        %ge3A = arith.constant 8 : i32
        %ge3A_604 = vector.broadcast %ge3A : i32 to vector<16xi32>
        %ge3A_605 = arith.cmpi sge, %iota3A, %ge3A_604 : vector<16xi32>
        %jit3A_606 = arith.constant 0.000000e+00 : f32
        %broadcast_in_dim3A_607 = vector.broadcast %jit3A_606 : f32 to vector<16xf32>
        %select_n3A_608 = arith.select %ge3A_605, %get3A_603, %broadcast_in_dim3A_607 : vector<16xi1>, vector<16xf32>
        %bitcast_convert_type3A_609 = tpu.bitcast %add3A_600 : vector<16xf32> -> vector<16xi32>
        %shift_right_arithmetic3A_610 = arith.constant 23 : i32
        %shift_right_arithmetic3A_611 = vector.broadcast %shift_right_arithmetic3A_610 : i32 to vector<16xi32>
        %shift_right_arithmetic3A_612 = arith.shrsi %bitcast_convert_type3A_609, %shift_right_arithmetic3A_611 : vector<16xi32>
        %sub3A_613 = arith.constant 127 : i32
        %sub3A_614 = vector.broadcast %sub3A_613 : i32 to vector<16xi32>
        %sub3A_615 = arith.subi %shift_right_arithmetic3A_612, %sub3A_614 : vector<16xi32>
        %and3A_616 = arith.constant 8388607 : i32
        %and3A_617 = vector.broadcast %and3A_616 : i32 to vector<16xi32>
        %and3A_618 = arith.andi %bitcast_convert_type3A_609, %and3A_617 : vector<16xi32>
        %or3A_619 = arith.constant 1065353216 : i32
        %or3A_620 = vector.broadcast %or3A_619 : i32 to vector<16xi32>
        %or3A_621 = arith.ori %and3A_618, %or3A_620 : vector<16xi32>
        %bitcast_convert_type3A_622 = tpu.bitcast %or3A_621 : vector<16xi32> -> vector<16xf32>
        %gt3A_623 = arith.constant 1.41421354 : f32
        %gt3A_624 = vector.broadcast %gt3A_623 : f32 to vector<16xf32>
        %gt3A_625 = arith.cmpf ogt, %bitcast_convert_type3A_622, %gt3A_624 : vector<16xf32>
        %mul3A_626 = arith.constant 5.000000e-01 : f32
        %mul3A_627 = vector.broadcast %mul3A_626 : f32 to vector<16xf32>
        %mul3A_628 = arith.mulf %bitcast_convert_type3A_622, %mul3A_627 : vector<16xf32>
        %select_n3A_629 = arith.select %gt3A_625, %mul3A_628, %bitcast_convert_type3A_622 : vector<16xi1>, vector<16xf32>
        %convert_element_type3A_630 = arith.sitofp %sub3A_615 : vector<16xi32> to vector<16xf32>
        %jit3A_631 = arith.constant 1.000000e+00 : f32
        %jit3A_632 = arith.constant 0.000000e+00 : f32
        %broadcast_in_dim3A_633 = vector.broadcast %jit3A_631 : f32 to vector<16xf32>
        %broadcast_in_dim3A_634 = vector.broadcast %jit3A_632 : f32 to vector<16xf32>
        %select_n3A_635 = arith.select %gt3A_625, %broadcast_in_dim3A_633, %broadcast_in_dim3A_634 : vector<16xi1>, vector<16xf32>
        %add3A_636 = arith.addf %convert_element_type3A_630, %select_n3A_635 : vector<16xf32>
        %sub3A_637 = arith.constant 1.000000e+00 : f32
        %sub3A_638 = vector.broadcast %sub3A_637 : f32 to vector<16xf32>
        %sub3A_639 = arith.subf %select_n3A_629, %sub3A_638 : vector<16xf32>
        %add3A_640 = arith.constant 1.000000e+00 : f32
        %add3A_641 = vector.broadcast %add3A_640 : f32 to vector<16xf32>
        %add3A_642 = arith.addf %select_n3A_629, %add3A_641 : vector<16xf32>
        %div3A_643 = arith.divf %sub3A_639, %add3A_642 : vector<16xf32>
        %mul3A_644 = arith.mulf %div3A_643, %div3A_643 : vector<16xf32>
        %mul3A_645 = arith.constant 0.222222224 : f32
        %mul3A_646 = vector.broadcast %mul3A_645 : f32 to vector<16xf32>
        %mul3A_647 = arith.mulf %mul3A_644, %mul3A_646 : vector<16xf32>
        %add3A_648 = arith.constant 0.285714298 : f32
        %add3A_649 = vector.broadcast %add3A_648 : f32 to vector<16xf32>
        %add3A_650 = arith.addf %add3A_649, %mul3A_647 : vector<16xf32>
        %mul3A_651 = arith.mulf %mul3A_644, %add3A_650 : vector<16xf32>
        %add3A_652 = arith.constant 4.000000e-01 : f32
        %add3A_653 = vector.broadcast %add3A_652 : f32 to vector<16xf32>
        %add3A_654 = arith.addf %add3A_653, %mul3A_651 : vector<16xf32>
        %mul3A_655 = arith.mulf %mul3A_644, %add3A_654 : vector<16xf32>
        %add3A_656 = arith.constant 0.666666686 : f32
        %add3A_657 = vector.broadcast %add3A_656 : f32 to vector<16xf32>
        %add3A_658 = arith.addf %add3A_657, %mul3A_655 : vector<16xf32>
        %mul3A_659 = arith.mulf %mul3A_644, %add3A_658 : vector<16xf32>
        %add3A_660 = arith.constant 2.000000e+00 : f32
        %add3A_661 = vector.broadcast %add3A_660 : f32 to vector<16xf32>
        %add3A_662 = arith.addf %add3A_661, %mul3A_659 : vector<16xf32>
        %mul3A_663 = arith.constant 0.693147182 : f32
        %mul3A_664 = vector.broadcast %mul3A_663 : f32 to vector<16xf32>
        %mul3A_665 = arith.mulf %add3A_636, %mul3A_664 : vector<16xf32>
        %mul3A_666 = arith.mulf %div3A_643, %add3A_662 : vector<16xf32>
        %add3A_667 = arith.addf %mul3A_665, %mul3A_666 : vector<16xf32>
        %mul3A_668 = arith.mulf %select_n3A_608, %add3A_667 : vector<16xf32>
        %add3A_669 = arith.addf %add3A_574, %mul3A_668 : vector<16xf32>
        %add3A_670 = arith.addf %add3A_575, %select_n3A_608 : vector<16xf32>
        scf.yield %add3A_669, %add3A_670 : vector<16xf32>, vector<16xf32>
      }
      %scan3A_101 = arith.constant 2 : i32
      %add3A_102 = arith.constant 4 : i32
      %add3A_103 = arith.addi %add3A_88, %add3A_102 : i32
      %lt3A_104 = arith.constant 8 : i32
      %lt3A_105 = arith.cmpi slt, %add3A_103, %lt3A_104 : i32
      %convert_element_type3A_106 = arith.extui %lt3A_105 : i1 to i32
      %cond3A_107 = arith.constant 0 : i32
      %cond3A_108 = arith.cmpi ne, %convert_element_type3A_106, %cond3A_107 : i32
      scf.if %cond3A_108 {
        %add3A_133 = arith.constant 4 : i32
        %add3A_134 = arith.addi %add3A_88, %add3A_133 : i32
        %mul3A_135 = arith.constant 176 : i32
        %mul3A_136 = arith.muli %add3A_134, %mul3A_135 : i32
        %add3A_137 = arith.addi %mul3A_4, %mul3A_136 : i32
        %dma_start3A_138 = arith.constant 0 : i32
        %dma_start3A_139 = tpu.memref_slice %arg2[%add3A_137, %dma_start3A_138] : memref<67584x112xf32, #tpu.memory_space<hbm>> -> memref<176x112xf32, #tpu.memory_space<hbm>>
        %dma_start3A_140 = arith.constant 0 : i32
        %dma_start3A_141 = tpu.memref_slice %arg2[%add3A_137, %dma_start3A_140] : memref<67584x112xf32, #tpu.memory_space<hbm>> -> memref<176x112xf32, #tpu.memory_space<hbm>>
        tpu.enqueue_dma source(%dma_start3A_141 : memref<176x112xf32, #tpu.memory_space<hbm>>) target(%arg10 : memref<176x112xf32, #tpu.memory_space<vmem>>) target_semaphore(%arg15 : memref<!tpu.dma_semaphore, #tpu.memory_space<semaphore_mem>>)
      } else {
      }
      %mul3A_109 = arith.constant 4 : i32
      %mul3A_110 = arith.muli %mul3A_109, %scan3A_38 : i32
      %add3A_111 = arith.constant 3 : i32
      %add3A_112 = arith.addi %mul3A_110, %add3A_111 : i32
      %mul3A_113 = arith.constant 176 : i32
      %mul3A_114 = arith.muli %add3A_112, %mul3A_113 : i32
      %add3A_115 = arith.addi %mul3A_4, %mul3A_114 : i32
      %dma_wait3A_116 = arith.constant 0 : i32
      %dma_wait3A_117 = tpu.memref_slice %arg2[%add3A_115, %dma_wait3A_116] : memref<67584x112xf32, #tpu.memory_space<hbm>> -> memref<176x112xf32, #tpu.memory_space<hbm>>
      %dma_wait3A_118 = arith.constant 0 : i32
      %dma_wait3A_119 = tpu.memref_slice %arg2[%add3A_115, %dma_wait3A_118] : memref<67584x112xf32, #tpu.memory_space<hbm>> -> memref<176x112xf32, #tpu.memory_space<hbm>>
      tpu.wait_dma2 semaphore(%arg16 : memref<!tpu.dma_semaphore, #tpu.memory_space<semaphore_mem>>) src(%dma_wait3A_119 : memref<176x112xf32, #tpu.memory_space<hbm>>) dst(%arg11 : memref<176x112xf32, #tpu.memory_space<vmem>>)
      %scan3A_120 = arith.constant 0 : i32
      %scan3A_121 = arith.constant 2 : i32
      %scan3A_122 = arith.addi %scan3A_120, %scan3A_121 : i32
      %scan3A_123 = arith.constant 1 : i32
      %scan3A_124:2 = scf.for %scan3A_133 = %scan3A_120 to %scan3A_122 step %scan3A_123 iter_args(%scan3A_134 = %scan3A_100#0, %scan3A_135 = %scan3A_100#1) -> (vector<16xf32>, vector<16xf32>)  : i32 {
        %mul3A_136 = arith.constant 2 : i32
        %mul3A_137 = arith.muli %add3A_112, %mul3A_136 : i32
        %add3A_138 = arith.addi %mul3A_137, %scan3A_133 : i32
        %mul3A_139 = arith.constant 88 : i32
        %mul3A_140 = arith.muli %scan3A_133, %mul3A_139 : i32
        %add3A_141 = arith.constant 0 : i32
        %add3A_142 = arith.addi %mul3A_140, %add3A_141 : i32
        %add3A_143 = vector.broadcast %add3A_142 : i32 to vector<16xi32>
        %add3A_144 = arith.addi %add3A_143, %iota3A : vector<16xi32>
        %get3A = arith.index_cast %add3A_138 : i32 to index
        %get3A_145 = arith.constant 0 : index
        %get3A_146 = tpu.vector_load %arg6[%get3A, %get3A_145] {strides = array<i32>} : memref<16x88xi32, #tpu.memory_space<vmem>>, vector<16xi32>,
        %mul3A_147 = arith.constant 2 : i32
        %mul3A_148 = vector.broadcast %mul3A_147 : i32 to vector<16xi32>
        %mul3A_149 = arith.muli %mul3A_148, %get3A_146 : vector<16xi32>
        %sub3A = arith.constant 2 : i32
        %sub3A_150 = vector.broadcast %sub3A : i32 to vector<16xi32>
        %sub3A_151 = arith.subi %mul3A_149, %sub3A_150 : vector<16xi32>
        %max3A = arith.constant 0 : i32
        %max3A_152 = vector.broadcast %max3A : i32 to vector<16xi32>
        %max3A_153 = arith.maxsi %sub3A_151, %max3A_152 : vector<16xi32>
        %min3A = arith.constant 111 : i32
        %min3A_154 = vector.broadcast %min3A : i32 to vector<16xi32>
        %min3A_155 = arith.minsi %max3A_153, %min3A_154 : vector<16xi32>
        %gather3A = tpu.vector_load_idx %arg11[%add3A_144, %min3A_155] : memref<176x112xf32, #tpu.memory_space<vmem>>[vector<16xi32>, vector<16xi32>], vector<16xf32>,
        %add3A_156 = arith.constant 9.99999993E-9 : f32
        %add3A_157 = vector.broadcast %add3A_156 : f32 to vector<16xf32>
        %add3A_158 = arith.addf %gather3A, %add3A_157 : vector<16xf32>
        %get3A_159 = arith.index_cast %add3A_138 : i32 to index
        %get3A_160 = arith.constant 0 : index
        %get3A_161 = tpu.vector_load %arg7[%get3A_159, %get3A_160] {strides = array<i32>} : memref<16x88xf32, #tpu.memory_space<vmem>>, vector<16xf32>,
        %bitcast_convert_type3A = tpu.bitcast %add3A_158 : vector<16xf32> -> vector<16xi32>
        %shift_right_arithmetic3A = arith.constant 23 : i32
        %shift_right_arithmetic3A_162 = vector.broadcast %shift_right_arithmetic3A : i32 to vector<16xi32>
        %shift_right_arithmetic3A_163 = arith.shrsi %bitcast_convert_type3A, %shift_right_arithmetic3A_162 : vector<16xi32>
        %sub3A_164 = arith.constant 127 : i32
        %sub3A_165 = vector.broadcast %sub3A_164 : i32 to vector<16xi32>
        %sub3A_166 = arith.subi %shift_right_arithmetic3A_163, %sub3A_165 : vector<16xi32>
        %and3A = arith.constant 8388607 : i32
        %and3A_167 = vector.broadcast %and3A : i32 to vector<16xi32>
        %and3A_168 = arith.andi %bitcast_convert_type3A, %and3A_167 : vector<16xi32>
        %or3A = arith.constant 1065353216 : i32
        %or3A_169 = vector.broadcast %or3A : i32 to vector<16xi32>
        %or3A_170 = arith.ori %and3A_168, %or3A_169 : vector<16xi32>
        %bitcast_convert_type3A_171 = tpu.bitcast %or3A_170 : vector<16xi32> -> vector<16xf32>
        %gt3A = arith.constant 1.41421354 : f32
        %gt3A_172 = vector.broadcast %gt3A : f32 to vector<16xf32>
        %gt3A_173 = arith.cmpf ogt, %bitcast_convert_type3A_171, %gt3A_172 : vector<16xf32>
        %mul3A_174 = arith.constant 5.000000e-01 : f32
        %mul3A_175 = vector.broadcast %mul3A_174 : f32 to vector<16xf32>
        %mul3A_176 = arith.mulf %bitcast_convert_type3A_171, %mul3A_175 : vector<16xf32>
        %select_n3A = arith.select %gt3A_173, %mul3A_176, %bitcast_convert_type3A_171 : vector<16xi1>, vector<16xf32>
        %convert_element_type3A_177 = arith.sitofp %sub3A_166 : vector<16xi32> to vector<16xf32>
        %jit3A = arith.constant 1.000000e+00 : f32
        %jit3A_178 = arith.constant 0.000000e+00 : f32
        %broadcast_in_dim3A_179 = vector.broadcast %jit3A : f32 to vector<16xf32>
        %broadcast_in_dim3A_180 = vector.broadcast %jit3A_178 : f32 to vector<16xf32>
        %select_n3A_181 = arith.select %gt3A_173, %broadcast_in_dim3A_179, %broadcast_in_dim3A_180 : vector<16xi1>, vector<16xf32>
        %add3A_182 = arith.addf %convert_element_type3A_177, %select_n3A_181 : vector<16xf32>
        %sub3A_183 = arith.constant 1.000000e+00 : f32
        %sub3A_184 = vector.broadcast %sub3A_183 : f32 to vector<16xf32>
        %sub3A_185 = arith.subf %select_n3A, %sub3A_184 : vector<16xf32>
        %add3A_186 = arith.constant 1.000000e+00 : f32
        %add3A_187 = vector.broadcast %add3A_186 : f32 to vector<16xf32>
        %add3A_188 = arith.addf %select_n3A, %add3A_187 : vector<16xf32>
        %div3A = arith.divf %sub3A_185, %add3A_188 : vector<16xf32>
        %mul3A_189 = arith.mulf %div3A, %div3A : vector<16xf32>
        %mul3A_190 = arith.constant 0.222222224 : f32
        %mul3A_191 = vector.broadcast %mul3A_190 : f32 to vector<16xf32>
        %mul3A_192 = arith.mulf %mul3A_189, %mul3A_191 : vector<16xf32>
        %add3A_193 = arith.constant 0.285714298 : f32
        %add3A_194 = vector.broadcast %add3A_193 : f32 to vector<16xf32>
        %add3A_195 = arith.addf %add3A_194, %mul3A_192 : vector<16xf32>
        %mul3A_196 = arith.mulf %mul3A_189, %add3A_195 : vector<16xf32>
        %add3A_197 = arith.constant 4.000000e-01 : f32
        %add3A_198 = vector.broadcast %add3A_197 : f32 to vector<16xf32>
        %add3A_199 = arith.addf %add3A_198, %mul3A_196 : vector<16xf32>
        %mul3A_200 = arith.mulf %mul3A_189, %add3A_199 : vector<16xf32>
        %add3A_201 = arith.constant 0.666666686 : f32
        %add3A_202 = vector.broadcast %add3A_201 : f32 to vector<16xf32>
        %add3A_203 = arith.addf %add3A_202, %mul3A_200 : vector<16xf32>
        %mul3A_204 = arith.mulf %mul3A_189, %add3A_203 : vector<16xf32>
        %add3A_205 = arith.constant 2.000000e+00 : f32
        %add3A_206 = vector.broadcast %add3A_205 : f32 to vector<16xf32>
        %add3A_207 = arith.addf %add3A_206, %mul3A_204 : vector<16xf32>
        %mul3A_208 = arith.constant 0.693147182 : f32
        %mul3A_209 = vector.broadcast %mul3A_208 : f32 to vector<16xf32>
        %mul3A_210 = arith.mulf %add3A_182, %mul3A_209 : vector<16xf32>
        %mul3A_211 = arith.mulf %div3A, %add3A_207 : vector<16xf32>
        %add3A_212 = arith.addf %mul3A_210, %mul3A_211 : vector<16xf32>
        %mul3A_213 = arith.mulf %get3A_161, %add3A_212 : vector<16xf32>
        %add3A_214 = arith.addf %scan3A_134, %mul3A_213 : vector<16xf32>
        %add3A_215 = arith.addf %scan3A_135, %get3A_161 : vector<16xf32>
        %mul3A_216 = arith.constant 88 : i32
        %mul3A_217 = arith.muli %scan3A_133, %mul3A_216 : i32
        %add3A_218 = arith.constant 16 : i32
        %add3A_219 = arith.addi %mul3A_217, %add3A_218 : i32
        %add3A_220 = vector.broadcast %add3A_219 : i32 to vector<16xi32>
        %add3A_221 = arith.addi %add3A_220, %iota3A : vector<16xi32>
        %get3A_222 = arith.index_cast %add3A_138 : i32 to index
        %get3A_223 = arith.constant 16 : index
        %get3A_224 = tpu.vector_load %arg6[%get3A_222, %get3A_223] {strides = array<i32>} : memref<16x88xi32, #tpu.memory_space<vmem>>, vector<16xi32>,
        %mul3A_225 = arith.constant 2 : i32
        %mul3A_226 = vector.broadcast %mul3A_225 : i32 to vector<16xi32>
        %mul3A_227 = arith.muli %mul3A_226, %get3A_224 : vector<16xi32>
        %sub3A_228 = arith.constant 2 : i32
        %sub3A_229 = vector.broadcast %sub3A_228 : i32 to vector<16xi32>
        %sub3A_230 = arith.subi %mul3A_227, %sub3A_229 : vector<16xi32>
        %max3A_231 = arith.constant 0 : i32
        %max3A_232 = vector.broadcast %max3A_231 : i32 to vector<16xi32>
        %max3A_233 = arith.maxsi %sub3A_230, %max3A_232 : vector<16xi32>
        %min3A_234 = arith.constant 111 : i32
        %min3A_235 = vector.broadcast %min3A_234 : i32 to vector<16xi32>
        %min3A_236 = arith.minsi %max3A_233, %min3A_235 : vector<16xi32>
        %gather3A_237 = tpu.vector_load_idx %arg11[%add3A_221, %min3A_236] : memref<176x112xf32, #tpu.memory_space<vmem>>[vector<16xi32>, vector<16xi32>], vector<16xf32>,
        %add3A_238 = arith.constant 9.99999993E-9 : f32
        %add3A_239 = vector.broadcast %add3A_238 : f32 to vector<16xf32>
        %add3A_240 = arith.addf %gather3A_237, %add3A_239 : vector<16xf32>
        %get3A_241 = arith.index_cast %add3A_138 : i32 to index
        %get3A_242 = arith.constant 16 : index
        %get3A_243 = tpu.vector_load %arg7[%get3A_241, %get3A_242] {strides = array<i32>} : memref<16x88xf32, #tpu.memory_space<vmem>>, vector<16xf32>,
        %bitcast_convert_type3A_244 = tpu.bitcast %add3A_240 : vector<16xf32> -> vector<16xi32>
        %shift_right_arithmetic3A_245 = arith.constant 23 : i32
        %shift_right_arithmetic3A_246 = vector.broadcast %shift_right_arithmetic3A_245 : i32 to vector<16xi32>
        %shift_right_arithmetic3A_247 = arith.shrsi %bitcast_convert_type3A_244, %shift_right_arithmetic3A_246 : vector<16xi32>
        %sub3A_248 = arith.constant 127 : i32
        %sub3A_249 = vector.broadcast %sub3A_248 : i32 to vector<16xi32>
        %sub3A_250 = arith.subi %shift_right_arithmetic3A_247, %sub3A_249 : vector<16xi32>
        %and3A_251 = arith.constant 8388607 : i32
        %and3A_252 = vector.broadcast %and3A_251 : i32 to vector<16xi32>
        %and3A_253 = arith.andi %bitcast_convert_type3A_244, %and3A_252 : vector<16xi32>
        %or3A_254 = arith.constant 1065353216 : i32
        %or3A_255 = vector.broadcast %or3A_254 : i32 to vector<16xi32>
        %or3A_256 = arith.ori %and3A_253, %or3A_255 : vector<16xi32>
        %bitcast_convert_type3A_257 = tpu.bitcast %or3A_256 : vector<16xi32> -> vector<16xf32>
        %gt3A_258 = arith.constant 1.41421354 : f32
        %gt3A_259 = vector.broadcast %gt3A_258 : f32 to vector<16xf32>
        %gt3A_260 = arith.cmpf ogt, %bitcast_convert_type3A_257, %gt3A_259 : vector<16xf32>
        %mul3A_261 = arith.constant 5.000000e-01 : f32
        %mul3A_262 = vector.broadcast %mul3A_261 : f32 to vector<16xf32>
        %mul3A_263 = arith.mulf %bitcast_convert_type3A_257, %mul3A_262 : vector<16xf32>
        %select_n3A_264 = arith.select %gt3A_260, %mul3A_263, %bitcast_convert_type3A_257 : vector<16xi1>, vector<16xf32>
        %convert_element_type3A_265 = arith.sitofp %sub3A_250 : vector<16xi32> to vector<16xf32>
        %jit3A_266 = arith.constant 1.000000e+00 : f32
        %jit3A_267 = arith.constant 0.000000e+00 : f32
        %broadcast_in_dim3A_268 = vector.broadcast %jit3A_266 : f32 to vector<16xf32>
        %broadcast_in_dim3A_269 = vector.broadcast %jit3A_267 : f32 to vector<16xf32>
        %select_n3A_270 = arith.select %gt3A_260, %broadcast_in_dim3A_268, %broadcast_in_dim3A_269 : vector<16xi1>, vector<16xf32>
        %add3A_271 = arith.addf %convert_element_type3A_265, %select_n3A_270 : vector<16xf32>
        %sub3A_272 = arith.constant 1.000000e+00 : f32
        %sub3A_273 = vector.broadcast %sub3A_272 : f32 to vector<16xf32>
        %sub3A_274 = arith.subf %select_n3A_264, %sub3A_273 : vector<16xf32>
        %add3A_275 = arith.constant 1.000000e+00 : f32
        %add3A_276 = vector.broadcast %add3A_275 : f32 to vector<16xf32>
        %add3A_277 = arith.addf %select_n3A_264, %add3A_276 : vector<16xf32>
        %div3A_278 = arith.divf %sub3A_274, %add3A_277 : vector<16xf32>
        %mul3A_279 = arith.mulf %div3A_278, %div3A_278 : vector<16xf32>
        %mul3A_280 = arith.constant 0.222222224 : f32
        %mul3A_281 = vector.broadcast %mul3A_280 : f32 to vector<16xf32>
        %mul3A_282 = arith.mulf %mul3A_279, %mul3A_281 : vector<16xf32>
        %add3A_283 = arith.constant 0.285714298 : f32
        %add3A_284 = vector.broadcast %add3A_283 : f32 to vector<16xf32>
        %add3A_285 = arith.addf %add3A_284, %mul3A_282 : vector<16xf32>
        %mul3A_286 = arith.mulf %mul3A_279, %add3A_285 : vector<16xf32>
        %add3A_287 = arith.constant 4.000000e-01 : f32
        %add3A_288 = vector.broadcast %add3A_287 : f32 to vector<16xf32>
        %add3A_289 = arith.addf %add3A_288, %mul3A_286 : vector<16xf32>
        %mul3A_290 = arith.mulf %mul3A_279, %add3A_289 : vector<16xf32>
        %add3A_291 = arith.constant 0.666666686 : f32
        %add3A_292 = vector.broadcast %add3A_291 : f32 to vector<16xf32>
        %add3A_293 = arith.addf %add3A_292, %mul3A_290 : vector<16xf32>
        %mul3A_294 = arith.mulf %mul3A_279, %add3A_293 : vector<16xf32>
        %add3A_295 = arith.constant 2.000000e+00 : f32
        %add3A_296 = vector.broadcast %add3A_295 : f32 to vector<16xf32>
        %add3A_297 = arith.addf %add3A_296, %mul3A_294 : vector<16xf32>
        %mul3A_298 = arith.constant 0.693147182 : f32
        %mul3A_299 = vector.broadcast %mul3A_298 : f32 to vector<16xf32>
        %mul3A_300 = arith.mulf %add3A_271, %mul3A_299 : vector<16xf32>
        %mul3A_301 = arith.mulf %div3A_278, %add3A_297 : vector<16xf32>
        %add3A_302 = arith.addf %mul3A_300, %mul3A_301 : vector<16xf32>
        %mul3A_303 = arith.mulf %get3A_243, %add3A_302 : vector<16xf32>
        %add3A_304 = arith.addf %add3A_214, %mul3A_303 : vector<16xf32>
        %add3A_305 = arith.addf %add3A_215, %get3A_243 : vector<16xf32>
        %mul3A_306 = arith.constant 88 : i32
        %mul3A_307 = arith.muli %scan3A_133, %mul3A_306 : i32
        %add3A_308 = arith.constant 32 : i32
        %add3A_309 = arith.addi %mul3A_307, %add3A_308 : i32
        %add3A_310 = vector.broadcast %add3A_309 : i32 to vector<16xi32>
        %add3A_311 = arith.addi %add3A_310, %iota3A : vector<16xi32>
        %get3A_312 = arith.index_cast %add3A_138 : i32 to index
        %get3A_313 = arith.constant 32 : index
        %get3A_314 = tpu.vector_load %arg6[%get3A_312, %get3A_313] {strides = array<i32>} : memref<16x88xi32, #tpu.memory_space<vmem>>, vector<16xi32>,
        %mul3A_315 = arith.constant 2 : i32
        %mul3A_316 = vector.broadcast %mul3A_315 : i32 to vector<16xi32>
        %mul3A_317 = arith.muli %mul3A_316, %get3A_314 : vector<16xi32>
        %sub3A_318 = arith.constant 2 : i32
        %sub3A_319 = vector.broadcast %sub3A_318 : i32 to vector<16xi32>
        %sub3A_320 = arith.subi %mul3A_317, %sub3A_319 : vector<16xi32>
        %max3A_321 = arith.constant 0 : i32
        %max3A_322 = vector.broadcast %max3A_321 : i32 to vector<16xi32>
        %max3A_323 = arith.maxsi %sub3A_320, %max3A_322 : vector<16xi32>
        %min3A_324 = arith.constant 111 : i32
        %min3A_325 = vector.broadcast %min3A_324 : i32 to vector<16xi32>
        %min3A_326 = arith.minsi %max3A_323, %min3A_325 : vector<16xi32>
        %gather3A_327 = tpu.vector_load_idx %arg11[%add3A_311, %min3A_326] : memref<176x112xf32, #tpu.memory_space<vmem>>[vector<16xi32>, vector<16xi32>], vector<16xf32>,
        %add3A_328 = arith.constant 9.99999993E-9 : f32
        %add3A_329 = vector.broadcast %add3A_328 : f32 to vector<16xf32>
        %add3A_330 = arith.addf %gather3A_327, %add3A_329 : vector<16xf32>
        %get3A_331 = arith.index_cast %add3A_138 : i32 to index
        %get3A_332 = arith.constant 32 : index
        %get3A_333 = tpu.vector_load %arg7[%get3A_331, %get3A_332] {strides = array<i32>} : memref<16x88xf32, #tpu.memory_space<vmem>>, vector<16xf32>,
        %bitcast_convert_type3A_334 = tpu.bitcast %add3A_330 : vector<16xf32> -> vector<16xi32>
        %shift_right_arithmetic3A_335 = arith.constant 23 : i32
        %shift_right_arithmetic3A_336 = vector.broadcast %shift_right_arithmetic3A_335 : i32 to vector<16xi32>
        %shift_right_arithmetic3A_337 = arith.shrsi %bitcast_convert_type3A_334, %shift_right_arithmetic3A_336 : vector<16xi32>
        %sub3A_338 = arith.constant 127 : i32
        %sub3A_339 = vector.broadcast %sub3A_338 : i32 to vector<16xi32>
        %sub3A_340 = arith.subi %shift_right_arithmetic3A_337, %sub3A_339 : vector<16xi32>
        %and3A_341 = arith.constant 8388607 : i32
        %and3A_342 = vector.broadcast %and3A_341 : i32 to vector<16xi32>
        %and3A_343 = arith.andi %bitcast_convert_type3A_334, %and3A_342 : vector<16xi32>
        %or3A_344 = arith.constant 1065353216 : i32
        %or3A_345 = vector.broadcast %or3A_344 : i32 to vector<16xi32>
        %or3A_346 = arith.ori %and3A_343, %or3A_345 : vector<16xi32>
        %bitcast_convert_type3A_347 = tpu.bitcast %or3A_346 : vector<16xi32> -> vector<16xf32>
        %gt3A_348 = arith.constant 1.41421354 : f32
        %gt3A_349 = vector.broadcast %gt3A_348 : f32 to vector<16xf32>
        %gt3A_350 = arith.cmpf ogt, %bitcast_convert_type3A_347, %gt3A_349 : vector<16xf32>
        %mul3A_351 = arith.constant 5.000000e-01 : f32
        %mul3A_352 = vector.broadcast %mul3A_351 : f32 to vector<16xf32>
        %mul3A_353 = arith.mulf %bitcast_convert_type3A_347, %mul3A_352 : vector<16xf32>
        %select_n3A_354 = arith.select %gt3A_350, %mul3A_353, %bitcast_convert_type3A_347 : vector<16xi1>, vector<16xf32>
        %convert_element_type3A_355 = arith.sitofp %sub3A_340 : vector<16xi32> to vector<16xf32>
        %jit3A_356 = arith.constant 1.000000e+00 : f32
        %jit3A_357 = arith.constant 0.000000e+00 : f32
        %broadcast_in_dim3A_358 = vector.broadcast %jit3A_356 : f32 to vector<16xf32>
        %broadcast_in_dim3A_359 = vector.broadcast %jit3A_357 : f32 to vector<16xf32>
        %select_n3A_360 = arith.select %gt3A_350, %broadcast_in_dim3A_358, %broadcast_in_dim3A_359 : vector<16xi1>, vector<16xf32>
        %add3A_361 = arith.addf %convert_element_type3A_355, %select_n3A_360 : vector<16xf32>
        %sub3A_362 = arith.constant 1.000000e+00 : f32
        %sub3A_363 = vector.broadcast %sub3A_362 : f32 to vector<16xf32>
        %sub3A_364 = arith.subf %select_n3A_354, %sub3A_363 : vector<16xf32>
        %add3A_365 = arith.constant 1.000000e+00 : f32
        %add3A_366 = vector.broadcast %add3A_365 : f32 to vector<16xf32>
        %add3A_367 = arith.addf %select_n3A_354, %add3A_366 : vector<16xf32>
        %div3A_368 = arith.divf %sub3A_364, %add3A_367 : vector<16xf32>
        %mul3A_369 = arith.mulf %div3A_368, %div3A_368 : vector<16xf32>
        %mul3A_370 = arith.constant 0.222222224 : f32
        %mul3A_371 = vector.broadcast %mul3A_370 : f32 to vector<16xf32>
        %mul3A_372 = arith.mulf %mul3A_369, %mul3A_371 : vector<16xf32>
        %add3A_373 = arith.constant 0.285714298 : f32
        %add3A_374 = vector.broadcast %add3A_373 : f32 to vector<16xf32>
        %add3A_375 = arith.addf %add3A_374, %mul3A_372 : vector<16xf32>
        %mul3A_376 = arith.mulf %mul3A_369, %add3A_375 : vector<16xf32>
        %add3A_377 = arith.constant 4.000000e-01 : f32
        %add3A_378 = vector.broadcast %add3A_377 : f32 to vector<16xf32>
        %add3A_379 = arith.addf %add3A_378, %mul3A_376 : vector<16xf32>
        %mul3A_380 = arith.mulf %mul3A_369, %add3A_379 : vector<16xf32>
        %add3A_381 = arith.constant 0.666666686 : f32
        %add3A_382 = vector.broadcast %add3A_381 : f32 to vector<16xf32>
        %add3A_383 = arith.addf %add3A_382, %mul3A_380 : vector<16xf32>
        %mul3A_384 = arith.mulf %mul3A_369, %add3A_383 : vector<16xf32>
        %add3A_385 = arith.constant 2.000000e+00 : f32
        %add3A_386 = vector.broadcast %add3A_385 : f32 to vector<16xf32>
        %add3A_387 = arith.addf %add3A_386, %mul3A_384 : vector<16xf32>
        %mul3A_388 = arith.constant 0.693147182 : f32
        %mul3A_389 = vector.broadcast %mul3A_388 : f32 to vector<16xf32>
        %mul3A_390 = arith.mulf %add3A_361, %mul3A_389 : vector<16xf32>
        %mul3A_391 = arith.mulf %div3A_368, %add3A_387 : vector<16xf32>
        %add3A_392 = arith.addf %mul3A_390, %mul3A_391 : vector<16xf32>
        %mul3A_393 = arith.mulf %get3A_333, %add3A_392 : vector<16xf32>
        %add3A_394 = arith.addf %add3A_304, %mul3A_393 : vector<16xf32>
        %add3A_395 = arith.addf %add3A_305, %get3A_333 : vector<16xf32>
        %mul3A_396 = arith.constant 88 : i32
        %mul3A_397 = arith.muli %scan3A_133, %mul3A_396 : i32
        %add3A_398 = arith.constant 48 : i32
        %add3A_399 = arith.addi %mul3A_397, %add3A_398 : i32
        %add3A_400 = vector.broadcast %add3A_399 : i32 to vector<16xi32>
        %add3A_401 = arith.addi %add3A_400, %iota3A : vector<16xi32>
        %get3A_402 = arith.index_cast %add3A_138 : i32 to index
        %get3A_403 = arith.constant 48 : index
        %get3A_404 = tpu.vector_load %arg6[%get3A_402, %get3A_403] {strides = array<i32>} : memref<16x88xi32, #tpu.memory_space<vmem>>, vector<16xi32>,
        %mul3A_405 = arith.constant 2 : i32
        %mul3A_406 = vector.broadcast %mul3A_405 : i32 to vector<16xi32>
        %mul3A_407 = arith.muli %mul3A_406, %get3A_404 : vector<16xi32>
        %sub3A_408 = arith.constant 2 : i32
        %sub3A_409 = vector.broadcast %sub3A_408 : i32 to vector<16xi32>
        %sub3A_410 = arith.subi %mul3A_407, %sub3A_409 : vector<16xi32>
        %max3A_411 = arith.constant 0 : i32
        %max3A_412 = vector.broadcast %max3A_411 : i32 to vector<16xi32>
        %max3A_413 = arith.maxsi %sub3A_410, %max3A_412 : vector<16xi32>
        %min3A_414 = arith.constant 111 : i32
        %min3A_415 = vector.broadcast %min3A_414 : i32 to vector<16xi32>
        %min3A_416 = arith.minsi %max3A_413, %min3A_415 : vector<16xi32>
        %gather3A_417 = tpu.vector_load_idx %arg11[%add3A_401, %min3A_416] : memref<176x112xf32, #tpu.memory_space<vmem>>[vector<16xi32>, vector<16xi32>], vector<16xf32>,
        %add3A_418 = arith.constant 9.99999993E-9 : f32
        %add3A_419 = vector.broadcast %add3A_418 : f32 to vector<16xf32>
        %add3A_420 = arith.addf %gather3A_417, %add3A_419 : vector<16xf32>
        %get3A_421 = arith.index_cast %add3A_138 : i32 to index
        %get3A_422 = arith.constant 48 : index
        %get3A_423 = tpu.vector_load %arg7[%get3A_421, %get3A_422] {strides = array<i32>} : memref<16x88xf32, #tpu.memory_space<vmem>>, vector<16xf32>,
        %bitcast_convert_type3A_424 = tpu.bitcast %add3A_420 : vector<16xf32> -> vector<16xi32>
        %shift_right_arithmetic3A_425 = arith.constant 23 : i32
        %shift_right_arithmetic3A_426 = vector.broadcast %shift_right_arithmetic3A_425 : i32 to vector<16xi32>
        %shift_right_arithmetic3A_427 = arith.shrsi %bitcast_convert_type3A_424, %shift_right_arithmetic3A_426 : vector<16xi32>
        %sub3A_428 = arith.constant 127 : i32
        %sub3A_429 = vector.broadcast %sub3A_428 : i32 to vector<16xi32>
        %sub3A_430 = arith.subi %shift_right_arithmetic3A_427, %sub3A_429 : vector<16xi32>
        %and3A_431 = arith.constant 8388607 : i32
        %and3A_432 = vector.broadcast %and3A_431 : i32 to vector<16xi32>
        %and3A_433 = arith.andi %bitcast_convert_type3A_424, %and3A_432 : vector<16xi32>
        %or3A_434 = arith.constant 1065353216 : i32
        %or3A_435 = vector.broadcast %or3A_434 : i32 to vector<16xi32>
        %or3A_436 = arith.ori %and3A_433, %or3A_435 : vector<16xi32>
        %bitcast_convert_type3A_437 = tpu.bitcast %or3A_436 : vector<16xi32> -> vector<16xf32>
        %gt3A_438 = arith.constant 1.41421354 : f32
        %gt3A_439 = vector.broadcast %gt3A_438 : f32 to vector<16xf32>
        %gt3A_440 = arith.cmpf ogt, %bitcast_convert_type3A_437, %gt3A_439 : vector<16xf32>
        %mul3A_441 = arith.constant 5.000000e-01 : f32
        %mul3A_442 = vector.broadcast %mul3A_441 : f32 to vector<16xf32>
        %mul3A_443 = arith.mulf %bitcast_convert_type3A_437, %mul3A_442 : vector<16xf32>
        %select_n3A_444 = arith.select %gt3A_440, %mul3A_443, %bitcast_convert_type3A_437 : vector<16xi1>, vector<16xf32>
        %convert_element_type3A_445 = arith.sitofp %sub3A_430 : vector<16xi32> to vector<16xf32>
        %jit3A_446 = arith.constant 1.000000e+00 : f32
        %jit3A_447 = arith.constant 0.000000e+00 : f32
        %broadcast_in_dim3A_448 = vector.broadcast %jit3A_446 : f32 to vector<16xf32>
        %broadcast_in_dim3A_449 = vector.broadcast %jit3A_447 : f32 to vector<16xf32>
        %select_n3A_450 = arith.select %gt3A_440, %broadcast_in_dim3A_448, %broadcast_in_dim3A_449 : vector<16xi1>, vector<16xf32>
        %add3A_451 = arith.addf %convert_element_type3A_445, %select_n3A_450 : vector<16xf32>
        %sub3A_452 = arith.constant 1.000000e+00 : f32
        %sub3A_453 = vector.broadcast %sub3A_452 : f32 to vector<16xf32>
        %sub3A_454 = arith.subf %select_n3A_444, %sub3A_453 : vector<16xf32>
        %add3A_455 = arith.constant 1.000000e+00 : f32
        %add3A_456 = vector.broadcast %add3A_455 : f32 to vector<16xf32>
        %add3A_457 = arith.addf %select_n3A_444, %add3A_456 : vector<16xf32>
        %div3A_458 = arith.divf %sub3A_454, %add3A_457 : vector<16xf32>
        %mul3A_459 = arith.mulf %div3A_458, %div3A_458 : vector<16xf32>
        %mul3A_460 = arith.constant 0.222222224 : f32
        %mul3A_461 = vector.broadcast %mul3A_460 : f32 to vector<16xf32>
        %mul3A_462 = arith.mulf %mul3A_459, %mul3A_461 : vector<16xf32>
        %add3A_463 = arith.constant 0.285714298 : f32
        %add3A_464 = vector.broadcast %add3A_463 : f32 to vector<16xf32>
        %add3A_465 = arith.addf %add3A_464, %mul3A_462 : vector<16xf32>
        %mul3A_466 = arith.mulf %mul3A_459, %add3A_465 : vector<16xf32>
        %add3A_467 = arith.constant 4.000000e-01 : f32
        %add3A_468 = vector.broadcast %add3A_467 : f32 to vector<16xf32>
        %add3A_469 = arith.addf %add3A_468, %mul3A_466 : vector<16xf32>
        %mul3A_470 = arith.mulf %mul3A_459, %add3A_469 : vector<16xf32>
        %add3A_471 = arith.constant 0.666666686 : f32
        %add3A_472 = vector.broadcast %add3A_471 : f32 to vector<16xf32>
        %add3A_473 = arith.addf %add3A_472, %mul3A_470 : vector<16xf32>
        %mul3A_474 = arith.mulf %mul3A_459, %add3A_473 : vector<16xf32>
        %add3A_475 = arith.constant 2.000000e+00 : f32
        %add3A_476 = vector.broadcast %add3A_475 : f32 to vector<16xf32>
        %add3A_477 = arith.addf %add3A_476, %mul3A_474 : vector<16xf32>
        %mul3A_478 = arith.constant 0.693147182 : f32
        %mul3A_479 = vector.broadcast %mul3A_478 : f32 to vector<16xf32>
        %mul3A_480 = arith.mulf %add3A_451, %mul3A_479 : vector<16xf32>
        %mul3A_481 = arith.mulf %div3A_458, %add3A_477 : vector<16xf32>
        %add3A_482 = arith.addf %mul3A_480, %mul3A_481 : vector<16xf32>
        %mul3A_483 = arith.mulf %get3A_423, %add3A_482 : vector<16xf32>
        %add3A_484 = arith.addf %add3A_394, %mul3A_483 : vector<16xf32>
        %add3A_485 = arith.addf %add3A_395, %get3A_423 : vector<16xf32>
        %mul3A_486 = arith.constant 88 : i32
        %mul3A_487 = arith.muli %scan3A_133, %mul3A_486 : i32
        %add3A_488 = arith.constant 64 : i32
        %add3A_489 = arith.addi %mul3A_487, %add3A_488 : i32
        %add3A_490 = vector.broadcast %add3A_489 : i32 to vector<16xi32>
        %add3A_491 = arith.addi %add3A_490, %iota3A : vector<16xi32>
        %get3A_492 = arith.index_cast %add3A_138 : i32 to index
        %get3A_493 = arith.constant 64 : index
        %get3A_494 = tpu.vector_load %arg6[%get3A_492, %get3A_493] {strides = array<i32>} : memref<16x88xi32, #tpu.memory_space<vmem>>, vector<16xi32>,
        %mul3A_495 = arith.constant 2 : i32
        %mul3A_496 = vector.broadcast %mul3A_495 : i32 to vector<16xi32>
        %mul3A_497 = arith.muli %mul3A_496, %get3A_494 : vector<16xi32>
        %sub3A_498 = arith.constant 2 : i32
        %sub3A_499 = vector.broadcast %sub3A_498 : i32 to vector<16xi32>
        %sub3A_500 = arith.subi %mul3A_497, %sub3A_499 : vector<16xi32>
        %max3A_501 = arith.constant 0 : i32
        %max3A_502 = vector.broadcast %max3A_501 : i32 to vector<16xi32>
        %max3A_503 = arith.maxsi %sub3A_500, %max3A_502 : vector<16xi32>
        %min3A_504 = arith.constant 111 : i32
        %min3A_505 = vector.broadcast %min3A_504 : i32 to vector<16xi32>
        %min3A_506 = arith.minsi %max3A_503, %min3A_505 : vector<16xi32>
        %gather3A_507 = tpu.vector_load_idx %arg11[%add3A_491, %min3A_506] : memref<176x112xf32, #tpu.memory_space<vmem>>[vector<16xi32>, vector<16xi32>], vector<16xf32>,
        %add3A_508 = arith.constant 9.99999993E-9 : f32
        %add3A_509 = vector.broadcast %add3A_508 : f32 to vector<16xf32>
        %add3A_510 = arith.addf %gather3A_507, %add3A_509 : vector<16xf32>
        %get3A_511 = arith.index_cast %add3A_138 : i32 to index
        %get3A_512 = arith.constant 64 : index
        %get3A_513 = tpu.vector_load %arg7[%get3A_511, %get3A_512] {strides = array<i32>} : memref<16x88xf32, #tpu.memory_space<vmem>>, vector<16xf32>,
        %bitcast_convert_type3A_514 = tpu.bitcast %add3A_510 : vector<16xf32> -> vector<16xi32>
        %shift_right_arithmetic3A_515 = arith.constant 23 : i32
        %shift_right_arithmetic3A_516 = vector.broadcast %shift_right_arithmetic3A_515 : i32 to vector<16xi32>
        %shift_right_arithmetic3A_517 = arith.shrsi %bitcast_convert_type3A_514, %shift_right_arithmetic3A_516 : vector<16xi32>
        %sub3A_518 = arith.constant 127 : i32
        %sub3A_519 = vector.broadcast %sub3A_518 : i32 to vector<16xi32>
        %sub3A_520 = arith.subi %shift_right_arithmetic3A_517, %sub3A_519 : vector<16xi32>
        %and3A_521 = arith.constant 8388607 : i32
        %and3A_522 = vector.broadcast %and3A_521 : i32 to vector<16xi32>
        %and3A_523 = arith.andi %bitcast_convert_type3A_514, %and3A_522 : vector<16xi32>
        %or3A_524 = arith.constant 1065353216 : i32
        %or3A_525 = vector.broadcast %or3A_524 : i32 to vector<16xi32>
        %or3A_526 = arith.ori %and3A_523, %or3A_525 : vector<16xi32>
        %bitcast_convert_type3A_527 = tpu.bitcast %or3A_526 : vector<16xi32> -> vector<16xf32>
        %gt3A_528 = arith.constant 1.41421354 : f32
        %gt3A_529 = vector.broadcast %gt3A_528 : f32 to vector<16xf32>
        %gt3A_530 = arith.cmpf ogt, %bitcast_convert_type3A_527, %gt3A_529 : vector<16xf32>
        %mul3A_531 = arith.constant 5.000000e-01 : f32
        %mul3A_532 = vector.broadcast %mul3A_531 : f32 to vector<16xf32>
        %mul3A_533 = arith.mulf %bitcast_convert_type3A_527, %mul3A_532 : vector<16xf32>
        %select_n3A_534 = arith.select %gt3A_530, %mul3A_533, %bitcast_convert_type3A_527 : vector<16xi1>, vector<16xf32>
        %convert_element_type3A_535 = arith.sitofp %sub3A_520 : vector<16xi32> to vector<16xf32>
        %jit3A_536 = arith.constant 1.000000e+00 : f32
        %jit3A_537 = arith.constant 0.000000e+00 : f32
        %broadcast_in_dim3A_538 = vector.broadcast %jit3A_536 : f32 to vector<16xf32>
        %broadcast_in_dim3A_539 = vector.broadcast %jit3A_537 : f32 to vector<16xf32>
        %select_n3A_540 = arith.select %gt3A_530, %broadcast_in_dim3A_538, %broadcast_in_dim3A_539 : vector<16xi1>, vector<16xf32>
        %add3A_541 = arith.addf %convert_element_type3A_535, %select_n3A_540 : vector<16xf32>
        %sub3A_542 = arith.constant 1.000000e+00 : f32
        %sub3A_543 = vector.broadcast %sub3A_542 : f32 to vector<16xf32>
        %sub3A_544 = arith.subf %select_n3A_534, %sub3A_543 : vector<16xf32>
        %add3A_545 = arith.constant 1.000000e+00 : f32
        %add3A_546 = vector.broadcast %add3A_545 : f32 to vector<16xf32>
        %add3A_547 = arith.addf %select_n3A_534, %add3A_546 : vector<16xf32>
        %div3A_548 = arith.divf %sub3A_544, %add3A_547 : vector<16xf32>
        %mul3A_549 = arith.mulf %div3A_548, %div3A_548 : vector<16xf32>
        %mul3A_550 = arith.constant 0.222222224 : f32
        %mul3A_551 = vector.broadcast %mul3A_550 : f32 to vector<16xf32>
        %mul3A_552 = arith.mulf %mul3A_549, %mul3A_551 : vector<16xf32>
        %add3A_553 = arith.constant 0.285714298 : f32
        %add3A_554 = vector.broadcast %add3A_553 : f32 to vector<16xf32>
        %add3A_555 = arith.addf %add3A_554, %mul3A_552 : vector<16xf32>
        %mul3A_556 = arith.mulf %mul3A_549, %add3A_555 : vector<16xf32>
        %add3A_557 = arith.constant 4.000000e-01 : f32
        %add3A_558 = vector.broadcast %add3A_557 : f32 to vector<16xf32>
        %add3A_559 = arith.addf %add3A_558, %mul3A_556 : vector<16xf32>
        %mul3A_560 = arith.mulf %mul3A_549, %add3A_559 : vector<16xf32>
        %add3A_561 = arith.constant 0.666666686 : f32
        %add3A_562 = vector.broadcast %add3A_561 : f32 to vector<16xf32>
        %add3A_563 = arith.addf %add3A_562, %mul3A_560 : vector<16xf32>
        %mul3A_564 = arith.mulf %mul3A_549, %add3A_563 : vector<16xf32>
        %add3A_565 = arith.constant 2.000000e+00 : f32
        %add3A_566 = vector.broadcast %add3A_565 : f32 to vector<16xf32>
        %add3A_567 = arith.addf %add3A_566, %mul3A_564 : vector<16xf32>
        %mul3A_568 = arith.constant 0.693147182 : f32
        %mul3A_569 = vector.broadcast %mul3A_568 : f32 to vector<16xf32>
        %mul3A_570 = arith.mulf %add3A_541, %mul3A_569 : vector<16xf32>
        %mul3A_571 = arith.mulf %div3A_548, %add3A_567 : vector<16xf32>
        %add3A_572 = arith.addf %mul3A_570, %mul3A_571 : vector<16xf32>
        %mul3A_573 = arith.mulf %get3A_513, %add3A_572 : vector<16xf32>
        %add3A_574 = arith.addf %add3A_484, %mul3A_573 : vector<16xf32>
        %add3A_575 = arith.addf %add3A_485, %get3A_513 : vector<16xf32>
        %mul3A_576 = arith.constant 88 : i32
        %mul3A_577 = arith.muli %scan3A_133, %mul3A_576 : i32
        %add3A_578 = arith.constant 72 : i32
        %add3A_579 = arith.addi %mul3A_577, %add3A_578 : i32
        %add3A_580 = vector.broadcast %add3A_579 : i32 to vector<16xi32>
        %add3A_581 = arith.addi %add3A_580, %iota3A : vector<16xi32>
        %get3A_582 = arith.index_cast %add3A_138 : i32 to index
        %get3A_583 = arith.constant 72 : index
        %get3A_584 = tpu.vector_load %arg6[%get3A_582, %get3A_583] {strides = array<i32>} : memref<16x88xi32, #tpu.memory_space<vmem>>, vector<16xi32>,
        %mul3A_585 = arith.constant 2 : i32
        %mul3A_586 = vector.broadcast %mul3A_585 : i32 to vector<16xi32>
        %mul3A_587 = arith.muli %mul3A_586, %get3A_584 : vector<16xi32>
        %sub3A_588 = arith.constant 2 : i32
        %sub3A_589 = vector.broadcast %sub3A_588 : i32 to vector<16xi32>
        %sub3A_590 = arith.subi %mul3A_587, %sub3A_589 : vector<16xi32>
        %max3A_591 = arith.constant 0 : i32
        %max3A_592 = vector.broadcast %max3A_591 : i32 to vector<16xi32>
        %max3A_593 = arith.maxsi %sub3A_590, %max3A_592 : vector<16xi32>
        %min3A_594 = arith.constant 111 : i32
        %min3A_595 = vector.broadcast %min3A_594 : i32 to vector<16xi32>
        %min3A_596 = arith.minsi %max3A_593, %min3A_595 : vector<16xi32>
        %gather3A_597 = tpu.vector_load_idx %arg11[%add3A_581, %min3A_596] : memref<176x112xf32, #tpu.memory_space<vmem>>[vector<16xi32>, vector<16xi32>], vector<16xf32>,
        %add3A_598 = arith.constant 9.99999993E-9 : f32
        %add3A_599 = vector.broadcast %add3A_598 : f32 to vector<16xf32>
        %add3A_600 = arith.addf %gather3A_597, %add3A_599 : vector<16xf32>
        %get3A_601 = arith.index_cast %add3A_138 : i32 to index
        %get3A_602 = arith.constant 72 : index
        %get3A_603 = tpu.vector_load %arg7[%get3A_601, %get3A_602] {strides = array<i32>} : memref<16x88xf32, #tpu.memory_space<vmem>>, vector<16xf32>,
        %ge3A = arith.constant 8 : i32
        %ge3A_604 = vector.broadcast %ge3A : i32 to vector<16xi32>
        %ge3A_605 = arith.cmpi sge, %iota3A, %ge3A_604 : vector<16xi32>
        %jit3A_606 = arith.constant 0.000000e+00 : f32
        %broadcast_in_dim3A_607 = vector.broadcast %jit3A_606 : f32 to vector<16xf32>
        %select_n3A_608 = arith.select %ge3A_605, %get3A_603, %broadcast_in_dim3A_607 : vector<16xi1>, vector<16xf32>
        %bitcast_convert_type3A_609 = tpu.bitcast %add3A_600 : vector<16xf32> -> vector<16xi32>
        %shift_right_arithmetic3A_610 = arith.constant 23 : i32
        %shift_right_arithmetic3A_611 = vector.broadcast %shift_right_arithmetic3A_610 : i32 to vector<16xi32>
        %shift_right_arithmetic3A_612 = arith.shrsi %bitcast_convert_type3A_609, %shift_right_arithmetic3A_611 : vector<16xi32>
        %sub3A_613 = arith.constant 127 : i32
        %sub3A_614 = vector.broadcast %sub3A_613 : i32 to vector<16xi32>
        %sub3A_615 = arith.subi %shift_right_arithmetic3A_612, %sub3A_614 : vector<16xi32>
        %and3A_616 = arith.constant 8388607 : i32
        %and3A_617 = vector.broadcast %and3A_616 : i32 to vector<16xi32>
        %and3A_618 = arith.andi %bitcast_convert_type3A_609, %and3A_617 : vector<16xi32>
        %or3A_619 = arith.constant 1065353216 : i32
        %or3A_620 = vector.broadcast %or3A_619 : i32 to vector<16xi32>
        %or3A_621 = arith.ori %and3A_618, %or3A_620 : vector<16xi32>
        %bitcast_convert_type3A_622 = tpu.bitcast %or3A_621 : vector<16xi32> -> vector<16xf32>
        %gt3A_623 = arith.constant 1.41421354 : f32
        %gt3A_624 = vector.broadcast %gt3A_623 : f32 to vector<16xf32>
        %gt3A_625 = arith.cmpf ogt, %bitcast_convert_type3A_622, %gt3A_624 : vector<16xf32>
        %mul3A_626 = arith.constant 5.000000e-01 : f32
        %mul3A_627 = vector.broadcast %mul3A_626 : f32 to vector<16xf32>
        %mul3A_628 = arith.mulf %bitcast_convert_type3A_622, %mul3A_627 : vector<16xf32>
        %select_n3A_629 = arith.select %gt3A_625, %mul3A_628, %bitcast_convert_type3A_622 : vector<16xi1>, vector<16xf32>
        %convert_element_type3A_630 = arith.sitofp %sub3A_615 : vector<16xi32> to vector<16xf32>
        %jit3A_631 = arith.constant 1.000000e+00 : f32
        %jit3A_632 = arith.constant 0.000000e+00 : f32
        %broadcast_in_dim3A_633 = vector.broadcast %jit3A_631 : f32 to vector<16xf32>
        %broadcast_in_dim3A_634 = vector.broadcast %jit3A_632 : f32 to vector<16xf32>
        %select_n3A_635 = arith.select %gt3A_625, %broadcast_in_dim3A_633, %broadcast_in_dim3A_634 : vector<16xi1>, vector<16xf32>
        %add3A_636 = arith.addf %convert_element_type3A_630, %select_n3A_635 : vector<16xf32>
        %sub3A_637 = arith.constant 1.000000e+00 : f32
        %sub3A_638 = vector.broadcast %sub3A_637 : f32 to vector<16xf32>
        %sub3A_639 = arith.subf %select_n3A_629, %sub3A_638 : vector<16xf32>
        %add3A_640 = arith.constant 1.000000e+00 : f32
        %add3A_641 = vector.broadcast %add3A_640 : f32 to vector<16xf32>
        %add3A_642 = arith.addf %select_n3A_629, %add3A_641 : vector<16xf32>
        %div3A_643 = arith.divf %sub3A_639, %add3A_642 : vector<16xf32>
        %mul3A_644 = arith.mulf %div3A_643, %div3A_643 : vector<16xf32>
        %mul3A_645 = arith.constant 0.222222224 : f32
        %mul3A_646 = vector.broadcast %mul3A_645 : f32 to vector<16xf32>
        %mul3A_647 = arith.mulf %mul3A_644, %mul3A_646 : vector<16xf32>
        %add3A_648 = arith.constant 0.285714298 : f32
        %add3A_649 = vector.broadcast %add3A_648 : f32 to vector<16xf32>
        %add3A_650 = arith.addf %add3A_649, %mul3A_647 : vector<16xf32>
        %mul3A_651 = arith.mulf %mul3A_644, %add3A_650 : vector<16xf32>
        %add3A_652 = arith.constant 4.000000e-01 : f32
        %add3A_653 = vector.broadcast %add3A_652 : f32 to vector<16xf32>
        %add3A_654 = arith.addf %add3A_653, %mul3A_651 : vector<16xf32>
        %mul3A_655 = arith.mulf %mul3A_644, %add3A_654 : vector<16xf32>
        %add3A_656 = arith.constant 0.666666686 : f32
        %add3A_657 = vector.broadcast %add3A_656 : f32 to vector<16xf32>
        %add3A_658 = arith.addf %add3A_657, %mul3A_655 : vector<16xf32>
        %mul3A_659 = arith.mulf %mul3A_644, %add3A_658 : vector<16xf32>
        %add3A_660 = arith.constant 2.000000e+00 : f32
        %add3A_661 = vector.broadcast %add3A_660 : f32 to vector<16xf32>
        %add3A_662 = arith.addf %add3A_661, %mul3A_659 : vector<16xf32>
        %mul3A_663 = arith.constant 0.693147182 : f32
        %mul3A_664 = vector.broadcast %mul3A_663 : f32 to vector<16xf32>
        %mul3A_665 = arith.mulf %add3A_636, %mul3A_664 : vector<16xf32>
        %mul3A_666 = arith.mulf %div3A_643, %add3A_662 : vector<16xf32>
        %add3A_667 = arith.addf %mul3A_665, %mul3A_666 : vector<16xf32>
        %mul3A_668 = arith.mulf %select_n3A_608, %add3A_667 : vector<16xf32>
        %add3A_669 = arith.addf %add3A_574, %mul3A_668 : vector<16xf32>
        %add3A_670 = arith.addf %add3A_575, %select_n3A_608 : vector<16xf32>
        scf.yield %add3A_669, %add3A_670 : vector<16xf32>, vector<16xf32>
      }
      %scan3A_125 = arith.constant 2 : i32
      %add3A_126 = arith.constant 4 : i32
      %add3A_127 = arith.addi %add3A_112, %add3A_126 : i32
      %lt3A_128 = arith.constant 8 : i32
      %lt3A_129 = arith.cmpi slt, %add3A_127, %lt3A_128 : i32
      %convert_element_type3A_130 = arith.extui %lt3A_129 : i1 to i32
      %cond3A_131 = arith.constant 0 : i32
      %cond3A_132 = arith.cmpi ne, %convert_element_type3A_130, %cond3A_131 : i32
      scf.if %cond3A_132 {
        %add3A_133 = arith.constant 4 : i32
        %add3A_134 = arith.addi %add3A_112, %add3A_133 : i32
        %mul3A_135 = arith.constant 176 : i32
        %mul3A_136 = arith.muli %add3A_134, %mul3A_135 : i32
        %add3A_137 = arith.addi %mul3A_4, %mul3A_136 : i32
        %dma_start3A_138 = arith.constant 0 : i32
        %dma_start3A_139 = tpu.memref_slice %arg2[%add3A_137, %dma_start3A_138] : memref<67584x112xf32, #tpu.memory_space<hbm>> -> memref<176x112xf32, #tpu.memory_space<hbm>>
        %dma_start3A_140 = arith.constant 0 : i32
        %dma_start3A_141 = tpu.memref_slice %arg2[%add3A_137, %dma_start3A_140] : memref<67584x112xf32, #tpu.memory_space<hbm>> -> memref<176x112xf32, #tpu.memory_space<hbm>>
        tpu.enqueue_dma source(%dma_start3A_141 : memref<176x112xf32, #tpu.memory_space<hbm>>) target(%arg11 : memref<176x112xf32, #tpu.memory_space<vmem>>) target_semaphore(%arg16 : memref<!tpu.dma_semaphore, #tpu.memory_space<semaphore_mem>>)
      } else {
      }
      scf.yield %scan3A_124#0, %scan3A_124#1 : vector<16xf32>, vector<16xf32>
    }
    %scan3A_33 = arith.constant 2 : i32
    %swap3A = arith.constant 0 : index
    %swap3A_34 = tpu.vector_load %arg12[%swap3A] {strides = array<i32>} : memref<16xf32, #tpu.memory_space<vmem>>, vector<16xf32>,
    tpu.vector_store %arg12[%swap3A], %scan3A_32#0 {strides = array<i32>} : memref<16xf32, #tpu.memory_space<vmem>>, vector<16xf32>,
    %run_scoped3A = arith.constant 0 : i32
    "tpu.region"() ({
      %run_scoped3A_38 = tpu.sem_alloc : memref<!tpu.dma_semaphore, #tpu.memory_space<semaphore_mem>>
      %dma_start3A_39 = arith.constant 0 : i32
      %dma_start3A_40 = tpu.memref_slice %arg5[%run_scoped3A, %add3A, %dma_start3A_39] : memref<2x32x16xf32, #tpu.memory_space<hbm>> -> memref<1x1x16xf32, #tpu.memory_space<hbm>>
      %dma_start3A_41 = tpu.memref_squeeze %dma_start3A_40 : memref<1x1x16xf32, #tpu.memory_space<hbm>> -> memref<16xf32, #tpu.memory_space<hbm>>
      %dma_start3A_42 = arith.constant 0 : i32
      %dma_start3A_43 = tpu.memref_slice %arg5[%run_scoped3A, %add3A, %dma_start3A_42] : memref<2x32x16xf32, #tpu.memory_space<hbm>> -> memref<1x1x16xf32, #tpu.memory_space<hbm>>
      %dma_start3A_44 = tpu.memref_squeeze %dma_start3A_43 : memref<1x1x16xf32, #tpu.memory_space<hbm>> -> memref<16xf32, #tpu.memory_space<hbm>>
      tpu.enqueue_dma source(%arg12 : memref<16xf32, #tpu.memory_space<vmem>>) target(%dma_start3A_44 : memref<16xf32, #tpu.memory_space<hbm>>) target_semaphore(%run_scoped3A_38 : memref<!tpu.dma_semaphore, #tpu.memory_space<semaphore_mem>>)
      %dma_wait3A = arith.constant 0 : i32
      %dma_wait3A_45 = tpu.memref_slice %arg5[%run_scoped3A, %add3A, %dma_wait3A] : memref<2x32x16xf32, #tpu.memory_space<hbm>> -> memref<1x1x16xf32, #tpu.memory_space<hbm>>
      %dma_wait3A_46 = tpu.memref_squeeze %dma_wait3A_45 : memref<1x1x16xf32, #tpu.memory_space<hbm>> -> memref<16xf32, #tpu.memory_space<hbm>>
      %dma_wait3A_47 = arith.constant 0 : i32
      %dma_wait3A_48 = tpu.memref_slice %arg5[%run_scoped3A, %add3A, %dma_wait3A_47] : memref<2x32x16xf32, #tpu.memory_space<hbm>> -> memref<1x1x16xf32, #tpu.memory_space<hbm>>
      %dma_wait3A_49 = tpu.memref_squeeze %dma_wait3A_48 : memref<1x1x16xf32, #tpu.memory_space<hbm>> -> memref<16xf32, #tpu.memory_space<hbm>>
      tpu.wait_dma2 semaphore(%run_scoped3A_38 : memref<!tpu.dma_semaphore, #tpu.memory_space<semaphore_mem>>) src(%arg12 : memref<16xf32, #tpu.memory_space<vmem>>) dst(%dma_wait3A_49 : memref<16xf32, #tpu.memory_space<hbm>>)
      tpu.yield
    }) : () -> ()
    %swap3A_35 = arith.constant 0 : index
    %swap3A_36 = tpu.vector_load %arg12[%swap3A_35] {strides = array<i32>} : memref<16xf32, #tpu.memory_space<vmem>>, vector<16xf32>,
    tpu.vector_store %arg12[%swap3A_35], %scan3A_32#1 {strides = array<i32>} : memref<16xf32, #tpu.memory_space<vmem>>, vector<16xf32>,
    %run_scoped3A_37 = arith.constant 1 : i32
    "tpu.region"() ({
      %run_scoped3A_38 = tpu.sem_alloc : memref<!tpu.dma_semaphore, #tpu.memory_space<semaphore_mem>>
      %dma_start3A_39 = arith.constant 0 : i32
      %dma_start3A_40 = tpu.memref_slice %arg5[%run_scoped3A_37, %add3A, %dma_start3A_39] : memref<2x32x16xf32, #tpu.memory_space<hbm>> -> memref<1x1x16xf32, #tpu.memory_space<hbm>>
      %dma_start3A_41 = tpu.memref_squeeze %dma_start3A_40 : memref<1x1x16xf32, #tpu.memory_space<hbm>> -> memref<16xf32, #tpu.memory_space<hbm>>
      %dma_start3A_42 = arith.constant 0 : i32
      %dma_start3A_43 = tpu.memref_slice %arg5[%run_scoped3A_37, %add3A, %dma_start3A_42] : memref<2x32x16xf32, #tpu.memory_space<hbm>> -> memref<1x1x16xf32, #tpu.memory_space<hbm>>
      %dma_start3A_44 = tpu.memref_squeeze %dma_start3A_43 : memref<1x1x16xf32, #tpu.memory_space<hbm>> -> memref<16xf32, #tpu.memory_space<hbm>>
      tpu.enqueue_dma source(%arg12 : memref<16xf32, #tpu.memory_space<vmem>>) target(%dma_start3A_44 : memref<16xf32, #tpu.memory_space<hbm>>) target_semaphore(%run_scoped3A_38 : memref<!tpu.dma_semaphore, #tpu.memory_space<semaphore_mem>>)
      %dma_wait3A = arith.constant 0 : i32
      %dma_wait3A_45 = tpu.memref_slice %arg5[%run_scoped3A_37, %add3A, %dma_wait3A] : memref<2x32x16xf32, #tpu.memory_space<hbm>> -> memref<1x1x16xf32, #tpu.memory_space<hbm>>
      %dma_wait3A_46 = tpu.memref_squeeze %dma_wait3A_45 : memref<1x1x16xf32, #tpu.memory_space<hbm>> -> memref<16xf32, #tpu.memory_space<hbm>>
      %dma_wait3A_47 = arith.constant 0 : i32
      %dma_wait3A_48 = tpu.memref_slice %arg5[%run_scoped3A_37, %add3A, %dma_wait3A_47] : memref<2x32x16xf32, #tpu.memory_space<hbm>> -> memref<1x1x16xf32, #tpu.memory_space<hbm>>
      %dma_wait3A_49 = tpu.memref_squeeze %dma_wait3A_48 : memref<1x1x16xf32, #tpu.memory_space<hbm>> -> memref<16xf32, #tpu.memory_space<hbm>>
      tpu.wait_dma2 semaphore(%run_scoped3A_38 : memref<!tpu.dma_semaphore, #tpu.memory_space<semaphore_mem>>) src(%arg12 : memref<16xf32, #tpu.memory_space<vmem>>) dst(%dma_wait3A_49 : memref<16xf32, #tpu.memory_space<hbm>>)
      tpu.yield
    }) : () -> ()
    return
  }
}

module attributes {stable_mosaic.version = 14 : i64} {
  func.func @_tc_body(%arg0: i32, %arg1: memref<5632x112xf32, #tpu.memory_space<vmem>>, %arg2: memref<64x88xi32, #tpu.memory_space<vmem>>, %arg3: memref<64x88xf32, #tpu.memory_space<vmem>>, %arg4: memref<4x128xf32, #tpu.memory_space<vmem>>) attributes {dimension_semantics = [#tpu.dimension_semantics<arbitrary>], iteration_bounds = array<i64: 4>, scalar_prefetch = 0 : i64, scratch_operands = 0 : i64, tpu.core_type = #tpu.core_type<tc>, window_params = [{transform_indices = @transform_0, window_bounds = array<i64: 5632, 112>}, {transform_indices = @transform_1, window_bounds = array<i64: 64, 88>}, {transform_indices = @transform_2, window_bounds = array<i64: 64, 88>}, {pipeline_mode = #tpu.pipeline_mode<synchronous>, transform_indices = @transform_3, window_bounds = array<i64: 4, 128>}]} {
    %get3A = arith.constant 0 : index
    %get3A_0 = arith.constant 0 : index
    %get3A_1 = vector.load %arg1[%get3A, %get3A_0] : memref<5632x112xf32, #tpu.memory_space<vmem>>, vector<5632x112xf32>
    %reshape3A = vector.shape_cast %get3A_1 : vector<5632x112xf32> to vector<64x88x112xf32>
    %get3A_2 = arith.constant 0 : index
    %get3A_3 = arith.constant 0 : index
    %get3A_4 = vector.load %arg2[%get3A_2, %get3A_3] : memref<64x88xi32, #tpu.memory_space<vmem>>, vector<64x88xi32>
    %get3A_5 = arith.constant 0 : index
    %get3A_6 = arith.constant 0 : index
    %get3A_7 = vector.load %arg3[%get3A_5, %get3A_6] : memref<64x88xf32, #tpu.memory_space<vmem>>, vector<64x88xf32>
    %mul3A = arith.constant 2 : i32
    %mul3A_8 = vector.broadcast %mul3A : i32 to vector<64x88xi32>
    %mul3A_9 = arith.muli %mul3A_8, %get3A_4 : vector<64x88xi32>
    %sub3A = arith.constant 2 : i32
    %sub3A_10 = vector.broadcast %sub3A : i32 to vector<64x88xi32>
    %sub3A_11 = arith.subi %mul3A_9, %sub3A_10 : vector<64x88xi32>
    %max3A = arith.constant 0 : i32
    %max3A_12 = vector.broadcast %max3A : i32 to vector<64x88xi32>
    %max3A_13 = arith.maxsi %sub3A_11, %max3A_12 : vector<64x88xi32>
    %min3A = arith.constant 111 : i32
    %min3A_14 = vector.broadcast %min3A : i32 to vector<64x88xi32>
    %min3A_15 = arith.minsi %max3A_13, %min3A_14 : vector<64x88xi32>
    %iota3A = tpu.iota {dimensions = array<i32: 2>} : vector<64x88x112xi32>
    %broadcast_in_dim3A = vector.shape_cast %min3A_15 : vector<64x88xi32> to vector<64x88x1xi32>
    %eq3A = vector.broadcast %broadcast_in_dim3A : vector<64x88x1xi32> to vector<64x88x112xi32>
    %eq3A_16 = arith.cmpi eq, %iota3A, %eq3A : vector<64x88x112xi32>
    %jit3A = arith.constant 0.000000e+00 : f32
    %broadcast_in_dim3A_17 = vector.broadcast %jit3A : f32 to vector<64x88x112xf32>
    %select_n3A = arith.select %eq3A_16, %reshape3A, %broadcast_in_dim3A_17 : vector<64x88x112xi1>, vector<64x88x112xf32>
    %reduce_sum3A = arith.constant dense<0.000000e+00> : vector<64x88xf32>
    %reduce_sum3A_18 = vector.multi_reduction <add>, %select_n3A, %reduce_sum3A [2] : vector<64x88x112xf32> to vector<64x88xf32>
    %add3A = arith.constant 9.99999993E-9 : f32
    %add3A_19 = vector.broadcast %add3A : f32 to vector<64x88xf32>
    %add3A_20 = arith.addf %reduce_sum3A_18, %add3A_19 : vector<64x88xf32>
    %log3A = math.log %add3A_20 : vector<64x88xf32>
    %mul3A_21 = arith.mulf %get3A_7, %log3A : vector<64x88xf32>
    %reduce_sum3A_22 = vector.shape_cast %mul3A_21 : vector<64x88xf32> to vector<1x64x88xf32>
    %reduce_sum3A_23 = arith.constant dense<0.000000e+00> : vector<1xf32>
    %reduce_sum3A_24 = vector.multi_reduction <add>, %reduce_sum3A_22, %reduce_sum3A_23 [1, 2] : vector<1x64x88xf32> to vector<1xf32>
    %reduce_sum3A_25 = vector.shape_cast %reduce_sum3A_24 : vector<1xf32> to vector<1x1x1xf32>
    %reduce_sum3A_26 = vector.extract %reduce_sum3A_25[0, 0, 0] : f32 from vector<1x1x1xf32>
    %reduce_sum3A_27 = vector.shape_cast %get3A_7 : vector<64x88xf32> to vector<1x64x88xf32>
    %reduce_sum3A_28 = arith.constant dense<0.000000e+00> : vector<1xf32>
    %reduce_sum3A_29 = vector.multi_reduction <add>, %reduce_sum3A_27, %reduce_sum3A_28 [1, 2] : vector<1x64x88xf32> to vector<1xf32>
    %reduce_sum3A_30 = vector.shape_cast %reduce_sum3A_29 : vector<1xf32> to vector<1x1x1xf32>
    %reduce_sum3A_31 = vector.extract %reduce_sum3A_30[0, 0, 0] : f32 from vector<1x1x1xf32>
    %iota3A_32 = tpu.iota {dimensions = array<i32: 1>} : vector<1x128xi32>
    %eq3A_33 = arith.constant 0 : i32
    %eq3A_34 = vector.broadcast %eq3A_33 : i32 to vector<1x128xi32>
    %eq3A_35 = arith.cmpi eq, %iota3A_32, %eq3A_34 : vector<1x128xi32>
    %eq3A_36 = arith.constant 1 : i32
    %eq3A_37 = vector.broadcast %eq3A_36 : i32 to vector<1x128xi32>
    %eq3A_38 = arith.cmpi eq, %iota3A_32, %eq3A_37 : vector<1x128xi32>
    %jit3A_39 = arith.constant 0.000000e+00 : f32
    %broadcast_in_dim3A_40 = vector.broadcast %reduce_sum3A_31 : f32 to vector<1x128xf32>
    %broadcast_in_dim3A_41 = vector.broadcast %jit3A_39 : f32 to vector<1x128xf32>
    %select_n3A_42 = arith.select %eq3A_38, %broadcast_in_dim3A_40, %broadcast_in_dim3A_41 : vector<1x128xi1>, vector<1x128xf32>
    %broadcast_in_dim3A_43 = vector.broadcast %reduce_sum3A_26 : f32 to vector<1x128xf32>
    %select_n3A_44 = arith.select %eq3A_35, %broadcast_in_dim3A_43, %select_n3A_42 : vector<1x128xi1>, vector<1x128xf32>
    %swap3A = arith.index_cast %arg0 : i32 to index
    %swap3A_45 = arith.constant 0 : index
    %swap3A_46 = vector.load %arg4[%swap3A, %swap3A_45] : memref<4x128xf32, #tpu.memory_space<vmem>>, vector<1x128xf32>
    tpu.vector_store %arg4[%swap3A, %swap3A_45], %select_n3A_44 {strides = array<i32>} : memref<4x128xf32, #tpu.memory_space<vmem>>, vector<1x128xf32>,
    return
  }
  func.func @transform_0(%arg0: i32) -> (i32, i32) {
    %add3A = arith.constant 8 : i32
    %add3A_0 = arith.addi %add3A, %arg0 : i32
    %c0_i32 = arith.constant 0 : i32
    %c0_i32_1 = arith.constant 0 : i32
    return %add3A_0, %c0_i32 : i32, i32
  }
  func.func @transform_1(%arg0: i32) -> (i32, i32) {
    %add3A = arith.constant 8 : i32
    %add3A_0 = arith.addi %add3A, %arg0 : i32
    %c0_i32 = arith.constant 0 : i32
    %c0_i32_1 = arith.constant 0 : i32
    return %add3A_0, %c0_i32 : i32, i32
  }
  func.func @transform_2(%arg0: i32) -> (i32, i32) {
    %add3A = arith.constant 8 : i32
    %add3A_0 = arith.addi %add3A, %arg0 : i32
    %c0_i32 = arith.constant 0 : i32
    %c0_i32_1 = arith.constant 0 : i32
    return %add3A_0, %c0_i32 : i32, i32
  }
  func.func @transform_3(%arg0: i32) -> (i32, i32) {
    %c0_i32 = arith.constant 0 : i32
    %c0_i32_0 = arith.constant 0 : i32
    %c0_i32_1 = arith.constant 0 : i32
    return %c0_i32, %c0_i32_0 : i32, i32
  }
}

</mosaic_0001>

<sc_bundles>
// kernel: kernel.4.cloned.1.call-start
scs
__scs_entry_jumppad:
0x0: {  	(pc) =	sbr.rel $0x88, $3  }
0x1: {  	(tag) =	ssettag $0x0;
	lr =	simm.s32 $0x1  }
0x2: {  	[smem:$0x3F9E] =	sst lr;
	_ =	strace $0xD0000000  }
0x3: {  	_ = 	snop  }
0x4: {  	_ = 	snop  }
0x5: {  	_ = 	snop  }
0x6: {  	_ = 	snop  }
0x7: {  	_ = 	snop  }
__scs_overlays_trampoline_lowered:
0x8: {  	[smem:$0x3FAD] =	sst s0  }
0x9: {  	[smem:$0x3FAE] =	sst s1  }
0xa: {  	[smem:$0x3FAF] =	sst s2  }
0xb: {  	[smem:$0x3FB0] =	sst s3  }
0xc: {  	[smem:$0x3FB1] =	sst s4  }
0xd: {  	[smem:$0x3FB2] =	sst s5  }
0xe: {  	[smem:$0x3FB3] =	sst s6  }
0xf: {  	[smem:$0x3FB4] =	sst s7  }
0x10: {  	[smem:$0x3FB5] =	sst s8  }
0x11: {  	[smem:$0x3FB6] =	sst s9;
	s0 =	simm.s32 @!p0 $0x0  }
0x12: {  	s1 =	sld [smem:$0x3F9C];
	s0 =	simm.s32 @p0 $0x1  }
0x13: {  	[smem:$0x3FB7] =	sst s0;
	s0 =	simm.s32 @!p1 $0x0  }
0x14: {  	s2 =	sld [smem:$0x3F9B];
	s0 =	simm.s32 @p1 $0x1  }
0x15: {  	[smem:$0x3FB8] =	sst s0;
	s0 =	simm.s32 @!p2 $0x0  }
0x16: {  	s3 =	sld [smem:$0x3FDB];
	s0 =	simm.s32 @p2 $0x1  }
0x17: {  	s4 =	simm.s32 $0x1BF5;
	[smem:$0x3FBA] =	sst s0  }
0x18: {  	s0 =	sld [smem:$0x3F9D];
	_ =	swait.ge [sflag:s4], $0x0  }
0x19: {  	s7 =	sld [smem:$0x3F9E]  }
0x1a: {  	s8 =	sadd.s32 $0xFFFFE003, lr  }
0x1b: {  	s9 =	sadd.s32 $0xFFFFFEF7, lr;
	s5 =	simm.s32 $0xFFFFFFFF;
	p2 =	slt.u32 s8, $0xFFFFF086  }
0x1c: {  	p1 =	slt.u32 s9, $0xF7A;
	s5 =	simm.s32 @!p2 $0x0  }
0x1d: {  	s5 =	simm.s32 @p1 $0x1;
	p0 =	seq.s32 s7, s2  }
0x1e: {  	s7 =	smul.u32 @!p0 $0xF7A, s2;
	p2 =	seq.s32 @!p0 s5, $0x0  }
0x1f: {  	s9 =	smul.u32 $0xF7A, s1;
	s8 =	simm.s32 @!p0 $0x1BF5;
	p2 =	por !p2, p0  }
0x20: {  	[sflag:s8] =	ssyncset.s32 @!p0 $0xFFFFF086;
	s6 =	sadd.s32 @!p0 s3, s7;
	s7 =	simm.s32 @!p0 $0x108  }
0x21: {  	s3 =	sadd.s32 s3, s9;
	s6 =	sadd.s32 @!p0 $0x88, s6;
	s7 =	simm.s32 @p2 $0x1082  }
0x22: {  	[simem:s7], [sflag:s8] =	dma.local @!p0 [hbm:s6], $0xF7A  }
0x23: {  	s9 =	sor.u32 $0xD0000000, s2;
	s6 =	simm.s32 $0x108;
	_ =	swait.ge @!p0 [sflag:s8], $0x0  }
0x24: {  	s3 =	sadd.s32 $0x88, s3;
	s6 =	simm.s32 @!p1 $0x1082;
	[sflag:s4] =	ssyncset.s32 $0xFFFFF086  }
0x25: {  	[simem:s6], [sflag:s4] =	dma.local [hbm:s3], $0xF7A  }
0x26: {  	[smem:$0x3F9E] =	sst s1;
	(tag) =	ssettag s2;
	_ =	strace s9  }
0x27: {  	s1 =	sld [smem:$0x3FAE]  }
0x28: {  	s2 =	sld [smem:$0x3FAF]  }
0x29: {  	s4 =	sld [smem:$0x3FB1]  }
0x2a: {  	p0 =	seq.s32 s5, $0x0;
	s5 =	sld [smem:$0x3FB2]  }
0x2b: {  	s6 =	sld [smem:$0x3FB3]  }
0x2c: {  	s7 =	sld [smem:$0x3FB4]  }
0x2d: {  	s3 =	simm.s32 $0x108;
	s8 =	sld [smem:$0x3FB5]  }
0x2e: {  	s3 =	simm.s32 @!p0 $0x1082;
	s9 =	sld [smem:$0x3FB6]  }
0x2f: {  	lr =	sadd.s32 s0, s3;
	s0 =	sld [smem:$0x3FAD]  }
0x30: {  	s3 =	sld [smem:$0x3FB0]  }
0x31: {  	[smem:$0x3FB9] =	sst s10  }
0x32: {  	s10 =	sld [smem:$0x3FB7];
	_ =	sdelay $0x3  }
0x33: {  	p0 =	seq.s32 s10, $0x1;
	s10 =	sld [smem:$0x3FB9];
	_ =	sdelay $0x3  }
0x34: {  	[smem:$0x3FB9] =	sst s10  }
0x35: {  	s10 =	sld [smem:$0x3FB8];
	_ =	sdelay $0x3  }
0x36: {  	p1 =	seq.s32 s10, $0x1;
	s10 =	sld [smem:$0x3FB9];
	_ =	sdelay $0x3  }
0x37: {  	[smem:$0x3FB9] =	sst s10  }
0x38: {  	s10 =	sld [smem:$0x3FBA]  }
0x39: {  	_ = 	snop;
	(pc) =	sbr.ind lr, $3  }
0x3a: {  	_ = 	snop  }
0x3b: {  	_ = 	snop  }
0x3c: {  	p2 =	seq.s32 s10, $0x1;
	s10 =	sld [smem:$0x3FB9]  }
0x3d: {  	_ =	shalt  }
0x3e: {  	_ =	shalt  }
0x3f: {  	_ =	shalt  }
0x40: {  	_ =	shalt  }
0x41: {  	_ =	shalt  }
0x42: {  	_ =	shalt  }
0x43: {  	_ =	shalt  }
0x44: {  	_ =	shalt  }
0x45: {  	_ =	shalt  }
0x46: {  	_ =	shalt  }
0x47: {  	_ =	shalt  }
0x48: {  	_ =	shalt  }
0x49: {  	_ =	shalt  }
0x4a: {  	_ =	shalt  }
0x4b: {  	_ =	shalt  }
0x4c: {  	_ =	shalt  }
0x4d: {  	_ =	shalt  }
0x4e: {  	_ =	shalt  }
0x4f: {  	_ =	shalt  }
0x50: {  	_ =	shalt  }
0x51: {  	_ =	shalt  }
0x52: {  	_ =	shalt  }
0x53: {  	_ =	shalt  }
0x54: {  	_ =	shalt  }
0x55: {  	_ =	shalt  }
0x56: {  	_ =	shalt  }
0x57: {  	_ =	shalt  }
0x58: {  	_ =	shalt  }
0x59: {  	_ =	shalt  }
0x5a: {  	_ =	shalt  }
0x5b: {  	_ =	shalt  }
0x5c: {  	_ =	shalt  }
0x5d: {  	_ =	shalt  }
0x5e: {  	_ =	shalt  }
0x5f: {  	_ =	shalt  }
0x60: {  	_ =	shalt  }
0x61: {  	_ =	shalt  }
0x62: {  	_ =	shalt  }
0x63: {  	_ =	shalt  }
0x64: {  	_ =	shalt  }
0x65: {  	_ =	shalt  }
0x66: {  	_ =	shalt  }
0x67: {  	_ =	shalt  }
0x68: {  	_ =	shalt  }
0x69: {  	_ =	shalt  }
0x6a: {  	_ =	shalt  }
0x6b: {  	_ =	shalt  }
0x6c: {  	_ =	shalt  }
0x6d: {  	_ =	shalt  }
0x6e: {  	_ =	shalt  }
0x6f: {  	_ =	shalt  }
0x70: {  	_ =	shalt  }
0x71: {  	_ =	shalt  }
0x72: {  	_ =	shalt  }
0x73: {  	_ =	shalt  }
0x74: {  	_ =	shalt  }
0x75: {  	_ =	shalt  }
0x76: {  	_ =	shalt  }
0x77: {  	_ =	shalt  }
0x78: {  	_ =	shalt  }
0x79: {  	_ =	shalt  }
0x7a: {  	_ =	shalt  }
0x7b: {  	_ =	shalt  }
0x7c: {  	_ =	shalt  }
0x7d: {  	_ =	shalt  }
0x7e: {  	_ =	shalt  }
0x7f: {  	_ =	shalt  }
0x80: {  	_ =	shalt  }
0x81: {  	_ =	shalt  }
0x82: {  	_ =	shalt  }
0x83: {  	_ =	shalt  }
0x84: {  	_ =	shalt  }
0x85: {  	_ =	shalt  }
0x86: {  	_ =	shalt  }
0x87: {  	_ =	shalt  }
.Lfunc_end0:
.L_simem_size_0:
called_computation_lowered:
.L_overlay_start_0:
0x88: {  	s2 =	sld [smem:$0x3FD9]  }
0x89: {  	s3 =	sld [smem:$0x3FFE];
	_ =	sdelay $0x1  }
0x8a: {  	s1 =	srdreg.scid  }
0x8b: {  	s0 =	sand.u32 $0x1, s1  }
0x8c: {  	s17 =	sshll.u32 s0, $0xA;
	s2 =	sadd.s32 s3, s2  }
0x8d: {  	s2 =	sadd.s32 s2, s17  }
0x8e: {  	[smem:$0x3FC5] =	sst s2  }
0x8f: {  	_ = 	snop  }
0x90: {  	s2 =	sld [smem:$0x3FC9]  }
0x91: {  	s18 =	sld [smem:$0x3FC8]  }
0x92: {  	s4 =	sld [smem:$0x3FC7];
	(tm) =	ssettm $0x1  }
0x93: {  	s5 =	sld [smem:$0x3FFB];
	_ =	sdelay $0x3  }
0x94: {  	_ =	strace s5  }
0x95: {  	s5 =	sld [smem:$0x3FFC];
	_ =	sdelay $0x3  }
0x96: {  	_ =	strace s5  }
0x97: {  	s5 =	sld [smem:$0x3FFD];
	_ =	sdelay $0x3  }
0x98: {  	_ =	strace s5  }
0x99: {  	_ =	strace $0x8FFFFFFF  }
0x9a: {  	s19 =	sld [smem:$0x3FDB];
	_ =	sdelay $0x1  }
0x9b: {  	s6 =	simm.s32 $_scs_section_size  }
0x9c: {  	s7 =	simm.s32 $_size__tile_overlayer_lowered;
	s8 =	simm.s32 $_tile_overlayer_lowered  }
0x9d: {  	s22 =	simm.s32 $0x1BFF;
	s21 =	sshll.u32 s8, $0x1;
	s5 =	sadd.s32 s6, s19  }
0x9e: {  	s9 =	simm.s32 $0x0;
	s20 =	sshll.u32 s7, $0x1;
	s7 =	sadd.s32 s21, s5  }
0x9f: {  	[timem:s9], [sflag:s22] =	dma.local [hbm:s7], s20  }
0xa0: {  	_ =	swait.ge [sflag:s22], s20  }
0xa1: {  	s6 =	ssub.s32 $0x0, s20;
	[sflag:s22] =	ssyncset.done $0x0  }
0xa2: {  	[sflag:s22] =	ssyncadd.s32 s6;
	_ =	sdelay $0x1  }
0xa3: {  	s23 =	simm.s32 $0x1B8B  }
0xa4: {  	_ =	swait.ge [sflag:s23], $0x1  }
0xa5: {  	[sflag:s23] =	ssyncset.done $0x0  }
0xa6: {  	s25 =	simm.s32 $0x1B8E;
	s24 =	sld [smem:$0x3FFE];
	[sflag:s23] =	ssyncadd.s32 $0xFFFFFFFF  }
0xa7: {  	s26 =	simm.s32 $execute0_lowered;
	[smem:$0x3FD2] =	sst s25  }
0xa8: {  	s7 =	sshll.u32 s26, $0x1;
	_ =	strace $0x80000046;
	[dreg:$0x1] =	wrdreg $0xFFFFFFFF  }
0xa9: {  	s28 =	simm.s32 $_size_execute0_lowered;
	s5 =	sadd.s32 s5, s7;
	[dreg:$0x0] =	wrdreg $0x0  }
0xaa: {  	s7 =	sshll.u32 s28, $0x1;
	[dreg:$0x2] =	wrdreg s5  }
0xab: {  	[dreg:$0x3] =	wrdreg s7  }
0xac: {  	[dreg:$0x4] =	wrdreg $0xC0  }
0xad: {  	_ =	task [dreg:s9], $0x5FFFF  }
0xae: {  	[dreg:$0x1] =	wrdreg $0xFFFFFFFF  }
0xaf: {  	[dreg:$0x0] =	wrdreg $0x60  }
0xb0: {  	[dreg:$0x2] =	wrdreg s2  }
0xb1: {  	[dreg:$0x3] =	wrdreg s18  }
0xb2: {  	[dreg:$0x4] =	wrdreg s4  }
0xb3: {  	[dreg:$0x5] =	wrdreg s24  }
0xb4: {  	[dreg:$0x6] =	wrdreg $0x9  }
0xb5: {  	_ =	task.clear_ibuf [dreg:s9], $0x7FFFF;
	_ =	strace $0x90000046  }
0xb6: {  	s29 =	simm.s32 $0x9;
	_ =	strace $0x80000048  }
0xb7: {  	_ =	swait.ge [sflag:s29], $0x1  }
0xb8: {  	[sflag:s29] =	ssyncadd.s32 $0xFFFFFFFF  }
0xb9: {  	_ =	strace $0x90000048  }
0xba: {  	_ =	sfence  }
0xbb: {  	s30 =	sld [smem:$0x0];
	_ =	sdelay $0x2  }
0xbc: {  	s31 =	sshll.u32 s1, $0xD;
	s1 =	sshrl.u32 s1, $0x2  }
0xbd: {  	s3 =	sand.u32 $0x4000, s31;
	s1 =	sadd.s32 s1, s30  }
0xbe: {  	s0 =	sor.u32 s3, s0;
	s1 =	sshll.u32 s1, $0x11  }
0xbf: {  	s0 =	sor.u32 s1, s0  }
0xc0: {  	s0 =	sadd.s32 $0x8F2B, s0  }
0xc1: {  	[sflag:s0] =	ssyncadd.remote.s32 $0x1  }
0xc2: {  	_ =	sfence.sel $0xFFFF  }
0xc3: {  	[dreg:$0x0] =	wrdreg $0xFFFFFFFF;
	(pc) =	sbr.abs _section_cstart, $3  }
0xc4: {  	[dreg:$0x1] =	wrdreg $0xFFFFFFFF  }
0xc5: {  	_ =	task.clear_ibuf [dreg:s9], $0x2FFFF;
	_ =	strace $0x9FFFFFFF  }
0xc6: {  	(tm) =	ssettm $0x7FFFFFFF  }
0xc7: {  	_ =	shalt  }
tec
execute0_lowered:
.L_overlay_start_1:
0x0: {  	(tag) =	ssettag $0x1  }
0x1: {  	s5 =	rddreg [dreg:$0x0]  }
0x2: {  	s3 =	rddreg [dreg:$0x1]  }
0x3: {  	s4 =	rddreg [dreg:$0x2]  }
0x4: {  	s12 =	rddreg [dreg:$0x3]  }
0x5: {  	s2 =	srdreg.scid;
	s1 =	stileid.u32;
	s16 =	simm.s32 $0x5  }
0x6: {  	s17 =	simm.s32 $0x800;
	s18 =	simm.s32 $0x1000;
	s19 =	simm.s32 $0x6800  }
0x7: {  	s20 =	simm.s32 $0xC000;
	s21 =	simm.s32 $0x11800;
	s22 =	simm.s32 $0x1  }
0x8: {  	s23 =	simm.s32 $0x2;
	s24 =	simm.s32 $0x3;
	s25 =	simm.s32 $0x4  }
0x9: {  	s26 =	simm.s32 $0x17000;
	s28 =	simm.s32 $0x0;
	s6 =	sand.u32 $0x1, s2  }
0xa: {  	s7 =	sshll.u32 s1, $0x1;
	s2 =	simm.s32 $0x0;
	s8 =	ssub.s32 $0x2, s6  }
0xb: {  	s10 =	sor.u32 s6, s7;
	[smem:$0x7FF] =	sst s2;
	s29 =	sshrl.u32 s8, $0x1  }
0xc: {  	s7 =	smul.u32 $0x2C000, s10;
	_ =	strace $0x80000047;
	s30 =	sshll.u32 s10, $0x8  }
0xd: {  	s31 =	smul.u32 $0x5800, s10;
	s13 =	sshll.u32 s10, $0x4;
	s15 =	ssub.s32 s8, s29  }
0xe: {  	s3 =	sadd.s32 s3, s30;
	s12 =	sadd.s32 s12, s13;
	s7 =	sshrl.u32 s7, $0x3  }
0xf: {  	s4 =	sadd.s32 s4, s30;
	s14 =	sadd.s32 $0x200, s12;
	s9 =	sadd.s32 s5, s7  }
0x10: {  	s15 =	smax.u32 s15, $0x1;
	s5 =	sadd.s32 s5, s31;
	s6 =	sadd.s32 $0xB00, s9  }
0x11: {  	v0 =	vlaneseq.u32;
	s7 =	sadd.s32 $0x1600, s9;
	s8 =	sadd.s32 $0x2100, s9;
	s9 =	sadd.s32 $0x2C00, s5  }
0x12: {  	v1 =	vimm.f32 $0.0e+00;
	vm0 =	vmmov $0xff;
	v0 =	vmul.u32 $0x80, v0;
	s10 =	sadd.s32 $0x3700, s5;
	s11 =	sadd.s32 $0x4200, s5;
	s13 =	sadd.s32 $0x4D00, s5  }
.LBB2_1:
0x13: {  	[tilespmem:s2], [sflag:$0x5] =	stream.linear.gather [hbm4b:s3+s2], $0x800, $0x38;
	[tilespmem:$0x17080] =	vst v63  }
0x14: {  	_ =	swait.ge [sflag:s16], $0x800  }
0x15: {  	[sflag:s16] =	ssyncset.done $0x0  }
0x16: {  	[sflag:s16] =	ssyncadd.s32 $0xFFFFF800  }
0x17: {  	[tilespmem:s17], [sflag:$0x5] =	stream.linear.gather [hbm4b:s4+s2], $0x800, $0x38;
	[tilespmem:$0x17080] =	vst v63  }
0x18: {  	_ =	swait.ge [sflag:s16], $0x800  }
0x19: {  	[sflag:s16] =	ssyncset.done $0x0  }
0x1a: {  	[sflag:s16] =	ssyncadd.s32 $0xFFFFF800  }
0x1b: {  	[tilespmem:s18], [sflag:$0x1] =	stream.linear.gather [hbm4b:s5+s2], $0x5800, $0x38;
	[tilespmem:$0x17080] =	vst v63  }
0x1c: {  	_ = 	snop  }
0x1d: {  	[tilespmem:s19], [sflag:$0x2] =	stream.linear.gather [hbm4b:s6+s2], $0x5800, $0x38;
	[tilespmem:$0x17080] =	vst v63  }
0x1e: {  	p1 =	por $0x1, $0x1;
	s30 =	smov.u32 s8;
	s29 =	simm.s32 $0x0  }
0x1f: {  	v2 =	vimm.f32 $0.0e+00;
	v3 =	vimm.f32 $0.0e+00;
	[tilespmem:s20], [sflag:$0x3] =	stream.linear.gather [hbm4b:s7+s2], $0x5800, $0x38;
	[tilespmem:$0x17080] =	vst v63  }
.LBB2_2:
0x20: {  	s31 =	simm.s32 $0x0  }
0x21: {  	[tilespmem:s21], [sflag:$0x4] =	stream.linear.gather [hbm4b:s30+s31], $0x5800, $0x38;
	[tilespmem:$0x17080] =	vst v63  }
0x22: {  	_ =	swait.ge [sflag:s22], $0x5800  }
0x23: {  	[sflag:s22] =	ssyncset.done $0x0  }
0x24: {  	p0 =	por p1, p1;
	p1 =	por $0x1, $0x1;
	[sflag:s22] =	ssyncadd.s32 $0xFFFFA800  }
.LBB2_3:
0x25: {  	s30 =	sshll.u32 s31, $0x7  }
0x26: {  	s30 =	sor.u32 s29, s30  }
0x27: {  	v4 =	vld [tilespmem:s30+$0x0];
	_ =	sdelay $0x4  }
0x28: {  	s31 =	smul.u32 $0x58, s31;
	v4 =	vshll.u32 v4, $0x1  }
0x29: {  	v4 =	vadd.s32 $0xFFFFFFFE, v4  }
0x2a: {  	v5 =	vmov s31;
	vm1 =	vgt.s32 v4, $0x0  }
0x2b: {  	v5 =	vshll.u32 v5, $0x7;
	v4 =	vnsel vm1, $0x0, v4  }
0x2c: {  	v5 =	vadd.s32 v0, v5;
	v4 =	vmin.u32 v4, $0x6F  }
0x2d: {  	v4 =	vor.u32 v5, v4;
	_ =	sdelay $0x4  }
0x2e: {  	v4 =	vld.idx.msk [tilespmem:v4+s18+$0x0], $0xffff;
	_ =	sdelay $0x4  }
0x2f: {  	v4 =	vadd.f32 $9.999999930e-09, v4  }
0x30: {  	s0 =	sor.u32 $0x10, s30  }
0x31: {  	v6 =	vld [tilespmem:s0+$0x0];
	v5 =	vand.u32 $0x7FFFFF, v4  }
0x32: {  	v5 =	vor.u32 $0x3F800000, v5  }
0x33: {  	v7 =	vmul.f32 $5.000000000e-01, v5  }
0x34: {  	vm1 =	vgt.f32 v5, $1.414213540e+00  }
0x35: {  	v5 =	vsel vm1, v7, v5  }
0x36: {  	v6 =	vshll.u32 v6, $0x1;
	v7 =	vadd.f32 $1.000000000e+00, v5  }
0x37: {  	s0 =	sadd.s32 $0x10, s31;
	v6 =	vadd.s32 $0xFFFFFFFE, v6  }
0x38: {  	v57 =	vmov s0;
	vm2 =	vgt.s32 v6, $0x0;
	(erf) = vrcp.f32 v7  }
0x39: {  	s0 =	sor.u32 $0x20, s30;
	v6 =	vnsel vm2, $0x0, v6;
	v7 =	vshll.u32 v57, $0x7  }
0x3a: {  	v58 =	vld [tilespmem:s0+$0x0];
	s0 =	sadd.s32 $0x20, s31;
	v6 =	vmin.u32 v6, $0x6F;
	v7 =	vadd.s32 v0, v7  }
0x3b: {  	v59 =	vmov s0;
	s0 =	sor.u32 $0x30, s30;
	v6 =	vor.u32 v7, v6  }
0x3c: {  	v10 =	vld [tilespmem:s0+$0x0];
	s0 =	sor.u32 $0x40, s30  }
0x3d: {  	v12 =	vld [tilespmem:s0+$0x0];
	s0 =	sadd.s32 $0x30, s31  }
0x3e: {  	v14 =	vmov s0;
	s0 =	sor.u32 $0x48, s30  }
0x3f: {  	v63 =	vld [tilespmem:s0+$0x0];
	v7 =	vshll.u32 v58, $0x1  }
0x40: {  	s0 =	sadd.s32 $0x40, s31;
	v5 =	vadd.f32 $-1.000000000e+00, v5;
	v7 =	vadd.s32 $0xFFFFFFFE, v7;
	v6 =	vld.idx.msk [tilespmem:v6+s18+$0x0], $0xffff  }
0x41: {  	v62 =	vshll.u32 v14, $0x7;
	v18 =	vmov s0;
	vm2 =	vgt.s32 v7, $0x0;
	v8 =	vpop (erf)  }
0x42: {  	v7 =	vnsel vm2, $0x0, v7;
	v5 =	vmul.f32 v8, v5;
	v8 =	vshll.u32 v59, $0x7  }
0x43: {  	s0 =	sadd.s32 $0x48, s31;
	v10 =	vshll.u32 v10, $0x1;
	v7 =	vmin.u32 v7, $0x6F;
	v8 =	vadd.s32 v0, v8  }
0x44: {  	v19 =	vmov s0;
	v9 =	vmul.f32 v5, v5;
	v7 =	vor.u32 v8, v7  }
0x45: {  	v10 =	vadd.s32 $0xFFFFFFFE, v10;
	v12 =	vshll.u32 v12, $0x1;
	v6 =	vadd.f32 $9.999999930e-09, v6  }
0x46: {  	vm3 =	vgt.s32 v10, $0x0;
	v12 =	vadd.s32 $0xFFFFFFFE, v12;
	v11 =	vmul.f32 $2.222222240e-01, v9  }
0x47: {  	v10 =	vnsel vm3, $0x0, v10;
	vm3 =	vgt.s32 v12, $0x0;
	v61 =	vand.u32 $0x7FFFFF, v6  }
0x48: {  	v14 =	vshll.u32 v63, $0x1;
	v60 =	vadd.f32 $2.857142980e-01, v11;
	v11 =	vor.u32 $0x3F800000, v61  }
0x49: {  	v10 =	vmin.u32 v10, $0x6F;
	v12 =	vnsel vm3, $0x0, v12;
	v13 =	vmul.f32 $5.000000000e-01, v11;
	v7 =	vld.idx.msk [tilespmem:v7+s18+$0x0], $0xffff  }
0x4a: {  	v14 =	vadd.s32 $0xFFFFFFFE, v14;
	v12 =	vmin.u32 v12, $0x6F;
	vm2 =	vgt.f32 v11, $1.414213540e+00  }
0x4b: {  	vm3 =	vgt.s32 v14, $0x0;
	v11 =	vsel vm2, v13, v11;
	v13 =	vadd.s32 v0, v62  }
0x4c: {  	v14 =	vnsel vm3, $0x0, v14;
	v15 =	vadd.f32 $1.000000000e+00, v11;
	v10 =	vor.u32 v13, v10  }
0x4d: {  	v14 =	vmin.u32 v14, $0x6F;
	v4 =	vshra.s32 v4, $0x17;
	v13 =	vshll.u32 v18, $0x7  }
0x4e: {  	v13 =	vadd.s32 v0, v13;
	(erf) = vrcp.f32 v15;
	v7 =	vadd.f32 $9.999999930e-09, v7  }
0x4f: {  	v8 =	vmul.f32 v60, v9;
	v12 =	vor.u32 v13, v12;
	v13 =	vshll.u32 v19, $0x7  }
0x50: {  	v4 =	vadd.s32 $0xFFFFFF81, v4;
	v13 =	vadd.s32 v0, v13;
	v20 =	vand.u32 $0x7FFFFF, v7  }
0x51: {  	v8 =	vadd.f32 $4.000000060e-01, v8;
	v13 =	vor.u32 v13, v14;
	v10 =	vld.idx.msk [tilespmem:v10+s18+$0x0], $0xffff;
	v15 =	vor.u32 $0x3F800000, v20  }
0x52: {  	v4 =	vcvt.s32.f32 v4;
	v16 =	vmul.f32 $5.000000000e-01, v15  }
0x53: {  	v17 =	vsel vm1, $0x3F800000, v1;
	v8 =	vmul.f32 v8, v9;
	vm5 =	vgt.f32 v15, $1.414213540e+00  }
0x54: {  	v4 =	vadd.f32 v4, v17;
	v21 =	vsel vm5, v16, v15  }
0x55: {  	v8 =	vadd.f32 $6.666666860e-01, v8;
	v12 =	vld.idx.msk [tilespmem:v12+s18+$0x0], $0xffff;
	v16 =	vadd.f32 $1.000000000e+00, v21  }
0x56: {  	v11 =	vadd.f32 $-1.000000000e+00, v11;
	v13 =	vld.idx.msk [tilespmem:v13+s18+$0x0], $0xffff;
	v10 =	vadd.f32 $9.999999930e-09, v10  }
0x57: {  	v8 =	vmul.f32 v8, v9;
	v22 =	vpop (erf);
	(erf) = vrcp.f32 v16  }
0x58: {  	v4 =	vmul.f32 $6.931471820e-01, v4;
	v11 =	vmul.f32 v22, v11;
	v23 =	vand.u32 $0x7FFFFF, v10  }
0x59: {  	v8 =	vadd.f32 $2.000000000e+00, v8;
	v14 =	vadd.f32 $-1.000000000e+00, v21;
	v24 =	vor.u32 $0x3F800000, v23  }
0x5a: {  	v12 =	vadd.f32 $9.999999930e-09, v12;
	v25 =	vmul.f32 v11, v11;
	v26 =	vmul.f32 $5.000000000e-01, v24  }
0x5b: {  	v5 =	vmul.f32 v8, v5;
	vm3 =	vgt.f32 v24, $1.414213540e+00;
	v13 =	vadd.f32 $9.999999930e-09, v13  }
0x5c: {  	v28 =	vand.u32 $0x7FFFFF, v12;
	v18 =	vmul.f32 $2.222222240e-01, v25;
	v9 =	vsel vm3, v26, v24  }
0x5d: {  	v16 =	vor.u32 $0x3F800000, v28;
	v31 =	vand.u32 $0x7FFFFF, v13;
	v27 =	vadd.f32 $1.000000000e+00, v9  }
0x5e: {  	v29 =	vmul.f32 $5.000000000e-01, v16;
	v32 =	vor.u32 $0x3F800000, v31;
	v18 =	vadd.f32 $2.857142980e-01, v18  }
0x5f: {  	vm4 =	vgt.f32 v16, $1.414213540e+00;
	v20 =	vmul.f32 $5.000000000e-01, v32;
	(erf) = vrcp.f32 v27  }
0x60: {  	v21 =	vld [tilespmem:s30+$0x800];
	v8 =	vsel vm4, v29, v16;
	vm1 =	vgt.f32 v32, $1.414213540e+00;
	v30 =	vmul.f32 v18, v25;
	v33 =	vpop (erf)  }
0x61: {  	v19 =	vadd.f32 $1.000000000e+00, v8;
	v16 =	vsel vm1, v20, v32;
	v14 =	vmul.f32 v33, v14  }
0x62: {  	v34 =	vadd.f32 $1.000000000e+00, v16;
	v17 =	vadd.f32 $4.000000060e-01, v30  }
0x63: {  	v4 =	vadd.f32 v5, v4;
	(erf) = vrcp.f32 v19;
	v18 =	vmul.f32 v14, v14  }
0x64: {  	(erf) = vrcp.f32 v34;
	v17 =	vmul.f32 v17, v25  }
0x65: {  	v6 =	vshra.s32 v6, $0x17;
	v4 =	vmul.f32 v4, v21  }
0x66: {  	v6 =	vadd.s32 $0xFFFFFF81, v6;
	v35 =	vmul.f32 $2.222222240e-01, v18;
	v5 =	vadd.f32 $6.666666860e-01, v17  }
0x67: {  	v3 =	vadd.f32 v4, v3;
	v4 =	vcvt.s32.f32 v6;
	v9 =	vadd.f32 $-1.000000000e+00, v9  }
0x68: {  	v38 =	vsel vm2, $0x3F800000, v1;
	v37 =	vadd.f32 $2.857142980e-01, v35;
	v36 =	vpop (erf);
	v5 =	vmul.f32 v5, v25  }
0x69: {  	v4 =	vadd.f32 v4, v38;
	v9 =	vmul.f32 v36, v9  }
0x6a: {  	v39 =	vmul.f32 v37, v18;
	v5 =	vadd.f32 $2.000000000e+00, v5  }
0x6b: {  	v43 =	vld [tilespmem:s30+$0x810];
	v8 =	vadd.f32 $-1.000000000e+00, v8;
	v4 =	vmul.f32 $6.931471820e-01, v4;
	v40 =	vmul.f32 v9, v9  }
0x6c: {  	v16 =	vadd.f32 $-1.000000000e+00, v16;
	v42 =	vpop (erf);
	v6 =	vadd.f32 $4.000000060e-01, v39;
	v5 =	vmul.f32 v5, v11  }
0x6d: {  	v41 =	vsel vm5, $0x3F800000, v1;
	v8 =	vmul.f32 v42, v8;
	v46 =	vpop (erf);
	v44 =	vmul.f32 $2.222222240e-01, v40  }
0x6e: {  	v6 =	vmul.f32 v6, v18;
	v16 =	vmul.f32 v46, v16;
	v4 =	vadd.f32 v5, v4  }
0x6f: {  	v45 =	vmul.f32 v8, v8;
	v5 =	vshra.s32 v7, $0x17;
	v11 =	vadd.f32 $2.857142980e-01, v44  }
0x70: {  	v6 =	vadd.f32 $6.666666860e-01, v6;
	v48 =	vmul.f32 v16, v16;
	v4 =	vmul.f32 v4, v43  }
0x71: {  	v5 =	vadd.s32 $0xFFFFFF81, v5;
	v47 =	vmul.f32 $2.222222240e-01, v45;
	v11 =	vmul.f32 v11, v40  }
0x72: {  	v6 =	vmul.f32 v6, v18;
	v49 =	vmul.f32 $2.222222240e-01, v48;
	v3 =	vadd.f32 v4, v3  }
0x73: {  	v4 =	vcvt.s32.f32 v5;
	v5 =	vadd.f32 $2.857142980e-01, v47;
	v11 =	vadd.f32 $4.000000060e-01, v11  }
0x74: {  	v10 =	vshra.s32 v10, $0x17;
	v6 =	vadd.f32 $2.000000000e+00, v6;
	v50 =	vadd.f32 $2.857142980e-01, v49  }
0x75: {  	v2 =	vadd.f32 v21, v2;
	v5 =	vmul.f32 v5, v45;
	v11 =	vmul.f32 v11, v40  }
0x76: {  	v4 =	vadd.f32 v4, v41;
	v6 =	vmul.f32 v6, v14;
	v14 =	vmul.f32 v50, v48  }
0x77: {  	v10 =	vadd.s32 $0xFFFFFF81, v10;
	v5 =	vadd.f32 $4.000000060e-01, v5;
	v11 =	vadd.f32 $6.666666860e-01, v11  }
0x78: {  	v51 =	vcvt.s32.f32 v10;
	v4 =	vmul.f32 $6.931471820e-01, v4;
	v14 =	vadd.f32 $4.000000060e-01, v14  }
0x79: {  	v55 =	vshra.s32 v12, $0x17;
	v5 =	vmul.f32 v5, v45;
	v11 =	vmul.f32 v11, v40  }
0x7a: {  	v2 =	vadd.f32 v43, v2;
	v4 =	vadd.f32 v6, v4;
	v56 =	vmul.f32 v14, v48  }
0x7b: {  	v52 =	vsel vm3, $0x3F800000, v1;
	v5 =	vadd.f32 $6.666666860e-01, v5;
	v11 =	vadd.f32 $2.000000000e+00, v11  }
0x7c: {  	v54 =	vld [tilespmem:s30+$0x820];
	v13 =	vshra.s32 v13, $0x17;
	v6 =	vadd.f32 v51, v52;
	v12 =	vadd.f32 $6.666666860e-01, v56  }
0x7d: {  	v5 =	vmul.f32 v5, v45;
	v9 =	vmul.f32 v11, v9;
	v11 =	vadd.s32 $0xFFFFFF81, v55  }
0x7e: {  	v57 =	vld [tilespmem:s30+$0x830];
	v53 =	vsel vm4, $0x3F800000, v1;
	v6 =	vmul.f32 $6.931471820e-01, v6;
	v11 =	vcvt.s32.f32 v11  }
0x7f: {  	v58 =	vadd.s32 $0xFFFFFF81, v13;
	v12 =	vmul.f32 v12, v48;
	v5 =	vadd.f32 $2.000000000e+00, v5  }
0x80: {  	v6 =	vadd.f32 v9, v6;
	v9 =	vcvt.s32.f32 v58;
	v11 =	vadd.f32 v11, v53  }
0x81: {  	v59 =	vld [tilespmem:s30+$0x840];
	v60 =	vsel vm1, $0x3F800000, v1;
	v4 =	vmul.f32 v4, v54;
	v12 =	vadd.f32 $2.000000000e+00, v12  }
0x82: {  	v61 =	vld [tilespmem:s30+$0x848];
	v5 =	vmul.f32 v5, v8;
	v9 =	vadd.f32 v9, v60;
	v11 =	vmul.f32 $6.931471820e-01, v11  }
0x83: {  	v2 =	vadd.f32 v54, v2;
	v3 =	vadd.f32 v4, v3;
	v4 =	vmul.f32 v6, v57  }
0x84: {  	v62 =	vmul.f32 v12, v16;
	v9 =	vmul.f32 $6.931471820e-01, v9;
	v5 =	vadd.f32 v5, v11  }
0x85: {  	p2 =	por p1, p1;
	v2 =	vadd.f32 v57, v2  }
.Ltmp0:
0x86: {  	v3 =	vadd.f32 v4, v3;
	v4 =	vmul.f32 v5, v59;
	v5 =	vadd.f32 v62, v9;
	(pc) =	sbr.rel @p2 .LBB2_3-.Ltmp0, $3  }
0x87: {  	v63 =	vsel vm0, $0x0, v61  }
0x88: {  	v2 =	vadd.f32 v59, v2;
	v3 =	vadd.f32 v4, v3;
	v4 =	vmul.f32 v5, v63;
	_ =	sdelay $0x1  }
0x89: {  	p1 =	por $0x0, $0x0;
	s31 =	simm.s32 $0x1;
	v2 =	vadd.f32 v63, v2;
	v3 =	vadd.f32 v4, v3  }
0x8a: {  	s0 =	simm.s32 @p0 $0x0;
	s30 =	simm.s32 @p0 $0x1000  }
0x8b: {  	[tilespmem:s30], [sflag:$0x1] =	stream.linear.gather @p0 [hbm4b:s9+s0], $0x5800, $0x38;
	[tilespmem:$0x17080] =	vst v63  }
0x8c: {  	_ =	swait.ge [sflag:s23], $0x5800  }
0x8d: {  	[sflag:s23] =	ssyncset.done $0x0  }
0x8e: {  	s31 =	simm.s32 $0x0;
	p1 =	por $0x1, $0x1;
	[sflag:s23] =	ssyncadd.s32 $0xFFFFA800  }
.LBB2_5:
0x8f: {  	s0 =	sshll.u32 s31, $0x7  }
0x90: {  	s30 =	sor.u32 s29, s0  }
0x91: {  	s0 =	sor.u32 $0x100, s30  }
0x92: {  	v4 =	vld [tilespmem:s0+$0x0];
	_ =	sdelay $0x4  }
0x93: {  	s31 =	smul.u32 $0x58, s31;
	v4 =	vshll.u32 v4, $0x1  }
0x94: {  	v4 =	vadd.s32 $0xFFFFFFFE, v4  }
0x95: {  	v5 =	vmov s31;
	vm1 =	vgt.s32 v4, $0x0  }
0x96: {  	v5 =	vshll.u32 v5, $0x7;
	v4 =	vnsel vm1, $0x0, v4  }
0x97: {  	v5 =	vadd.s32 v0, v5;
	v4 =	vmin.u32 v4, $0x6F  }
0x98: {  	v4 =	vor.u32 v5, v4;
	_ =	sdelay $0x4  }
0x99: {  	v4 =	vld.idx.msk [tilespmem:v4+s19+$0x0], $0xffff;
	_ =	sdelay $0x4  }
0x9a: {  	v4 =	vadd.f32 $9.999999930e-09, v4  }
0x9b: {  	s0 =	sor.u32 $0x110, s30  }
0x9c: {  	v6 =	vld [tilespmem:s0+$0x0];
	v5 =	vand.u32 $0x7FFFFF, v4  }
0x9d: {  	v5 =	vor.u32 $0x3F800000, v5  }
0x9e: {  	v7 =	vmul.f32 $5.000000000e-01, v5  }
0x9f: {  	vm1 =	vgt.f32 v5, $1.414213540e+00  }
0xa0: {  	v5 =	vsel vm1, v7, v5  }
0xa1: {  	v6 =	vshll.u32 v6, $0x1;
	v7 =	vadd.f32 $1.000000000e+00, v5  }
0xa2: {  	s0 =	sadd.s32 $0x10, s31;
	v6 =	vadd.s32 $0xFFFFFFFE, v6  }
0xa3: {  	v57 =	vmov s0;
	vm2 =	vgt.s32 v6, $0x0;
	(erf) = vrcp.f32 v7  }
0xa4: {  	s0 =	sor.u32 $0x120, s30;
	v6 =	vnsel vm2, $0x0, v6;
	v7 =	vshll.u32 v57, $0x7  }
0xa5: {  	v58 =	vld [tilespmem:s0+$0x0];
	s0 =	sadd.s32 $0x20, s31;
	v6 =	vmin.u32 v6, $0x6F;
	v7 =	vadd.s32 v0, v7  }
0xa6: {  	v59 =	vmov s0;
	s0 =	sor.u32 $0x130, s30;
	v6 =	vor.u32 v7, v6  }
0xa7: {  	v10 =	vld [tilespmem:s0+$0x0];
	s0 =	sor.u32 $0x140, s30  }
0xa8: {  	v12 =	vld [tilespmem:s0+$0x0];
	s0 =	sadd.s32 $0x30, s31  }
0xa9: {  	v14 =	vmov s0;
	s0 =	sor.u32 $0x148, s30  }
0xaa: {  	v63 =	vld [tilespmem:s0+$0x0];
	v7 =	vshll.u32 v58, $0x1  }
0xab: {  	s0 =	sadd.s32 $0x40, s31;
	v5 =	vadd.f32 $-1.000000000e+00, v5;
	v7 =	vadd.s32 $0xFFFFFFFE, v7;
	v6 =	vld.idx.msk [tilespmem:v6+s19+$0x0], $0xffff  }
0xac: {  	v62 =	vshll.u32 v14, $0x7;
	v18 =	vmov s0;
	vm2 =	vgt.s32 v7, $0x0;
	v8 =	vpop (erf)  }
0xad: {  	v7 =	vnsel vm2, $0x0, v7;
	v5 =	vmul.f32 v8, v5;
	v8 =	vshll.u32 v59, $0x7  }
0xae: {  	s0 =	sadd.s32 $0x48, s31;
	v10 =	vshll.u32 v10, $0x1;
	v7 =	vmin.u32 v7, $0x6F;
	v8 =	vadd.s32 v0, v8  }
0xaf: {  	v19 =	vmov s0;
	v9 =	vmul.f32 v5, v5;
	v7 =	vor.u32 v8, v7  }
0xb0: {  	v10 =	vadd.s32 $0xFFFFFFFE, v10;
	v12 =	vshll.u32 v12, $0x1;
	v6 =	vadd.f32 $9.999999930e-09, v6  }
0xb1: {  	vm3 =	vgt.s32 v10, $0x0;
	v12 =	vadd.s32 $0xFFFFFFFE, v12;
	v11 =	vmul.f32 $2.222222240e-01, v9  }
0xb2: {  	v10 =	vnsel vm3, $0x0, v10;
	vm3 =	vgt.s32 v12, $0x0;
	v61 =	vand.u32 $0x7FFFFF, v6  }
0xb3: {  	v14 =	vshll.u32 v63, $0x1;
	v60 =	vadd.f32 $2.857142980e-01, v11;
	v11 =	vor.u32 $0x3F800000, v61  }
0xb4: {  	v10 =	vmin.u32 v10, $0x6F;
	v12 =	vnsel vm3, $0x0, v12;
	v13 =	vmul.f32 $5.000000000e-01, v11;
	v7 =	vld.idx.msk [tilespmem:v7+s19+$0x0], $0xffff  }
0xb5: {  	v14 =	vadd.s32 $0xFFFFFFFE, v14;
	v12 =	vmin.u32 v12, $0x6F;
	vm2 =	vgt.f32 v11, $1.414213540e+00  }
0xb6: {  	vm3 =	vgt.s32 v14, $0x0;
	v11 =	vsel vm2, v13, v11;
	v13 =	vadd.s32 v0, v62  }
0xb7: {  	v14 =	vnsel vm3, $0x0, v14;
	v15 =	vadd.f32 $1.000000000e+00, v11;
	v10 =	vor.u32 v13, v10  }
0xb8: {  	v14 =	vmin.u32 v14, $0x6F;
	v4 =	vshra.s32 v4, $0x17;
	v13 =	vshll.u32 v18, $0x7  }
0xb9: {  	v13 =	vadd.s32 v0, v13;
	(erf) = vrcp.f32 v15;
	v7 =	vadd.f32 $9.999999930e-09, v7  }
0xba: {  	v8 =	vmul.f32 v60, v9;
	v12 =	vor.u32 v13, v12;
	v13 =	vshll.u32 v19, $0x7  }
0xbb: {  	v4 =	vadd.s32 $0xFFFFFF81, v4;
	v13 =	vadd.s32 v0, v13;
	v20 =	vand.u32 $0x7FFFFF, v7  }
0xbc: {  	v8 =	vadd.f32 $4.000000060e-01, v8;
	v13 =	vor.u32 v13, v14;
	v10 =	vld.idx.msk [tilespmem:v10+s19+$0x0], $0xffff;
	v15 =	vor.u32 $0x3F800000, v20  }
0xbd: {  	v4 =	vcvt.s32.f32 v4;
	v16 =	vmul.f32 $5.000000000e-01, v15  }
0xbe: {  	v17 =	vsel vm1, $0x3F800000, v1;
	v8 =	vmul.f32 v8, v9;
	vm5 =	vgt.f32 v15, $1.414213540e+00  }
0xbf: {  	v4 =	vadd.f32 v4, v17;
	v21 =	vsel vm5, v16, v15  }
0xc0: {  	v8 =	vadd.f32 $6.666666860e-01, v8;
	v12 =	vld.idx.msk [tilespmem:v12+s19+$0x0], $0xffff;
	v16 =	vadd.f32 $1.000000000e+00, v21  }
0xc1: {  	v11 =	vadd.f32 $-1.000000000e+00, v11;
	v13 =	vld.idx.msk [tilespmem:v13+s19+$0x0], $0xffff;
	v10 =	vadd.f32 $9.999999930e-09, v10  }
0xc2: {  	v8 =	vmul.f32 v8, v9;
	v22 =	vpop (erf);
	(erf) = vrcp.f32 v16  }
0xc3: {  	v4 =	vmul.f32 $6.931471820e-01, v4;
	v11 =	vmul.f32 v22, v11;
	v23 =	vand.u32 $0x7FFFFF, v10  }
0xc4: {  	v8 =	vadd.f32 $2.000000000e+00, v8;
	v14 =	vadd.f32 $-1.000000000e+00, v21;
	v24 =	vor.u32 $0x3F800000, v23  }
0xc5: {  	v12 =	vadd.f32 $9.999999930e-09, v12;
	v25 =	vmul.f32 v11, v11;
	v26 =	vmul.f32 $5.000000000e-01, v24  }
0xc6: {  	v5 =	vmul.f32 v8, v5;
	vm3 =	vgt.f32 v24, $1.414213540e+00;
	v13 =	vadd.f32 $9.999999930e-09, v13  }
0xc7: {  	v28 =	vand.u32 $0x7FFFFF, v12;
	v18 =	vmul.f32 $2.222222240e-01, v25;
	v9 =	vsel vm3, v26, v24  }
0xc8: {  	v16 =	vor.u32 $0x3F800000, v28;
	v31 =	vand.u32 $0x7FFFFF, v13;
	v27 =	vadd.f32 $1.000000000e+00, v9  }
0xc9: {  	v29 =	vmul.f32 $5.000000000e-01, v16;
	v32 =	vor.u32 $0x3F800000, v31;
	v18 =	vadd.f32 $2.857142980e-01, v18  }
0xca: {  	vm4 =	vgt.f32 v16, $1.414213540e+00;
	v20 =	vmul.f32 $5.000000000e-01, v32;
	(erf) = vrcp.f32 v27  }
0xcb: {  	v21 =	vld [tilespmem:s30+$0x900];
	v8 =	vsel vm4, v29, v16;
	vm1 =	vgt.f32 v32, $1.414213540e+00;
	v30 =	vmul.f32 v18, v25;
	v33 =	vpop (erf)  }
0xcc: {  	v19 =	vadd.f32 $1.000000000e+00, v8;
	v16 =	vsel vm1, v20, v32;
	v14 =	vmul.f32 v33, v14  }
0xcd: {  	v34 =	vadd.f32 $1.000000000e+00, v16;
	v17 =	vadd.f32 $4.000000060e-01, v30  }
0xce: {  	v4 =	vadd.f32 v5, v4;
	(erf) = vrcp.f32 v19;
	v18 =	vmul.f32 v14, v14  }
0xcf: {  	(erf) = vrcp.f32 v34;
	v17 =	vmul.f32 v17, v25  }
0xd0: {  	v6 =	vshra.s32 v6, $0x17;
	v4 =	vmul.f32 v4, v21  }
0xd1: {  	v6 =	vadd.s32 $0xFFFFFF81, v6;
	v35 =	vmul.f32 $2.222222240e-01, v18;
	v5 =	vadd.f32 $6.666666860e-01, v17  }
0xd2: {  	v3 =	vadd.f32 v4, v3;
	v4 =	vcvt.s32.f32 v6;
	v9 =	vadd.f32 $-1.000000000e+00, v9  }
0xd3: {  	v38 =	vsel vm2, $0x3F800000, v1;
	v37 =	vadd.f32 $2.857142980e-01, v35;
	v36 =	vpop (erf);
	v5 =	vmul.f32 v5, v25  }
0xd4: {  	v4 =	vadd.f32 v4, v38;
	v9 =	vmul.f32 v36, v9  }
0xd5: {  	v39 =	vmul.f32 v37, v18;
	v5 =	vadd.f32 $2.000000000e+00, v5  }
0xd6: {  	v43 =	vld [tilespmem:s30+$0x910];
	v8 =	vadd.f32 $-1.000000000e+00, v8;
	v4 =	vmul.f32 $6.931471820e-01, v4;
	v40 =	vmul.f32 v9, v9  }
0xd7: {  	v16 =	vadd.f32 $-1.000000000e+00, v16;
	v42 =	vpop (erf);
	v6 =	vadd.f32 $4.000000060e-01, v39;
	v5 =	vmul.f32 v5, v11  }
0xd8: {  	v41 =	vsel vm5, $0x3F800000, v1;
	v8 =	vmul.f32 v42, v8;
	v46 =	vpop (erf);
	v44 =	vmul.f32 $2.222222240e-01, v40  }
0xd9: {  	v6 =	vmul.f32 v6, v18;
	v16 =	vmul.f32 v46, v16;
	v4 =	vadd.f32 v5, v4  }
0xda: {  	v45 =	vmul.f32 v8, v8;
	v5 =	vshra.s32 v7, $0x17;
	v11 =	vadd.f32 $2.857142980e-01, v44  }
0xdb: {  	v6 =	vadd.f32 $6.666666860e-01, v6;
	v48 =	vmul.f32 v16, v16;
	v4 =	vmul.f32 v4, v43  }
0xdc: {  	v5 =	vadd.s32 $0xFFFFFF81, v5;
	v47 =	vmul.f32 $2.222222240e-01, v45;
	v11 =	vmul.f32 v11, v40  }
0xdd: {  	v6 =	vmul.f32 v6, v18;
	v49 =	vmul.f32 $2.222222240e-01, v48;
	v3 =	vadd.f32 v4, v3  }
0xde: {  	v4 =	vcvt.s32.f32 v5;
	v5 =	vadd.f32 $2.857142980e-01, v47;
	v11 =	vadd.f32 $4.000000060e-01, v11  }
0xdf: {  	v10 =	vshra.s32 v10, $0x17;
	v6 =	vadd.f32 $2.000000000e+00, v6;
	v50 =	vadd.f32 $2.857142980e-01, v49  }
0xe0: {  	v2 =	vadd.f32 v21, v2;
	v5 =	vmul.f32 v5, v45;
	v11 =	vmul.f32 v11, v40  }
0xe1: {  	v4 =	vadd.f32 v4, v41;
	v6 =	vmul.f32 v6, v14;
	v14 =	vmul.f32 v50, v48  }
0xe2: {  	v10 =	vadd.s32 $0xFFFFFF81, v10;
	v5 =	vadd.f32 $4.000000060e-01, v5;
	v11 =	vadd.f32 $6.666666860e-01, v11  }
0xe3: {  	v51 =	vcvt.s32.f32 v10;
	v4 =	vmul.f32 $6.931471820e-01, v4;
	v14 =	vadd.f32 $4.000000060e-01, v14  }
0xe4: {  	v55 =	vshra.s32 v12, $0x17;
	v5 =	vmul.f32 v5, v45;
	v11 =	vmul.f32 v11, v40  }
0xe5: {  	v2 =	vadd.f32 v43, v2;
	v4 =	vadd.f32 v6, v4;
	v56 =	vmul.f32 v14, v48  }
0xe6: {  	v52 =	vsel vm3, $0x3F800000, v1;
	v5 =	vadd.f32 $6.666666860e-01, v5;
	v11 =	vadd.f32 $2.000000000e+00, v11  }
0xe7: {  	v54 =	vld [tilespmem:s30+$0x920];
	v13 =	vshra.s32 v13, $0x17;
	v6 =	vadd.f32 v51, v52;
	v12 =	vadd.f32 $6.666666860e-01, v56  }
0xe8: {  	v5 =	vmul.f32 v5, v45;
	v9 =	vmul.f32 v11, v9;
	v11 =	vadd.s32 $0xFFFFFF81, v55  }
0xe9: {  	v57 =	vld [tilespmem:s30+$0x930];
	v53 =	vsel vm4, $0x3F800000, v1;
	v6 =	vmul.f32 $6.931471820e-01, v6;
	v11 =	vcvt.s32.f32 v11  }
0xea: {  	v58 =	vadd.s32 $0xFFFFFF81, v13;
	v12 =	vmul.f32 v12, v48;
	v5 =	vadd.f32 $2.000000000e+00, v5  }
0xeb: {  	v6 =	vadd.f32 v9, v6;
	v9 =	vcvt.s32.f32 v58;
	v11 =	vadd.f32 v11, v53  }
0xec: {  	v59 =	vld [tilespmem:s30+$0x940];
	v60 =	vsel vm1, $0x3F800000, v1;
	v4 =	vmul.f32 v4, v54;
	v12 =	vadd.f32 $2.000000000e+00, v12  }
0xed: {  	v61 =	vld [tilespmem:s30+$0x948];
	v5 =	vmul.f32 v5, v8;
	v9 =	vadd.f32 v9, v60;
	v11 =	vmul.f32 $6.931471820e-01, v11  }
0xee: {  	v2 =	vadd.f32 v54, v2;
	v3 =	vadd.f32 v4, v3;
	v4 =	vmul.f32 v6, v57  }
0xef: {  	v62 =	vmul.f32 v12, v16;
	v9 =	vmul.f32 $6.931471820e-01, v9;
	v5 =	vadd.f32 v5, v11  }
0xf0: {  	p2 =	por p1, p1;
	v2 =	vadd.f32 v57, v2  }
.Ltmp1:
0xf1: {  	v3 =	vadd.f32 v4, v3;
	v4 =	vmul.f32 v5, v59;
	v5 =	vadd.f32 v62, v9;
	(pc) =	sbr.rel @p2 .LBB2_5-.Ltmp1, $3  }
0xf2: {  	v63 =	vsel vm0, $0x0, v61  }
0xf3: {  	v2 =	vadd.f32 v59, v2;
	v3 =	vadd.f32 v4, v3;
	v4 =	vmul.f32 v5, v63;
	_ =	sdelay $0x1  }
0xf4: {  	p1 =	por $0x0, $0x0;
	s31 =	simm.s32 $0x1;
	v2 =	vadd.f32 v63, v2;
	v3 =	vadd.f32 v4, v3  }
0xf5: {  	s0 =	simm.s32 @p0 $0x0;
	s30 =	simm.s32 @p0 $0x6800  }
0xf6: {  	[tilespmem:s30], [sflag:$0x2] =	stream.linear.gather @p0 [hbm4b:s10+s0], $0x5800, $0x38;
	[tilespmem:$0x17080] =	vst v63  }
0xf7: {  	_ =	swait.ge [sflag:s24], $0x5800  }
0xf8: {  	[sflag:s24] =	ssyncset.done $0x0  }
0xf9: {  	s31 =	simm.s32 $0x0;
	p1 =	por $0x1, $0x1;
	[sflag:s24] =	ssyncadd.s32 $0xFFFFA800  }
.LBB2_7:
0xfa: {  	s0 =	sshll.u32 s31, $0x7  }
0xfb: {  	s30 =	sor.u32 s29, s0  }
0xfc: {  	s0 =	sor.u32 $0x200, s30  }
0xfd: {  	v4 =	vld [tilespmem:s0+$0x0];
	_ =	sdelay $0x4  }
0xfe: {  	s31 =	smul.u32 $0x58, s31;
	v4 =	vshll.u32 v4, $0x1  }
0xff: {  	v4 =	vadd.s32 $0xFFFFFFFE, v4  }
0x100: {  	v5 =	vmov s31;
	vm1 =	vgt.s32 v4, $0x0  }
0x101: {  	v5 =	vshll.u32 v5, $0x7;
	v4 =	vnsel vm1, $0x0, v4  }
0x102: {  	v5 =	vadd.s32 v0, v5;
	v4 =	vmin.u32 v4, $0x6F  }
0x103: {  	v4 =	vor.u32 v5, v4;
	_ =	sdelay $0x4  }
0x104: {  	v4 =	vld.idx.msk [tilespmem:v4+s20+$0x0], $0xffff;
	_ =	sdelay $0x4  }
0x105: {  	v4 =	vadd.f32 $9.999999930e-09, v4  }
0x106: {  	s0 =	sor.u32 $0x210, s30  }
0x107: {  	v6 =	vld [tilespmem:s0+$0x0];
	v5 =	vand.u32 $0x7FFFFF, v4  }
0x108: {  	v5 =	vor.u32 $0x3F800000, v5  }
0x109: {  	v7 =	vmul.f32 $5.000000000e-01, v5  }
0x10a: {  	vm1 =	vgt.f32 v5, $1.414213540e+00  }
0x10b: {  	v5 =	vsel vm1, v7, v5  }
0x10c: {  	v6 =	vshll.u32 v6, $0x1;
	v7 =	vadd.f32 $1.000000000e+00, v5  }
0x10d: {  	s0 =	sadd.s32 $0x10, s31;
	v6 =	vadd.s32 $0xFFFFFFFE, v6  }
0x10e: {  	v57 =	vmov s0;
	vm2 =	vgt.s32 v6, $0x0;
	(erf) = vrcp.f32 v7  }
0x10f: {  	s0 =	sor.u32 $0x220, s30;
	v6 =	vnsel vm2, $0x0, v6;
	v7 =	vshll.u32 v57, $0x7  }
0x110: {  	v58 =	vld [tilespmem:s0+$0x0];
	s0 =	sadd.s32 $0x20, s31;
	v6 =	vmin.u32 v6, $0x6F;
	v7 =	vadd.s32 v0, v7  }
0x111: {  	v59 =	vmov s0;
	s0 =	sor.u32 $0x230, s30;
	v6 =	vor.u32 v7, v6  }
0x112: {  	v10 =	vld [tilespmem:s0+$0x0];
	s0 =	sor.u32 $0x240, s30  }
0x113: {  	v12 =	vld [tilespmem:s0+$0x0];
	s0 =	sadd.s32 $0x30, s31  }
0x114: {  	v14 =	vmov s0;
	s0 =	sor.u32 $0x248, s30  }
0x115: {  	v63 =	vld [tilespmem:s0+$0x0];
	v7 =	vshll.u32 v58, $0x1  }
0x116: {  	s0 =	sadd.s32 $0x40, s31;
	v5 =	vadd.f32 $-1.000000000e+00, v5;
	v7 =	vadd.s32 $0xFFFFFFFE, v7;
	v6 =	vld.idx.msk [tilespmem:v6+s20+$0x0], $0xffff  }
0x117: {  	v62 =	vshll.u32 v14, $0x7;
	v18 =	vmov s0;
	vm2 =	vgt.s32 v7, $0x0;
	v8 =	vpop (erf)  }
0x118: {  	v7 =	vnsel vm2, $0x0, v7;
	v5 =	vmul.f32 v8, v5;
	v8 =	vshll.u32 v59, $0x7  }
0x119: {  	s0 =	sadd.s32 $0x48, s31;
	v10 =	vshll.u32 v10, $0x1;
	v7 =	vmin.u32 v7, $0x6F;
	v8 =	vadd.s32 v0, v8  }
0x11a: {  	v19 =	vmov s0;
	v9 =	vmul.f32 v5, v5;
	v7 =	vor.u32 v8, v7  }
0x11b: {  	v10 =	vadd.s32 $0xFFFFFFFE, v10;
	v12 =	vshll.u32 v12, $0x1;
	v6 =	vadd.f32 $9.999999930e-09, v6  }
0x11c: {  	vm3 =	vgt.s32 v10, $0x0;
	v12 =	vadd.s32 $0xFFFFFFFE, v12;
	v11 =	vmul.f32 $2.222222240e-01, v9  }
0x11d: {  	v10 =	vnsel vm3, $0x0, v10;
	vm3 =	vgt.s32 v12, $0x0;
	v61 =	vand.u32 $0x7FFFFF, v6  }
0x11e: {  	v14 =	vshll.u32 v63, $0x1;
	v60 =	vadd.f32 $2.857142980e-01, v11;
	v11 =	vor.u32 $0x3F800000, v61  }
0x11f: {  	v10 =	vmin.u32 v10, $0x6F;
	v12 =	vnsel vm3, $0x0, v12;
	v13 =	vmul.f32 $5.000000000e-01, v11;
	v7 =	vld.idx.msk [tilespmem:v7+s20+$0x0], $0xffff  }
0x120: {  	v14 =	vadd.s32 $0xFFFFFFFE, v14;
	v12 =	vmin.u32 v12, $0x6F;
	vm2 =	vgt.f32 v11, $1.414213540e+00  }
0x121: {  	vm3 =	vgt.s32 v14, $0x0;
	v11 =	vsel vm2, v13, v11;
	v13 =	vadd.s32 v0, v62  }
0x122: {  	v14 =	vnsel vm3, $0x0, v14;
	v15 =	vadd.f32 $1.000000000e+00, v11;
	v10 =	vor.u32 v13, v10  }
0x123: {  	v14 =	vmin.u32 v14, $0x6F;
	v4 =	vshra.s32 v4, $0x17;
	v13 =	vshll.u32 v18, $0x7  }
0x124: {  	v13 =	vadd.s32 v0, v13;
	(erf) = vrcp.f32 v15;
	v7 =	vadd.f32 $9.999999930e-09, v7  }
0x125: {  	v8 =	vmul.f32 v60, v9;
	v12 =	vor.u32 v13, v12;
	v13 =	vshll.u32 v19, $0x7  }
0x126: {  	v4 =	vadd.s32 $0xFFFFFF81, v4;
	v13 =	vadd.s32 v0, v13;
	v20 =	vand.u32 $0x7FFFFF, v7  }
0x127: {  	v8 =	vadd.f32 $4.000000060e-01, v8;
	v13 =	vor.u32 v13, v14;
	v10 =	vld.idx.msk [tilespmem:v10+s20+$0x0], $0xffff;
	v15 =	vor.u32 $0x3F800000, v20  }
0x128: {  	v4 =	vcvt.s32.f32 v4;
	v16 =	vmul.f32 $5.000000000e-01, v15  }
0x129: {  	v17 =	vsel vm1, $0x3F800000, v1;
	v8 =	vmul.f32 v8, v9;
	vm5 =	vgt.f32 v15, $1.414213540e+00  }
0x12a: {  	v4 =	vadd.f32 v4, v17;
	v21 =	vsel vm5, v16, v15  }
0x12b: {  	v8 =	vadd.f32 $6.666666860e-01, v8;
	v12 =	vld.idx.msk [tilespmem:v12+s20+$0x0], $0xffff;
	v16 =	vadd.f32 $1.000000000e+00, v21  }
0x12c: {  	v11 =	vadd.f32 $-1.000000000e+00, v11;
	v13 =	vld.idx.msk [tilespmem:v13+s20+$0x0], $0xffff;
	v10 =	vadd.f32 $9.999999930e-09, v10  }
0x12d: {  	v8 =	vmul.f32 v8, v9;
	v22 =	vpop (erf);
	(erf) = vrcp.f32 v16  }
0x12e: {  	v4 =	vmul.f32 $6.931471820e-01, v4;
	v11 =	vmul.f32 v22, v11;
	v23 =	vand.u32 $0x7FFFFF, v10  }
0x12f: {  	v8 =	vadd.f32 $2.000000000e+00, v8;
	v14 =	vadd.f32 $-1.000000000e+00, v21;
	v24 =	vor.u32 $0x3F800000, v23  }
0x130: {  	v12 =	vadd.f32 $9.999999930e-09, v12;
	v25 =	vmul.f32 v11, v11;
	v26 =	vmul.f32 $5.000000000e-01, v24  }
0x131: {  	v5 =	vmul.f32 v8, v5;
	vm3 =	vgt.f32 v24, $1.414213540e+00;
	v13 =	vadd.f32 $9.999999930e-09, v13  }
0x132: {  	v28 =	vand.u32 $0x7FFFFF, v12;
	v18 =	vmul.f32 $2.222222240e-01, v25;
	v9 =	vsel vm3, v26, v24  }
0x133: {  	v16 =	vor.u32 $0x3F800000, v28;
	v31 =	vand.u32 $0x7FFFFF, v13;
	v27 =	vadd.f32 $1.000000000e+00, v9  }
0x134: {  	v29 =	vmul.f32 $5.000000000e-01, v16;
	v32 =	vor.u32 $0x3F800000, v31;
	v18 =	vadd.f32 $2.857142980e-01, v18  }
0x135: {  	vm4 =	vgt.f32 v16, $1.414213540e+00;
	v20 =	vmul.f32 $5.000000000e-01, v32;
	(erf) = vrcp.f32 v27  }
0x136: {  	v21 =	vld [tilespmem:s30+$0xA00];
	v8 =	vsel vm4, v29, v16;
	vm1 =	vgt.f32 v32, $1.414213540e+00;
	v30 =	vmul.f32 v18, v25;
	v33 =	vpop (erf)  }
0x137: {  	v19 =	vadd.f32 $1.000000000e+00, v8;
	v16 =	vsel vm1, v20, v32;
	v14 =	vmul.f32 v33, v14  }
0x138: {  	v34 =	vadd.f32 $1.000000000e+00, v16;
	v17 =	vadd.f32 $4.000000060e-01, v30  }
0x139: {  	v4 =	vadd.f32 v5, v4;
	(erf) = vrcp.f32 v19;
	v18 =	vmul.f32 v14, v14  }
0x13a: {  	(erf) = vrcp.f32 v34;
	v17 =	vmul.f32 v17, v25  }
0x13b: {  	v6 =	vshra.s32 v6, $0x17;
	v4 =	vmul.f32 v4, v21  }
0x13c: {  	v6 =	vadd.s32 $0xFFFFFF81, v6;
	v35 =	vmul.f32 $2.222222240e-01, v18;
	v5 =	vadd.f32 $6.666666860e-01, v17  }
0x13d: {  	v3 =	vadd.f32 v4, v3;
	v4 =	vcvt.s32.f32 v6;
	v9 =	vadd.f32 $-1.000000000e+00, v9  }
0x13e: {  	v38 =	vsel vm2, $0x3F800000, v1;
	v37 =	vadd.f32 $2.857142980e-01, v35;
	v36 =	vpop (erf);
	v5 =	vmul.f32 v5, v25  }
0x13f: {  	v4 =	vadd.f32 v4, v38;
	v9 =	vmul.f32 v36, v9  }
0x140: {  	v39 =	vmul.f32 v37, v18;
	v5 =	vadd.f32 $2.000000000e+00, v5  }
0x141: {  	v43 =	vld [tilespmem:s30+$0xA10];
	v8 =	vadd.f32 $-1.000000000e+00, v8;
	v4 =	vmul.f32 $6.931471820e-01, v4;
	v40 =	vmul.f32 v9, v9  }
0x142: {  	v16 =	vadd.f32 $-1.000000000e+00, v16;
	v42 =	vpop (erf);
	v6 =	vadd.f32 $4.000000060e-01, v39;
	v5 =	vmul.f32 v5, v11  }
0x143: {  	v41 =	vsel vm5, $0x3F800000, v1;
	v8 =	vmul.f32 v42, v8;
	v46 =	vpop (erf);
	v44 =	vmul.f32 $2.222222240e-01, v40  }
0x144: {  	v6 =	vmul.f32 v6, v18;
	v16 =	vmul.f32 v46, v16;
	v4 =	vadd.f32 v5, v4  }
0x145: {  	v45 =	vmul.f32 v8, v8;
	v5 =	vshra.s32 v7, $0x17;
	v11 =	vadd.f32 $2.857142980e-01, v44  }
0x146: {  	v6 =	vadd.f32 $6.666666860e-01, v6;
	v48 =	vmul.f32 v16, v16;
	v4 =	vmul.f32 v4, v43  }
0x147: {  	v5 =	vadd.s32 $0xFFFFFF81, v5;
	v47 =	vmul.f32 $2.222222240e-01, v45;
	v11 =	vmul.f32 v11, v40  }
0x148: {  	v6 =	vmul.f32 v6, v18;
	v49 =	vmul.f32 $2.222222240e-01, v48;
	v3 =	vadd.f32 v4, v3  }
0x149: {  	v4 =	vcvt.s32.f32 v5;
	v5 =	vadd.f32 $2.857142980e-01, v47;
	v11 =	vadd.f32 $4.000000060e-01, v11  }
0x14a: {  	v10 =	vshra.s32 v10, $0x17;
	v6 =	vadd.f32 $2.000000000e+00, v6;
	v50 =	vadd.f32 $2.857142980e-01, v49  }
0x14b: {  	v2 =	vadd.f32 v21, v2;
	v5 =	vmul.f32 v5, v45;
	v11 =	vmul.f32 v11, v40  }
0x14c: {  	v4 =	vadd.f32 v4, v41;
	v6 =	vmul.f32 v6, v14;
	v14 =	vmul.f32 v50, v48  }
0x14d: {  	v10 =	vadd.s32 $0xFFFFFF81, v10;
	v5 =	vadd.f32 $4.000000060e-01, v5;
	v11 =	vadd.f32 $6.666666860e-01, v11  }
0x14e: {  	v51 =	vcvt.s32.f32 v10;
	v4 =	vmul.f32 $6.931471820e-01, v4;
	v14 =	vadd.f32 $4.000000060e-01, v14  }
0x14f: {  	v55 =	vshra.s32 v12, $0x17;
	v5 =	vmul.f32 v5, v45;
	v11 =	vmul.f32 v11, v40  }
0x150: {  	v2 =	vadd.f32 v43, v2;
	v4 =	vadd.f32 v6, v4;
	v56 =	vmul.f32 v14, v48  }
0x151: {  	v52 =	vsel vm3, $0x3F800000, v1;
	v5 =	vadd.f32 $6.666666860e-01, v5;
	v11 =	vadd.f32 $2.000000000e+00, v11  }
0x152: {  	v54 =	vld [tilespmem:s30+$0xA20];
	v13 =	vshra.s32 v13, $0x17;
	v6 =	vadd.f32 v51, v52;
	v12 =	vadd.f32 $6.666666860e-01, v56  }
0x153: {  	v5 =	vmul.f32 v5, v45;
	v9 =	vmul.f32 v11, v9;
	v11 =	vadd.s32 $0xFFFFFF81, v55  }
0x154: {  	v57 =	vld [tilespmem:s30+$0xA30];
	v53 =	vsel vm4, $0x3F800000, v1;
	v6 =	vmul.f32 $6.931471820e-01, v6;
	v11 =	vcvt.s32.f32 v11  }
0x155: {  	v58 =	vadd.s32 $0xFFFFFF81, v13;
	v12 =	vmul.f32 v12, v48;
	v5 =	vadd.f32 $2.000000000e+00, v5  }
0x156: {  	v6 =	vadd.f32 v9, v6;
	v9 =	vcvt.s32.f32 v58;
	v11 =	vadd.f32 v11, v53  }
0x157: {  	v59 =	vld [tilespmem:s30+$0xA40];
	v60 =	vsel vm1, $0x3F800000, v1;
	v4 =	vmul.f32 v4, v54;
	v12 =	vadd.f32 $2.000000000e+00, v12  }
0x158: {  	v61 =	vld [tilespmem:s30+$0xA48];
	v5 =	vmul.f32 v5, v8;
	v9 =	vadd.f32 v9, v60;
	v11 =	vmul.f32 $6.931471820e-01, v11  }
0x159: {  	v2 =	vadd.f32 v54, v2;
	v3 =	vadd.f32 v4, v3;
	v4 =	vmul.f32 v6, v57  }
0x15a: {  	v62 =	vmul.f32 v12, v16;
	v9 =	vmul.f32 $6.931471820e-01, v9;
	v5 =	vadd.f32 v5, v11  }
0x15b: {  	p2 =	por p1, p1;
	v2 =	vadd.f32 v57, v2  }
.Ltmp2:
0x15c: {  	v3 =	vadd.f32 v4, v3;
	v4 =	vmul.f32 v5, v59;
	v5 =	vadd.f32 v62, v9;
	(pc) =	sbr.rel @p2 .LBB2_7-.Ltmp2, $3  }
0x15d: {  	v63 =	vsel vm0, $0x0, v61  }
0x15e: {  	v2 =	vadd.f32 v59, v2;
	v3 =	vadd.f32 v4, v3;
	v4 =	vmul.f32 v5, v63;
	_ =	sdelay $0x1  }
0x15f: {  	p1 =	por $0x0, $0x0;
	s31 =	simm.s32 $0x1;
	v2 =	vadd.f32 v63, v2;
	v3 =	vadd.f32 v4, v3  }
0x160: {  	s0 =	simm.s32 @p0 $0x0;
	s30 =	simm.s32 @p0 $0xC000  }
0x161: {  	[tilespmem:s30], [sflag:$0x3] =	stream.linear.gather @p0 [hbm4b:s11+s0], $0x5800, $0x38;
	[tilespmem:$0x17080] =	vst v63  }
0x162: {  	_ =	swait.ge [sflag:s25], $0x5800  }
0x163: {  	[sflag:s25] =	ssyncset.done $0x0  }
0x164: {  	s31 =	simm.s32 $0x0;
	p1 =	por $0x1, $0x1;
	[sflag:s25] =	ssyncadd.s32 $0xFFFFA800  }
.LBB2_9:
0x165: {  	s0 =	sshll.u32 s31, $0x7  }
0x166: {  	s30 =	sor.u32 s29, s0  }
0x167: {  	s0 =	sor.u32 $0x300, s30  }
0x168: {  	v4 =	vld [tilespmem:s0+$0x0];
	_ =	sdelay $0x4  }
0x169: {  	s31 =	smul.u32 $0x58, s31;
	v4 =	vshll.u32 v4, $0x1  }
0x16a: {  	v4 =	vadd.s32 $0xFFFFFFFE, v4  }
0x16b: {  	v5 =	vmov s31;
	vm1 =	vgt.s32 v4, $0x0  }
0x16c: {  	v5 =	vshll.u32 v5, $0x7;
	v4 =	vnsel vm1, $0x0, v4  }
0x16d: {  	v5 =	vadd.s32 v0, v5;
	v4 =	vmin.u32 v4, $0x6F  }
0x16e: {  	v4 =	vor.u32 v5, v4;
	_ =	sdelay $0x4  }
0x16f: {  	v4 =	vld.idx.msk [tilespmem:v4+s21+$0x0], $0xffff;
	_ =	sdelay $0x4  }
0x170: {  	v4 =	vadd.f32 $9.999999930e-09, v4  }
0x171: {  	s0 =	sor.u32 $0x310, s30  }
0x172: {  	v6 =	vld [tilespmem:s0+$0x0];
	v5 =	vand.u32 $0x7FFFFF, v4  }
0x173: {  	v5 =	vor.u32 $0x3F800000, v5  }
0x174: {  	v7 =	vmul.f32 $5.000000000e-01, v5  }
0x175: {  	vm1 =	vgt.f32 v5, $1.414213540e+00  }
0x176: {  	v5 =	vsel vm1, v7, v5  }
0x177: {  	v6 =	vshll.u32 v6, $0x1;
	v7 =	vadd.f32 $1.000000000e+00, v5  }
0x178: {  	s0 =	sadd.s32 $0x10, s31;
	v6 =	vadd.s32 $0xFFFFFFFE, v6  }
0x179: {  	v57 =	vmov s0;
	vm2 =	vgt.s32 v6, $0x0;
	(erf) = vrcp.f32 v7  }
0x17a: {  	s0 =	sor.u32 $0x320, s30;
	v6 =	vnsel vm2, $0x0, v6;
	v7 =	vshll.u32 v57, $0x7  }
0x17b: {  	v58 =	vld [tilespmem:s0+$0x0];
	s0 =	sadd.s32 $0x20, s31;
	v6 =	vmin.u32 v6, $0x6F;
	v7 =	vadd.s32 v0, v7  }
0x17c: {  	v59 =	vmov s0;
	s0 =	sor.u32 $0x330, s30;
	v6 =	vor.u32 v7, v6  }
0x17d: {  	v10 =	vld [tilespmem:s0+$0x0];
	s0 =	sor.u32 $0x340, s30  }
0x17e: {  	v12 =	vld [tilespmem:s0+$0x0];
	s0 =	sadd.s32 $0x30, s31  }
0x17f: {  	v14 =	vmov s0;
	s0 =	sor.u32 $0x348, s30  }
0x180: {  	v63 =	vld [tilespmem:s0+$0x0];
	v7 =	vshll.u32 v58, $0x1  }
0x181: {  	s0 =	sadd.s32 $0x40, s31;
	v5 =	vadd.f32 $-1.000000000e+00, v5;
	v7 =	vadd.s32 $0xFFFFFFFE, v7;
	v6 =	vld.idx.msk [tilespmem:v6+s21+$0x0], $0xffff  }
0x182: {  	v62 =	vshll.u32 v14, $0x7;
	v18 =	vmov s0;
	vm2 =	vgt.s32 v7, $0x0;
	v8 =	vpop (erf)  }
0x183: {  	v7 =	vnsel vm2, $0x0, v7;
	v5 =	vmul.f32 v8, v5;
	v8 =	vshll.u32 v59, $0x7  }
0x184: {  	s0 =	sadd.s32 $0x48, s31;
	v10 =	vshll.u32 v10, $0x1;
	v7 =	vmin.u32 v7, $0x6F;
	v8 =	vadd.s32 v0, v8  }
0x185: {  	v19 =	vmov s0;
	v9 =	vmul.f32 v5, v5;
	v7 =	vor.u32 v8, v7  }
0x186: {  	v10 =	vadd.s32 $0xFFFFFFFE, v10;
	v12 =	vshll.u32 v12, $0x1;
	v6 =	vadd.f32 $9.999999930e-09, v6  }
0x187: {  	vm3 =	vgt.s32 v10, $0x0;
	v12 =	vadd.s32 $0xFFFFFFFE, v12;
	v11 =	vmul.f32 $2.222222240e-01, v9  }
0x188: {  	v10 =	vnsel vm3, $0x0, v10;
	vm3 =	vgt.s32 v12, $0x0;
	v61 =	vand.u32 $0x7FFFFF, v6  }
0x189: {  	v14 =	vshll.u32 v63, $0x1;
	v60 =	vadd.f32 $2.857142980e-01, v11;
	v11 =	vor.u32 $0x3F800000, v61  }
0x18a: {  	v10 =	vmin.u32 v10, $0x6F;
	v12 =	vnsel vm3, $0x0, v12;
	v13 =	vmul.f32 $5.000000000e-01, v11;
	v7 =	vld.idx.msk [tilespmem:v7+s21+$0x0], $0xffff  }
0x18b: {  	v14 =	vadd.s32 $0xFFFFFFFE, v14;
	v12 =	vmin.u32 v12, $0x6F;
	vm2 =	vgt.f32 v11, $1.414213540e+00  }
0x18c: {  	vm3 =	vgt.s32 v14, $0x0;
	v11 =	vsel vm2, v13, v11;
	v13 =	vadd.s32 v0, v62  }
0x18d: {  	v14 =	vnsel vm3, $0x0, v14;
	v15 =	vadd.f32 $1.000000000e+00, v11;
	v10 =	vor.u32 v13, v10  }
0x18e: {  	v14 =	vmin.u32 v14, $0x6F;
	v4 =	vshra.s32 v4, $0x17;
	v13 =	vshll.u32 v18, $0x7  }
0x18f: {  	v13 =	vadd.s32 v0, v13;
	(erf) = vrcp.f32 v15;
	v7 =	vadd.f32 $9.999999930e-09, v7  }
0x190: {  	v8 =	vmul.f32 v60, v9;
	v12 =	vor.u32 v13, v12;
	v13 =	vshll.u32 v19, $0x7  }
0x191: {  	v4 =	vadd.s32 $0xFFFFFF81, v4;
	v13 =	vadd.s32 v0, v13;
	v20 =	vand.u32 $0x7FFFFF, v7  }
0x192: {  	v8 =	vadd.f32 $4.000000060e-01, v8;
	v13 =	vor.u32 v13, v14;
	v10 =	vld.idx.msk [tilespmem:v10+s21+$0x0], $0xffff;
	v15 =	vor.u32 $0x3F800000, v20  }
0x193: {  	v4 =	vcvt.s32.f32 v4;
	v16 =	vmul.f32 $5.000000000e-01, v15  }
0x194: {  	v17 =	vsel vm1, $0x3F800000, v1;
	v8 =	vmul.f32 v8, v9;
	vm5 =	vgt.f32 v15, $1.414213540e+00  }
0x195: {  	v4 =	vadd.f32 v4, v17;
	v21 =	vsel vm5, v16, v15  }
0x196: {  	v8 =	vadd.f32 $6.666666860e-01, v8;
	v12 =	vld.idx.msk [tilespmem:v12+s21+$0x0], $0xffff;
	v16 =	vadd.f32 $1.000000000e+00, v21  }
0x197: {  	v11 =	vadd.f32 $-1.000000000e+00, v11;
	v13 =	vld.idx.msk [tilespmem:v13+s21+$0x0], $0xffff;
	v10 =	vadd.f32 $9.999999930e-09, v10  }
0x198: {  	v8 =	vmul.f32 v8, v9;
	v22 =	vpop (erf);
	(erf) = vrcp.f32 v16  }
0x199: {  	v4 =	vmul.f32 $6.931471820e-01, v4;
	v11 =	vmul.f32 v22, v11;
	v23 =	vand.u32 $0x7FFFFF, v10  }
0x19a: {  	v8 =	vadd.f32 $2.000000000e+00, v8;
	v14 =	vadd.f32 $-1.000000000e+00, v21;
	v24 =	vor.u32 $0x3F800000, v23  }
0x19b: {  	v12 =	vadd.f32 $9.999999930e-09, v12;
	v25 =	vmul.f32 v11, v11;
	v26 =	vmul.f32 $5.000000000e-01, v24  }
0x19c: {  	v5 =	vmul.f32 v8, v5;
	vm3 =	vgt.f32 v24, $1.414213540e+00;
	v13 =	vadd.f32 $9.999999930e-09, v13  }
0x19d: {  	v28 =	vand.u32 $0x7FFFFF, v12;
	v18 =	vmul.f32 $2.222222240e-01, v25;
	v9 =	vsel vm3, v26, v24  }
0x19e: {  	v16 =	vor.u32 $0x3F800000, v28;
	v31 =	vand.u32 $0x7FFFFF, v13;
	v27 =	vadd.f32 $1.000000000e+00, v9  }
0x19f: {  	v29 =	vmul.f32 $5.000000000e-01, v16;
	v32 =	vor.u32 $0x3F800000, v31;
	v18 =	vadd.f32 $2.857142980e-01, v18  }
0x1a0: {  	vm4 =	vgt.f32 v16, $1.414213540e+00;
	v20 =	vmul.f32 $5.000000000e-01, v32;
	(erf) = vrcp.f32 v27  }
0x1a1: {  	v21 =	vld [tilespmem:s30+$0xB00];
	v8 =	vsel vm4, v29, v16;
	vm1 =	vgt.f32 v32, $1.414213540e+00;
	v30 =	vmul.f32 v18, v25;
	v33 =	vpop (erf)  }
0x1a2: {  	v19 =	vadd.f32 $1.000000000e+00, v8;
	v16 =	vsel vm1, v20, v32;
	v14 =	vmul.f32 v33, v14  }
0x1a3: {  	v34 =	vadd.f32 $1.000000000e+00, v16;
	v17 =	vadd.f32 $4.000000060e-01, v30  }
0x1a4: {  	v4 =	vadd.f32 v5, v4;
	(erf) = vrcp.f32 v19;
	v18 =	vmul.f32 v14, v14  }
0x1a5: {  	(erf) = vrcp.f32 v34;
	v17 =	vmul.f32 v17, v25  }
0x1a6: {  	v6 =	vshra.s32 v6, $0x17;
	v4 =	vmul.f32 v4, v21  }
0x1a7: {  	v6 =	vadd.s32 $0xFFFFFF81, v6;
	v35 =	vmul.f32 $2.222222240e-01, v18;
	v5 =	vadd.f32 $6.666666860e-01, v17  }
0x1a8: {  	v3 =	vadd.f32 v4, v3;
	v4 =	vcvt.s32.f32 v6;
	v9 =	vadd.f32 $-1.000000000e+00, v9  }
0x1a9: {  	v38 =	vsel vm2, $0x3F800000, v1;
	v37 =	vadd.f32 $2.857142980e-01, v35;
	v36 =	vpop (erf);
	v5 =	vmul.f32 v5, v25  }
0x1aa: {  	v4 =	vadd.f32 v4, v38;
	v9 =	vmul.f32 v36, v9  }
0x1ab: {  	v39 =	vmul.f32 v37, v18;
	v5 =	vadd.f32 $2.000000000e+00, v5  }
0x1ac: {  	v43 =	vld [tilespmem:s30+$0xB10];
	v8 =	vadd.f32 $-1.000000000e+00, v8;
	v4 =	vmul.f32 $6.931471820e-01, v4;
	v40 =	vmul.f32 v9, v9  }
0x1ad: {  	v16 =	vadd.f32 $-1.000000000e+00, v16;
	v42 =	vpop (erf);
	v6 =	vadd.f32 $4.000000060e-01, v39;
	v5 =	vmul.f32 v5, v11  }
0x1ae: {  	v41 =	vsel vm5, $0x3F800000, v1;
	v8 =	vmul.f32 v42, v8;
	v46 =	vpop (erf);
	v44 =	vmul.f32 $2.222222240e-01, v40  }
0x1af: {  	v6 =	vmul.f32 v6, v18;
	v16 =	vmul.f32 v46, v16;
	v4 =	vadd.f32 v5, v4  }
0x1b0: {  	v45 =	vmul.f32 v8, v8;
	v5 =	vshra.s32 v7, $0x17;
	v11 =	vadd.f32 $2.857142980e-01, v44  }
0x1b1: {  	v6 =	vadd.f32 $6.666666860e-01, v6;
	v48 =	vmul.f32 v16, v16;
	v4 =	vmul.f32 v4, v43  }
0x1b2: {  	v5 =	vadd.s32 $0xFFFFFF81, v5;
	v47 =	vmul.f32 $2.222222240e-01, v45;
	v11 =	vmul.f32 v11, v40  }
0x1b3: {  	v6 =	vmul.f32 v6, v18;
	v49 =	vmul.f32 $2.222222240e-01, v48;
	v3 =	vadd.f32 v4, v3  }
0x1b4: {  	v4 =	vcvt.s32.f32 v5;
	v5 =	vadd.f32 $2.857142980e-01, v47;
	v11 =	vadd.f32 $4.000000060e-01, v11  }
0x1b5: {  	v10 =	vshra.s32 v10, $0x17;
	v6 =	vadd.f32 $2.000000000e+00, v6;
	v50 =	vadd.f32 $2.857142980e-01, v49  }
0x1b6: {  	v2 =	vadd.f32 v21, v2;
	v5 =	vmul.f32 v5, v45;
	v11 =	vmul.f32 v11, v40  }
0x1b7: {  	v4 =	vadd.f32 v4, v41;
	v6 =	vmul.f32 v6, v14;
	v14 =	vmul.f32 v50, v48  }
0x1b8: {  	v10 =	vadd.s32 $0xFFFFFF81, v10;
	v5 =	vadd.f32 $4.000000060e-01, v5;
	v11 =	vadd.f32 $6.666666860e-01, v11  }
0x1b9: {  	v51 =	vcvt.s32.f32 v10;
	v4 =	vmul.f32 $6.931471820e-01, v4;
	v14 =	vadd.f32 $4.000000060e-01, v14  }
0x1ba: {  	v55 =	vshra.s32 v12, $0x17;
	v5 =	vmul.f32 v5, v45;
	v11 =	vmul.f32 v11, v40  }
0x1bb: {  	v2 =	vadd.f32 v43, v2;
	v4 =	vadd.f32 v6, v4;
	v56 =	vmul.f32 v14, v48  }
0x1bc: {  	v52 =	vsel vm3, $0x3F800000, v1;
	v5 =	vadd.f32 $6.666666860e-01, v5;
	v11 =	vadd.f32 $2.000000000e+00, v11  }
0x1bd: {  	v54 =	vld [tilespmem:s30+$0xB20];
	v13 =	vshra.s32 v13, $0x17;
	v6 =	vadd.f32 v51, v52;
	v12 =	vadd.f32 $6.666666860e-01, v56  }
0x1be: {  	v5 =	vmul.f32 v5, v45;
	v9 =	vmul.f32 v11, v9;
	v11 =	vadd.s32 $0xFFFFFF81, v55  }
0x1bf: {  	v57 =	vld [tilespmem:s30+$0xB30];
	v53 =	vsel vm4, $0x3F800000, v1;
	v6 =	vmul.f32 $6.931471820e-01, v6;
	v11 =	vcvt.s32.f32 v11  }
0x1c0: {  	v58 =	vadd.s32 $0xFFFFFF81, v13;
	v12 =	vmul.f32 v12, v48;
	v5 =	vadd.f32 $2.000000000e+00, v5  }
0x1c1: {  	v6 =	vadd.f32 v9, v6;
	v9 =	vcvt.s32.f32 v58;
	v11 =	vadd.f32 v11, v53  }
0x1c2: {  	v59 =	vld [tilespmem:s30+$0xB40];
	v60 =	vsel vm1, $0x3F800000, v1;
	v4 =	vmul.f32 v4, v54;
	v12 =	vadd.f32 $2.000000000e+00, v12  }
0x1c3: {  	v61 =	vld [tilespmem:s30+$0xB48];
	v5 =	vmul.f32 v5, v8;
	v9 =	vadd.f32 v9, v60;
	v11 =	vmul.f32 $6.931471820e-01, v11  }
0x1c4: {  	v2 =	vadd.f32 v54, v2;
	v3 =	vadd.f32 v4, v3;
	v4 =	vmul.f32 v6, v57  }
0x1c5: {  	v62 =	vmul.f32 v12, v16;
	v9 =	vmul.f32 $6.931471820e-01, v9;
	v5 =	vadd.f32 v5, v11  }
0x1c6: {  	p2 =	por p1, p1;
	v2 =	vadd.f32 v57, v2  }
.Ltmp3:
0x1c7: {  	v3 =	vadd.f32 v4, v3;
	v4 =	vmul.f32 v5, v59;
	v5 =	vadd.f32 v62, v9;
	(pc) =	sbr.rel @p2 .LBB2_9-.Ltmp3, $3  }
0x1c8: {  	v63 =	vsel vm0, $0x0, v61  }
0x1c9: {  	v2 =	vadd.f32 v59, v2;
	v3 =	vadd.f32 v4, v3;
	v4 =	vmul.f32 v5, v63;
	_ =	sdelay $0x1  }
0x1ca: {  	p1 =	por $0x0, $0x0;
	s31 =	simm.s32 $0x1;
	v2 =	vadd.f32 v63, v2;
	v3 =	vadd.f32 v4, v3  }
.Ltmp4:
0x1cb: {  	(pc) =	sbr.rel @p0 .LBB2_2-.Ltmp4, $2  }
0x1cc: {  	_ =	sdelay $0x2  }
0x1cd: {  	s29 =	simm.s32 $0x400;
	p1 =	por $0x0, $0x0;
	s30 =	smov.u32 s13  }
0x1ce: {  	[tilespmem:$0x17000] =	vst v3  }
0x1cf: {  	[hbm4b:s12+s2] =	stream.linear.scatter [tilespmem:s26], [sflag:$0x5], $0x80, $0x38;
	[tilespmem:$0x17080] =	vst v63  }
0x1d0: {  	_ =	swait.ge [sflag:s16], $0x80  }
0x1d1: {  	s28 =	sadd.s32 $0x1, s28;
	[sflag:s16] =	ssyncset.done $0x0  }
0x1d2: {  	p0 =	sne.s32 s28, s15;
	[sflag:s16] =	ssyncadd.s32 $0xFFFFFF80  }
.Ltmp5:
0x1d3: {  	[tilespmem:$0x17000] =	vst v2;
	(pc) =	sbr.rel @p0 .LBB2_1-.Ltmp5, $4  }
0x1d4: {  	[hbm4b:s14+s2] =	stream.linear.scatter [tilespmem:s26], [sflag:$0x5], $0x80, $0x38;
	[tilespmem:$0x17080] =	vst v63  }
0x1d5: {  	_ =	swait.ge [sflag:s16], $0x80  }
0x1d6: {  	[sflag:s16] =	ssyncset.done $0x0  }
0x1d7: {  	[sflag:s16] =	ssyncadd.s32 $0xFFFFFF80  }
0x1d8: {  	_ =	sfence.sel $0x180000  }
0x1d9: {  	[bflag:$0x0] =	sbarrier.arrive $0xFFFF  }
0x1da: {  	_ =	strace $0x90000047  }
0x1db: {  	[bflag:$0x2] =	sbarrier.arrive $0xFFFF  }
0x1dc: {  	p0 =	sne.s32 s1, $0x0;
	s0 =	rddreg [dreg:$0x4]  }
0x1dd: {  	s0 =	sadd.s32 @!p0 $0x100000, s0  }
0x1de: {  	[sflag:s0] =	ssyncadd.tile.s32 @!p0 $0x1;
	_ =	shalt  }
.Lfunc_end2:
_tile_overlayer_lowered:
.L_overlay_start_2:
0x1df: {  	(tag) =	ssettag $0x2  }
0x1e0: {  	s0 =	rddreg [dreg:$0x0];
	s2 =	stileid.u32  }
0x1e1: {  	s1 =	rddreg [dreg:$0x1];
	p0 =	sne.s32 s2, $0x0  }
0x1e2: {  	s3 =	rddreg [dreg:$0x2];
	[bflag:$0x3] =	sbarrier.arrive $0xFFFF;
	s2 =	simm.s32 @!p0 $0x1C05  }
0x1e3: {  	[timem:s3], [sflag:s2] =	dma.local @!p0 [hbm:s0], s1  }
0x1e4: {  	s0 =	simm.s32 @!p0 $0x5  }
0x1e5: {  	_ =	swait.ge @!p0 [sflag:s0], s1  }
0x1e6: {  	s1 =	ssub.s32 @!p0 $0x0, s1;
	[sflag:s0] =	ssyncset.done @!p0 $0x0  }
0x1e7: {  	[sflag:s0] =	ssyncadd.s32 @!p0 s1  }
0x1e8: {  	[bflag:$0x3] =	sbarrier.arrive $0xFFFF  }
0x1e9: {  	_ =	shalt  }

</sc_bundles>
